<compile_context>
chip_gen: v7x
topology: tpu7x:2x2x1
jax: 0.10.2.dev20260603
libtpu: 0.0.44.dev20260713+nightly
codegen_flags: <defaults>
</compile_context>

<pallas_src>
import functools
import jax
import jax.numpy as jnp
from jax import lax
from jax.experimental import pallas as pl
from jax.experimental.pallas import tpu as pltpu
from jax.experimental.pallas import tpu_sc as plsc

N = 10000
E = 320000
NFEAT = 128
NHID = 8
NHEADS = 8
NCLASS = 40
NEG_SLOPE = 0.2

NPAD = 10112
ROWS_PER_TILE = NPAD // 16
NC = 2
NS = 16
NW = NC * NS
CH = 128
NCHW = 80
EPAD = NW * NCHW * CH
IDXROWS = EPAD // CH
NCH0_L1 = 120
NCH0_L2 = 104
BRPT = 1264

D1 = 80
D2 = 48

_f32 = jnp.float32
_i32 = jnp.int32



def _tc_stage_a(x_ref, w_ref, t1_ref, ad_ref):
    r = jnp.dot(x_ref[...], w_ref[...], preferred_element_type=_f32)
    t1_ref[...] = r[:, :D1]
    ad_ref[...] = r[:, D1:D1 + 8]


def _tc_stage_c(part_ref, k8_ref, b1_ref, w2_ref, t2_ref, ad_ref):
    p = part_ref[0] + part_ref[1]
    denom = p[:, 64:72]
    rec = jnp.where(denom > 0.0, 1.0 / denom, 0.0)
    rep = jnp.dot(rec, k8_ref[...], preferred_element_type=_f32)
    hn = p[:, :64] * rep + b1_ref[...]
    t = jnp.where(hn > 0.0, hn, jnp.exp(hn) - 1.0)
    r2 = jnp.dot(t, w2_ref[...], preferred_element_type=_f32)
    t2_ref[...] = r2[:, :D2]
    ad_ref[...] = r2[:, D2:D2 + 8]


def _tc_stage_d(part_ref, b2_ref, out_ref):
    p = part_ref[0] + part_ref[1]
    denom = p[:, 40:41]
    rec = jnp.where(denom > 0.0, 1.0 / denom, 0.0)
    z = p[:, :NCLASS] * rec + b2_ref[...]
    m = jnp.max(z, axis=1, keepdims=True)
    lse = jnp.log(jnp.sum(jnp.exp(z - m), axis=1, keepdims=True)) + m
    out_ref[...] = z - lse



def _zero_buf(buf, rows, width):
    zeros16 = jnp.zeros((16,), _f32)
    ngroups = width // 16

    def body(g, _):
        r = g // ngroups
        c = 16 * (g - r * ngroups)
        buf[r, pl.ds(c, 16)] = zeros16
        return 0

    lax.fori_loop(0, rows * ngroups, body, 0)


def _dump_acc(acc, dump, part, cid, sid):
    r0 = sid * ROWS_PER_TILE
    pltpu.sync_copy(acc.at[pl.ds(r0, ROWS_PER_TILE)], dump)
    pltpu.sync_copy(dump, part.at[cid, pl.ds(r0, ROWS_PER_TILE)])


def _edge_phase(table_hbm, ad_hbm, idx_hbm, part_hbm,
                idx0, idx1, buf0, buf1, ad0, ad1, dump_v, acc_sh,
                gsem0, gsem1, width, compute_fn, nch0):
    cid = lax.axis_index("c")
    sid = lax.axis_index("s")

    _zero_buf(dump_v, ROWS_PER_TILE, width)
    pltpu.sync_copy(dump_v, acc_sh.at[pl.ds(sid * ROWS_PER_TILE,
                                            ROWS_PER_TILE)])
    plsc.subcore_barrier()

    nch1 = 2 * NCHW - nch0
    row0 = jnp.where(cid == 0, sid * nch0, NS * nch0 + sid * nch1)
    nch = jnp.where(cid == 0, nch0, nch1)
    banks = ((idx0, buf0, ad0, gsem0), (idx1, buf1, ad1, gsem1))

    pltpu.sync_copy(idx_hbm.at[row0], idx0)
    pltpu.async_copy(table_hbm.at[idx0.at[0]], buf0, gsem0)
    pltpu.async_copy(ad_hbm.at[idx0.at[1]], ad0, gsem0)

    def pair_body(i, _):
        for b in (0, 1):
            g = 2 * i + b
            idxc, bufc, adc, semc = banks[b]
            idxn, bufn, adn, semn = banks[1 - b]
            pltpu.make_async_copy(table_hbm.at[idxc.at[0]], bufc, semc).wait()
            pltpu.make_async_copy(ad_hbm.at[idxc.at[1]], adc, semc).wait()

            @pl.when(g < nch - 1)
            def _():
                pltpu.sync_copy(idx_hbm.at[row0 + g + 1], idxn)
                pltpu.async_copy(table_hbm.at[idxn.at[0]], bufn, semn)
                pltpu.async_copy(ad_hbm.at[idxn.at[1]], adn, semn)

            compute_fn(bufc, adc)
            pltpu.sync_copy(bufc, acc_sh.at[idxc.at[1]], add=True)
        return 0

    lax.fori_loop(0, nch // 2, pair_body, 0)

    plsc.subcore_barrier()
    _dump_acc(acc_sh, dump_v, part_hbm, cid, sid)


def _compute_l1(buf_v, adbuf_v):
    iota = lax.iota(_i32, 16)
    hi8 = iota >> 3
    lo8 = iota & 7

    def _att(i, _):
        r = 2 * i + hi8
        a_s = plsc.load_gather(buf_v, [r, 64 + lo8])
        a_d = plsc.load_gather(adbuf_v, [r, lo8])
        e = a_s + a_d
        e = jnp.where(e >= 0.0, e, NEG_SLOPE * e)
        plsc.store_scatter(buf_v, [r, 64 + lo8], jnp.exp(e))
        return 0

    lax.fori_loop(0, CH // 2, _att, 0)

    def _msg(e, _):
        exs = buf_v[e, pl.ds(64, 16)]
        for jj in range(4):
            mult = exs.at[2 * jj + hi8].get(mode="promise_in_bounds")
            col0 = 16 * jj
            buf_v[e, pl.ds(col0, 16)] = buf_v[e, pl.ds(col0, 16)] * mult
        return 0

    lax.fori_loop(0, CH, _msg, 0)


def _compute_l2(buf_v, adbuf_v):
    iota = lax.iota(_i32, 16)

    def _att(i, _):
        e_idx = 16 * i + iota
        a_s = plsc.load_gather(buf_v, [e_idx, jnp.full((16,), 41, _i32)])
        a_d = plsc.load_gather(adbuf_v, [e_idx, jnp.zeros((16,), _i32)])
        e = a_s + a_d
        e = jnp.where(e >= 0.0, e, NEG_SLOPE * e)
        plsc.store_scatter(buf_v, [e_idx, jnp.full((16,), 40, _i32)],
                           jnp.exp(e))
        return 0

    lax.fori_loop(0, CH // 16, _att, 0)

    eight = jnp.full((16,), 8, _i32)

    def _msg(e, _):
        grp2 = buf_v[e, pl.ds(32, 16)]
        ex = grp2.at[eight].get(mode="promise_in_bounds")
        buf_v[e, pl.ds(0, 16)] = buf_v[e, pl.ds(0, 16)] * ex
        buf_v[e, pl.ds(16, 16)] = buf_v[e, pl.ds(16, 16)] * ex
        mult2 = jnp.where(iota < 8, ex, 1.0)
        buf_v[e, pl.ds(32, 16)] = grp2 * mult2
        return 0

    lax.fori_loop(0, CH, _msg, 0)


def _sc_layer1(t1_hbm, ad_hbm, idx_hbm, part_hbm, *rest):
    _edge_phase(t1_hbm, ad_hbm, idx_hbm, part_hbm, *rest,
                width=D1, compute_fn=_compute_l1, nch0=NCH0_L1)


def _sc_layer2(t2_hbm, ad_hbm, idx_hbm, part_hbm, *rest):
    _edge_phase(t2_hbm, ad_hbm, idx_hbm, part_hbm, *rest,
                width=D2, compute_fn=_compute_l2, nch0=NCH0_L2)


def _edge_pass(layer_body, width, table, adtable, srcdst):
    mesh = plsc.VectorSubcoreMesh(core_axis_name="c", subcore_axis_name="s",
                                  num_cores=NC, num_subcores=NS)
    f = pl.kernel(
        layer_body,
        out_type=jax.ShapeDtypeStruct((NC, NPAD, width), _f32),
        mesh=mesh,
        scratch_types=[
            pltpu.VMEM((2, CH), _i32),
            pltpu.VMEM((2, CH), _i32),
            pltpu.VMEM((CH, width), _f32),
            pltpu.VMEM((CH, width), _f32),
            pltpu.VMEM((CH, 8), _f32),
            pltpu.VMEM((CH, 8), _f32),
            pltpu.VMEM((ROWS_PER_TILE, width), _f32),
            pltpu.VMEM_SHARED((NPAD, width), _f32),
            pltpu.SemaphoreType.DMA,
            pltpu.SemaphoreType.DMA,
        ],
        compiler_params=pltpu.CompilerParams(needs_layout_passes=False,
                                             use_tc_tiling_on_sc=False),
    )
    return f(table, adtable, srcdst)



@jax.jit
def kernel(x, edge_index, W1, a_src1, a_dst1, b1, W2, a_src2, a_dst2, b2):
    eye8 = jnp.eye(NHEADS, dtype=_f32)
    s_src = (eye8[:, None, :] * a_src1[:, :, None]).reshape(64, 8)
    s_dst = (eye8[:, None, :] * a_dst1[:, :, None]).reshape(64, 8)
    wfull = jnp.concatenate(
        [W1, W1 @ s_src, jnp.zeros((NFEAT, 8), _f32), W1 @ s_dst], axis=1)
    v_s2 = (W2 @ a_src2[0][:, None])
    v_d2 = (W2 @ a_dst2[0][:, None])
    z1 = jnp.zeros((64, 1), _f32)
    w2full = jnp.concatenate(
        [W2, z1, v_s2, jnp.tile(z1, (1, 6)), v_d2, jnp.tile(z1, (1, 7))],
        axis=1)
    k8 = (eye8[:, :, None] * jnp.ones((1, 1, 8), _f32)).reshape(8, 64)
    b1row = b1.reshape(1, 64)
    b2row = b2.reshape(1, NCLASS)

    xp = jnp.zeros((NPAD, NFEAT), _f32).at[:N].set(x)
    pad_ids = jnp.full((EPAD - E,), NPAD - 1, _i32)
    srcp = jnp.concatenate([edge_index[0], pad_ids]).reshape(IDXROWS, 1, CH)
    dstp = jnp.concatenate([edge_index[1], pad_ids]).reshape(IDXROWS, 1, CH)
    srcdst = jnp.concatenate([srcp, dstp], axis=1)

    nblk = NPAD // BRPT

    t1, ad1 = pl.pallas_call(
        _tc_stage_a,
        grid=(nblk,),
        in_specs=[
            pl.BlockSpec((BRPT, NFEAT), lambda i: (i, 0)),
            pl.BlockSpec((NFEAT, 88), lambda i: (0, 0)),
        ],
        out_specs=[
            pl.BlockSpec((BRPT, D1), lambda i: (i, 0)),
            pl.BlockSpec((BRPT, 8), lambda i: (i, 0)),
        ],
        out_shape=[
            jax.ShapeDtypeStruct((NPAD, D1), _f32),
            jax.ShapeDtypeStruct((NPAD, 8), _f32),
        ],
    )(xp, wfull)

    part1 = _edge_pass(_sc_layer1, D1, t1, ad1, srcdst)

    t2, ad2 = pl.pallas_call(
        _tc_stage_c,
        grid=(nblk,),
        in_specs=[
            pl.BlockSpec((NC, BRPT, D1), lambda i: (0, i, 0)),
            pl.BlockSpec((8, 64), lambda i: (0, 0)),
            pl.BlockSpec((1, 64), lambda i: (0, 0)),
            pl.BlockSpec((64, 56), lambda i: (0, 0)),
        ],
        out_specs=[
            pl.BlockSpec((BRPT, D2), lambda i: (i, 0)),
            pl.BlockSpec((BRPT, 8), lambda i: (i, 0)),
        ],
        out_shape=[
            jax.ShapeDtypeStruct((NPAD, D2), _f32),
            jax.ShapeDtypeStruct((NPAD, 8), _f32),
        ],
    )(part1, k8, b1row, w2full)

    part2 = _edge_pass(_sc_layer2, D2, t2, ad2, srcdst)

    out = pl.pallas_call(
        _tc_stage_d,
        grid=(nblk,),
        in_specs=[
            pl.BlockSpec((NC, BRPT, D2), lambda i: (0, i, 0)),
            pl.BlockSpec((1, NCLASS), lambda i: (0, 0)),
        ],
        out_specs=pl.BlockSpec((BRPT, NCLASS), lambda i: (i, 0)),
        out_shape=jax.ShapeDtypeStruct((NPAD, NCLASS), _f32),
    )(part2, b2row)

    return out[:N]

# --- scband reference (transcript-rebuilt; emitter-appended) ---
"""Pipeline reference for scband-gat-30846455120748 (READ-ONLY COPY).

The authoritative reference and input builder live on the scoring server;
editing this copy changes nothing except your own understanding.
"""

import jax, jax.numpy as jnp
import numpy as np

N = 10000
E = 320000
NFEAT = 128
NHID = 8
NHEADS = 8
NCLASS = 40
ELU_ALPHA = 1.0
NEG_SLOPE = 0.2


def setup_inputs(seed: int = 0) -> dict:
    key = jax.random.key(seed)
    ks = jax.random.split(key, 12)
    x = jax.random.normal(ks[0], (N, NFEAT), dtype=jnp.float32)
    edge_index = jax.random.randint(ks[1], (2, E), 0, N, dtype=jnp.int32)
    s1 = 1.0 / np.sqrt(NFEAT)
    s2 = 1.0 / np.sqrt(NHEADS * NHID)
    W1 = jax.random.normal(ks[2], (NFEAT, NHEADS * NHID), dtype=jnp.float32) * s1
    a_src1 = jax.random.normal(ks[3], (NHEADS, NHID), dtype=jnp.float32) * s2
    a_dst1 = jax.random.normal(ks[4], (NHEADS, NHID), dtype=jnp.float32) * s2
    b1 = jnp.zeros((NHEADS * NHID,), dtype=jnp.float32)
    W2 = jax.random.normal(ks[5], (NHEADS * NHID, 1 * NCLASS), dtype=jnp.float32) * s2
    a_src2 = jax.random.normal(ks[6], (1, NCLASS), dtype=jnp.float32) * 0.1
    a_dst2 = jax.random.normal(ks[7], (1, NCLASS), dtype=jnp.float32) * 0.1
    b2 = jnp.zeros((NCLASS,), dtype=jnp.float32)
    return {"x": x, "edge_index": edge_index, "W1": W1, "a_src1": a_src1,
            "a_dst1": a_dst1, "b1": b1, "W2": W2, "a_src2": a_src2,
            "a_dst2": a_dst2, "b2": b2}


def gat_conv(x, src, dst, W, a_s, a_d, b, heads, outc):
    n = x.shape[0]
    h = (x @ W).reshape(n, heads, outc)
    alpha_s = (h * a_s[None, :, :]).sum(-1)  # [N, H]
    alpha_d = (h * a_d[None, :, :]).sum(-1)  # [N, H]
    e = jax.nn.leaky_relu(alpha_s[src] + alpha_d[dst], NEG_SLOPE)  # [E, H]
    e_max = jax.ops.segment_max(e, dst, num_segments=n)
    e_max = jnp.where(jnp.isfinite(e_max), e_max, 0.0)
    e_exp = jnp.exp(e - e_max[dst])
    denom = jax.ops.segment_sum(e_exp, dst, num_segments=n)
    att = e_exp / (denom[dst] + 1e-16)  # edge softmax over incoming edges
    msg = h[src] * att[:, :, None]  # [E, H, F']
    out = jax.ops.segment_sum(msg, dst, num_segments=n)  # [N, H, F']
    return out.reshape(n, heads * outc) + b[None, :]


def reference(x, edge_index, W1, a_src1, a_dst1, b1, W2, a_src2, a_dst2, b2):
    src = edge_index[0]
    dst = edge_index[1]
    h = gat_conv(x, src, dst, W1, a_src1, a_dst1, b1, NHEADS, NHID)
    # dropout is identity at inference
    h = jax.nn.elu(h, ELU_ALPHA)
    h = gat_conv(h, src, dst, W2, a_src2, a_dst2, b2, 1, NCLASS)
    return jax.nn.log_softmax(h, axis=1)

if __name__ == "__main__":
    import jax
    _d = setup_inputs()
    print(jax.jit(kernel)(*tuple(_d.values())))

</pallas_src>

<mosaic_0001>
#map = affine_map<(d0, d1) -> (0, 0)>
#map1 = affine_map<(d0, d1) -> (0, 0, 0)>
module attributes {stable_mosaic.version = 14 : i64} {
  func.func @_sc_layer1(%arg0: i32, %arg1: i32, %arg2: memref<10112x80xf32, #tpu.memory_space<hbm>>, %arg3: memref<10112x8xf32, #tpu.memory_space<hbm>>, %arg4: memref<2560x2x128xi32, #tpu.memory_space<hbm>>, %arg5: memref<2x10112x80xf32, #tpu.memory_space<hbm>>, %arg6: memref<2x128xi32, #tpu.memory_space<vmem>>, %arg7: memref<2x128xi32, #tpu.memory_space<vmem>>, %arg8: memref<128x80xf32, #tpu.memory_space<vmem>>, %arg9: memref<128x80xf32, #tpu.memory_space<vmem>>, %arg10: memref<128x8xf32, #tpu.memory_space<vmem>>, %arg11: memref<128x8xf32, #tpu.memory_space<vmem>>, %arg12: memref<632x80xf32, #tpu.memory_space<vmem>>, %arg13: memref<10112x80xf32, #tpu.memory_space<vmem_shared>>, %arg14: memref<!tpu.dma_semaphore, #tpu.memory_space<semaphore_mem>>, %arg15: memref<!tpu.dma_semaphore, #tpu.memory_space<semaphore_mem>>) attributes {dimension_semantics = [#tpu.dimension_semantics<core_parallel>, #tpu.dimension_semantics<subcore_parallel>], iteration_bounds = array<i64: 2, 16>, scalar_prefetch = 0 : i64, scratch_operands = 10 : i64, tpu.core_type = #tpu.core_type<sc_vector_subcore>, window_params = [{transform_indices = #map}, {transform_indices = #map}, {transform_indices = #map1}, {transform_indices = #map1}]} {
    %broadcast_in_dim3A = arith.constant 0.000000e+00 : f32
    %broadcast_in_dim3A_0 = vector.broadcast %broadcast_in_dim3A : f32 to vector<16xf32>
    %scan3A = arith.constant 0 : i32
    %scan3A_1 = arith.constant 0 : i32
    %scan3A_2 = arith.constant 3160 : i32
    %scan3A_3 = arith.addi %scan3A_1, %scan3A_2 : i32
    %scan3A_4 = arith.constant 1 : i32
    %scan3A_5 = scf.for %scan3A_63 = %scan3A_1 to %scan3A_3 step %scan3A_4 iter_args(%scan3A_64 = %scan3A) -> (i32)  : i32 {
      %jit3A_65 = arith.constant 5 : i32
      %div3A_66 = arith.divsi %scan3A_63, %jit3A_65 : i32
      %sign3A_67 = arith.constant 0 : i32
      %sign3A_68 = arith.cmpi sgt, %scan3A_63, %sign3A_67 : i32
      %sign3A_69 = arith.extui %sign3A_68 : i1 to i32
      %sign3A_70 = arith.constant 0 : i32
      %sign3A_71 = arith.cmpi slt, %scan3A_63, %sign3A_70 : i32
      %sign3A_72 = arith.extui %sign3A_71 : i1 to i32
      %sign3A_73 = arith.subi %sign3A_69, %sign3A_72 : i32
      %sign3A_74 = arith.constant 0 : i32
      %sign3A_75 = arith.cmpi sgt, %jit3A_65, %sign3A_74 : i32
      %sign3A_76 = arith.extui %sign3A_75 : i1 to i32
      %sign3A_77 = arith.constant 0 : i32
      %sign3A_78 = arith.cmpi slt, %jit3A_65, %sign3A_77 : i32
      %sign3A_79 = arith.extui %sign3A_78 : i1 to i32
      %sign3A_80 = arith.subi %sign3A_76, %sign3A_79 : i32
      %ne3A_81 = arith.cmpi ne, %sign3A_73, %sign3A_80 : i32
      %rem3A_82 = arith.remsi %scan3A_63, %jit3A_65 : i32
      %ne3A_83 = arith.constant 0 : i32
      %ne3A_84 = arith.cmpi ne, %rem3A_82, %ne3A_83 : i32
      %and3A_85 = arith.andi %ne3A_81, %ne3A_84 : i1
      %sub3A_86 = arith.constant 1 : i32
      %sub3A_87 = arith.subi %div3A_66, %sub3A_86 : i32
      %select_n3A_88 = arith.select %and3A_85, %sub3A_87, %div3A_66 : i32
      %mul3A_89 = arith.constant 5 : i32
      %mul3A_90 = arith.muli %select_n3A_88, %mul3A_89 : i32
      %sub3A_91 = arith.subi %scan3A_63, %mul3A_90 : i32
      %mul3A_92 = arith.constant 16 : i32
      %mul3A_93 = arith.muli %mul3A_92, %sub3A_91 : i32
      %swap3A = arith.index_cast %select_n3A_88 : i32 to index
      %swap3A_94 = arith.index_cast %mul3A_93 : i32 to index
      %swap3A_95 = tpu.vector_load %arg12[%swap3A, %swap3A_94] {strides = array<i32>} : memref<632x80xf32, #tpu.memory_space<vmem>>, vector<16xf32>,
      tpu.vector_store %arg12[%swap3A, %swap3A_94], %broadcast_in_dim3A_0 {strides = array<i32>} : memref<632x80xf32, #tpu.memory_space<vmem>>, vector<16xf32>,
      %scan3A_96 = arith.constant 0 : i32
      scf.yield %scan3A_96 : i32
    }
    %scan3A_6 = arith.constant 3160 : i32
    %mul3A = arith.constant 632 : i32
    %mul3A_7 = arith.muli %arg1, %mul3A : i32
    "tpu.region"() ({
      %run_scoped3A = tpu.sem_alloc : memref<!tpu.dma_semaphore, #tpu.memory_space<semaphore_mem>>
      %dma_start3A_63 = arith.constant 0 : i32
      %dma_start3A_64 = tpu.memref_slice %arg13[%mul3A_7, %dma_start3A_63] : memref<10112x80xf32, #tpu.memory_space<vmem_shared>> -> memref<632x80xf32, #tpu.memory_space<vmem_shared>>
      %dma_start3A_65 = arith.constant 0 : i32
      %dma_start3A_66 = tpu.memref_slice %arg13[%mul3A_7, %dma_start3A_65] : memref<10112x80xf32, #tpu.memory_space<vmem_shared>> -> memref<632x80xf32, #tpu.memory_space<vmem_shared>>
      tpu.enqueue_dma source(%arg12 : memref<632x80xf32, #tpu.memory_space<vmem>>) target(%dma_start3A_66 : memref<632x80xf32, #tpu.memory_space<vmem_shared>>) target_semaphore(%run_scoped3A : memref<!tpu.dma_semaphore, #tpu.memory_space<semaphore_mem>>)
      %dma_wait3A = arith.constant 0 : i32
      %dma_wait3A_67 = tpu.memref_slice %arg13[%mul3A_7, %dma_wait3A] : memref<10112x80xf32, #tpu.memory_space<vmem_shared>> -> memref<632x80xf32, #tpu.memory_space<vmem_shared>>
      %dma_wait3A_68 = arith.constant 0 : i32
      %dma_wait3A_69 = tpu.memref_slice %arg13[%mul3A_7, %dma_wait3A_68] : memref<10112x80xf32, #tpu.memory_space<vmem_shared>> -> memref<632x80xf32, #tpu.memory_space<vmem_shared>>
      tpu.wait_dma2 semaphore(%run_scoped3A : memref<!tpu.dma_semaphore, #tpu.memory_space<semaphore_mem>>) src(%arg12 : memref<632x80xf32, #tpu.memory_space<vmem>>) dst(%dma_wait3A_69 : memref<632x80xf32, #tpu.memory_space<vmem_shared>>)
      tpu.yield
    }) : () -> ()
    %barrier3A = arith.constant 0 : index
    tpu.barrier barrier_id(%barrier3A)
    %eq3A = arith.constant 0 : i32
    %eq3A_8 = arith.cmpi eq, %arg0, %eq3A : i32
    %mul3A_9 = arith.constant 120 : i32
    %mul3A_10 = arith.muli %arg1, %mul3A_9 : i32
    %mul3A_11 = arith.constant 40 : i32
    %mul3A_12 = arith.muli %arg1, %mul3A_11 : i32
    %add3A = arith.constant 1920 : i32
    %add3A_13 = arith.addi %add3A, %mul3A_12 : i32
    %select_n3A = arith.select %eq3A_8, %mul3A_10, %add3A_13 : i32
    %eq3A_14 = arith.constant 0 : i32
    %eq3A_15 = arith.cmpi eq, %arg0, %eq3A_14 : i32
    %jit3A = arith.constant 120 : i32
    %jit3A_16 = arith.constant 40 : i32
    %select_n3A_17 = arith.select %eq3A_15, %jit3A, %jit3A_16 : i32
    "tpu.region"() ({
      %run_scoped3A = tpu.sem_alloc : memref<!tpu.dma_semaphore, #tpu.memory_space<semaphore_mem>>
      %dma_start3A_63 = arith.constant 0 : i32
      %dma_start3A_64 = arith.constant 0 : i32
      %dma_start3A_65 = tpu.memref_slice %arg4[%select_n3A, %dma_start3A_63, %dma_start3A_64] : memref<2560x2x128xi32, #tpu.memory_space<hbm>> -> memref<1x2x128xi32, #tpu.memory_space<hbm>>
      %dma_start3A_66 = tpu.memref_squeeze %dma_start3A_65 : memref<1x2x128xi32, #tpu.memory_space<hbm>> -> memref<2x128xi32, #tpu.memory_space<hbm>>
      %dma_start3A_67 = arith.constant 0 : i32
      %dma_start3A_68 = arith.constant 0 : i32
      %dma_start3A_69 = tpu.memref_slice %arg4[%select_n3A, %dma_start3A_67, %dma_start3A_68] : memref<2560x2x128xi32, #tpu.memory_space<hbm>> -> memref<1x2x128xi32, #tpu.memory_space<hbm>>
      %dma_start3A_70 = tpu.memref_squeeze %dma_start3A_69 : memref<1x2x128xi32, #tpu.memory_space<hbm>> -> memref<2x128xi32, #tpu.memory_space<hbm>>
      tpu.enqueue_dma source(%dma_start3A_70 : memref<2x128xi32, #tpu.memory_space<hbm>>) target(%arg6 : memref<2x128xi32, #tpu.memory_space<vmem>>) target_semaphore(%run_scoped3A : memref<!tpu.dma_semaphore, #tpu.memory_space<semaphore_mem>>)
      %dma_wait3A = arith.constant 0 : i32
      %dma_wait3A_71 = arith.constant 0 : i32
      %dma_wait3A_72 = tpu.memref_slice %arg4[%select_n3A, %dma_wait3A, %dma_wait3A_71] : memref<2560x2x128xi32, #tpu.memory_space<hbm>> -> memref<1x2x128xi32, #tpu.memory_space<hbm>>
      %dma_wait3A_73 = tpu.memref_squeeze %dma_wait3A_72 : memref<1x2x128xi32, #tpu.memory_space<hbm>> -> memref<2x128xi32, #tpu.memory_space<hbm>>
      %dma_wait3A_74 = arith.constant 0 : i32
      %dma_wait3A_75 = arith.constant 0 : i32
      %dma_wait3A_76 = tpu.memref_slice %arg4[%select_n3A, %dma_wait3A_74, %dma_wait3A_75] : memref<2560x2x128xi32, #tpu.memory_space<hbm>> -> memref<1x2x128xi32, #tpu.memory_space<hbm>>
      %dma_wait3A_77 = tpu.memref_squeeze %dma_wait3A_76 : memref<1x2x128xi32, #tpu.memory_space<hbm>> -> memref<2x128xi32, #tpu.memory_space<hbm>>
      tpu.wait_dma2 semaphore(%run_scoped3A : memref<!tpu.dma_semaphore, #tpu.memory_space<semaphore_mem>>) src(%dma_wait3A_77 : memref<2x128xi32, #tpu.memory_space<hbm>>) dst(%arg6 : memref<2x128xi32, #tpu.memory_space<vmem>>)
      tpu.yield
    }) : () -> ()
    %dma_start3A = arith.constant 0 : i32
    %dma_start3A_18 = arith.constant 0 : i32
    %dma_start3A_19 = tpu.memref_slice %arg6[%dma_start3A, %dma_start3A_18] : memref<2x128xi32, #tpu.memory_space<vmem>> -> memref<1x128xi32, #tpu.memory_space<vmem>>
    %dma_start3A_20 = tpu.memref_squeeze %dma_start3A_19 : memref<1x128xi32, #tpu.memory_space<vmem>> -> memref<128xi32, #tpu.memory_space<vmem>>
    %dma_start3A_21 = arith.constant 0 : i32
    %dma_start3A_22 = arith.constant 0 : i32
    %dma_start3A_23 = tpu.memref_slice %arg2[%dma_start3A_21, %dma_start3A_22] : memref<10112x80xf32, #tpu.memory_space<hbm>> -> memref<10112x80xf32, #tpu.memory_space<hbm>>
    tpu.enqueue_indirect_dma source(%dma_start3A_23 : memref<10112x80xf32, #tpu.memory_space<hbm>>) target(%arg8 : memref<128x80xf32, #tpu.memory_space<vmem>>) offsets(%dma_start3A_20 : memref<128xi32, #tpu.memory_space<vmem>>) semaphore(%arg14 : memref<!tpu.dma_semaphore, #tpu.memory_space<semaphore_mem>>)
    %dma_start3A_24 = arith.constant 1 : i32
    %dma_start3A_25 = arith.constant 0 : i32
    %dma_start3A_26 = tpu.memref_slice %arg6[%dma_start3A_24, %dma_start3A_25] : memref<2x128xi32, #tpu.memory_space<vmem>> -> memref<1x128xi32, #tpu.memory_space<vmem>>
    %dma_start3A_27 = tpu.memref_squeeze %dma_start3A_26 : memref<1x128xi32, #tpu.memory_space<vmem>> -> memref<128xi32, #tpu.memory_space<vmem>>
    %dma_start3A_28 = arith.constant 0 : i32
    %dma_start3A_29 = arith.constant 0 : i32
    %dma_start3A_30 = tpu.memref_slice %arg3[%dma_start3A_28, %dma_start3A_29] : memref<10112x8xf32, #tpu.memory_space<hbm>> -> memref<10112x8xf32, #tpu.memory_space<hbm>>
    tpu.enqueue_indirect_dma source(%dma_start3A_30 : memref<10112x8xf32, #tpu.memory_space<hbm>>) target(%arg10 : memref<128x8xf32, #tpu.memory_space<vmem>>) offsets(%dma_start3A_27 : memref<128xi32, #tpu.memory_space<vmem>>) semaphore(%arg14 : memref<!tpu.dma_semaphore, #tpu.memory_space<semaphore_mem>>)
    %jit3A_31 = arith.constant 2 : i32
    %div3A = arith.divsi %select_n3A_17, %jit3A_31 : i32
    %sign3A = arith.constant 0 : i32
    %sign3A_32 = arith.cmpi sgt, %select_n3A_17, %sign3A : i32
    %sign3A_33 = arith.extui %sign3A_32 : i1 to i32
    %sign3A_34 = arith.constant 0 : i32
    %sign3A_35 = arith.cmpi slt, %select_n3A_17, %sign3A_34 : i32
    %sign3A_36 = arith.extui %sign3A_35 : i1 to i32
    %sign3A_37 = arith.subi %sign3A_33, %sign3A_36 : i32
    %sign3A_38 = arith.constant 0 : i32
    %sign3A_39 = arith.cmpi sgt, %jit3A_31, %sign3A_38 : i32
    %sign3A_40 = arith.extui %sign3A_39 : i1 to i32
    %sign3A_41 = arith.constant 0 : i32
    %sign3A_42 = arith.cmpi slt, %jit3A_31, %sign3A_41 : i32
    %sign3A_43 = arith.extui %sign3A_42 : i1 to i32
    %sign3A_44 = arith.subi %sign3A_40, %sign3A_43 : i32
    %ne3A = arith.cmpi ne, %sign3A_37, %sign3A_44 : i32
    %rem3A = arith.remsi %select_n3A_17, %jit3A_31 : i32
    %ne3A_45 = arith.constant 0 : i32
    %ne3A_46 = arith.cmpi ne, %rem3A, %ne3A_45 : i32
    %and3A = arith.andi %ne3A, %ne3A_46 : i1
    %sub3A = arith.constant 1 : i32
    %sub3A_47 = arith.subi %div3A, %sub3A : i32
    %select_n3A_48 = arith.select %and3A, %sub3A_47, %div3A : i32
    %while3A = arith.constant 0 : i32
    %while3A_49 = arith.constant 0 : i32
    %while3A_50 = arith.subi %select_n3A_48, %while3A : i32
    %while3A_51 = arith.addi %while3A, %while3A_50 : i32
    %while3A_52 = arith.constant 1 : i32
    %while3A_53 = arith.divsi %while3A_50, %while3A_52 : i32
    %while3A_54 = arith.muli %while3A_53, %while3A_52 : i32
    %while3A_55 = arith.addi %while3A, %while3A_54 : i32
    %while3A_56 = arith.constant 1 : i32
    %while3A_57 = scf.for %while3A_63 = %while3A to %while3A_55 step %while3A_56 iter_args(%while3A_64 = %while3A_49) -> (i32)  : i32 {
      %mul3A_65 = arith.constant 2 : i32
      %mul3A_66 = arith.muli %mul3A_65, %while3A_63 : i32
      %add3A_67 = arith.constant 0 : i32
      %add3A_68 = arith.addi %mul3A_66, %add3A_67 : i32
      %dma_wait3A = arith.constant 0 : i32
      %dma_wait3A_69 = arith.constant 0 : i32
      %dma_wait3A_70 = tpu.memref_slice %arg6[%dma_wait3A, %dma_wait3A_69] : memref<2x128xi32, #tpu.memory_space<vmem>> -> memref<1x128xi32, #tpu.memory_space<vmem>>
      %dma_wait3A_71 = tpu.memref_squeeze %dma_wait3A_70 : memref<1x128xi32, #tpu.memory_space<vmem>> -> memref<128xi32, #tpu.memory_space<vmem>>
      %dma_wait3A_72 = arith.constant 0 : i32
      %dma_wait3A_73 = arith.constant 0 : i32
      %dma_wait3A_74 = tpu.memref_slice %arg2[%dma_wait3A_72, %dma_wait3A_73] : memref<10112x80xf32, #tpu.memory_space<hbm>> -> memref<10112x80xf32, #tpu.memory_space<hbm>>
      tpu.wait_indirect_dma semaphore(%arg14 : memref<!tpu.dma_semaphore, #tpu.memory_space<semaphore_mem>>) src(%dma_wait3A_74 : memref<10112x80xf32, #tpu.memory_space<hbm>>) dst(%arg8 : memref<128x80xf32, #tpu.memory_space<vmem>>)
      %dma_wait3A_75 = arith.constant 1 : i32
      %dma_wait3A_76 = arith.constant 0 : i32
      %dma_wait3A_77 = tpu.memref_slice %arg6[%dma_wait3A_75, %dma_wait3A_76] : memref<2x128xi32, #tpu.memory_space<vmem>> -> memref<1x128xi32, #tpu.memory_space<vmem>>
      %dma_wait3A_78 = tpu.memref_squeeze %dma_wait3A_77 : memref<1x128xi32, #tpu.memory_space<vmem>> -> memref<128xi32, #tpu.memory_space<vmem>>
      %dma_wait3A_79 = arith.constant 0 : i32
      %dma_wait3A_80 = arith.constant 0 : i32
      %dma_wait3A_81 = tpu.memref_slice %arg3[%dma_wait3A_79, %dma_wait3A_80] : memref<10112x8xf32, #tpu.memory_space<hbm>> -> memref<10112x8xf32, #tpu.memory_space<hbm>>
      tpu.wait_indirect_dma semaphore(%arg14 : memref<!tpu.dma_semaphore, #tpu.memory_space<semaphore_mem>>) src(%dma_wait3A_81 : memref<10112x8xf32, #tpu.memory_space<hbm>>) dst(%arg10 : memref<128x8xf32, #tpu.memory_space<vmem>>)
      %sub3A_82 = arith.constant 1 : i32
      %sub3A_83 = arith.subi %select_n3A_17, %sub3A_82 : i32
      %lt3A = arith.cmpi slt, %add3A_68, %sub3A_83 : i32
      %convert_element_type3A = arith.extui %lt3A : i1 to i32
      %cond3A = arith.constant 0 : i32
      %cond3A_84 = arith.cmpi ne, %convert_element_type3A, %cond3A : i32
      scf.if %cond3A_84 {
        %add3A_151 = arith.addi %select_n3A, %add3A_68 : i32
        %add3A_152 = arith.constant 1 : i32
        %add3A_153 = arith.addi %add3A_151, %add3A_152 : i32
        "tpu.region"() ({
          %run_scoped3A_168 = tpu.sem_alloc : memref<!tpu.dma_semaphore, #tpu.memory_space<semaphore_mem>>
          %dma_start3A_169 = arith.constant 0 : i32
          %dma_start3A_170 = arith.constant 0 : i32
          %dma_start3A_171 = tpu.memref_slice %arg4[%add3A_153, %dma_start3A_169, %dma_start3A_170] : memref<2560x2x128xi32, #tpu.memory_space<hbm>> -> memref<1x2x128xi32, #tpu.memory_space<hbm>>
          %dma_start3A_172 = tpu.memref_squeeze %dma_start3A_171 : memref<1x2x128xi32, #tpu.memory_space<hbm>> -> memref<2x128xi32, #tpu.memory_space<hbm>>
          %dma_start3A_173 = arith.constant 0 : i32
          %dma_start3A_174 = arith.constant 0 : i32
          %dma_start3A_175 = tpu.memref_slice %arg4[%add3A_153, %dma_start3A_173, %dma_start3A_174] : memref<2560x2x128xi32, #tpu.memory_space<hbm>> -> memref<1x2x128xi32, #tpu.memory_space<hbm>>
          %dma_start3A_176 = tpu.memref_squeeze %dma_start3A_175 : memref<1x2x128xi32, #tpu.memory_space<hbm>> -> memref<2x128xi32, #tpu.memory_space<hbm>>
          tpu.enqueue_dma source(%dma_start3A_176 : memref<2x128xi32, #tpu.memory_space<hbm>>) target(%arg7 : memref<2x128xi32, #tpu.memory_space<vmem>>) target_semaphore(%run_scoped3A_168 : memref<!tpu.dma_semaphore, #tpu.memory_space<semaphore_mem>>)
          %dma_wait3A_177 = arith.constant 0 : i32
          %dma_wait3A_178 = arith.constant 0 : i32
          %dma_wait3A_179 = tpu.memref_slice %arg4[%add3A_153, %dma_wait3A_177, %dma_wait3A_178] : memref<2560x2x128xi32, #tpu.memory_space<hbm>> -> memref<1x2x128xi32, #tpu.memory_space<hbm>>
          %dma_wait3A_180 = tpu.memref_squeeze %dma_wait3A_179 : memref<1x2x128xi32, #tpu.memory_space<hbm>> -> memref<2x128xi32, #tpu.memory_space<hbm>>
          %dma_wait3A_181 = arith.constant 0 : i32
          %dma_wait3A_182 = arith.constant 0 : i32
          %dma_wait3A_183 = tpu.memref_slice %arg4[%add3A_153, %dma_wait3A_181, %dma_wait3A_182] : memref<2560x2x128xi32, #tpu.memory_space<hbm>> -> memref<1x2x128xi32, #tpu.memory_space<hbm>>
          %dma_wait3A_184 = tpu.memref_squeeze %dma_wait3A_183 : memref<1x2x128xi32, #tpu.memory_space<hbm>> -> memref<2x128xi32, #tpu.memory_space<hbm>>
          tpu.wait_dma2 semaphore(%run_scoped3A_168 : memref<!tpu.dma_semaphore, #tpu.memory_space<semaphore_mem>>) src(%dma_wait3A_184 : memref<2x128xi32, #tpu.memory_space<hbm>>) dst(%arg7 : memref<2x128xi32, #tpu.memory_space<vmem>>)
          tpu.yield
        }) : () -> ()
        %dma_start3A_154 = arith.constant 0 : i32
        %dma_start3A_155 = arith.constant 0 : i32
        %dma_start3A_156 = tpu.memref_slice %arg7[%dma_start3A_154, %dma_start3A_155] : memref<2x128xi32, #tpu.memory_space<vmem>> -> memref<1x128xi32, #tpu.memory_space<vmem>>
        %dma_start3A_157 = tpu.memref_squeeze %dma_start3A_156 : memref<1x128xi32, #tpu.memory_space<vmem>> -> memref<128xi32, #tpu.memory_space<vmem>>
        %dma_start3A_158 = arith.constant 0 : i32
        %dma_start3A_159 = arith.constant 0 : i32
        %dma_start3A_160 = tpu.memref_slice %arg2[%dma_start3A_158, %dma_start3A_159] : memref<10112x80xf32, #tpu.memory_space<hbm>> -> memref<10112x80xf32, #tpu.memory_space<hbm>>
        tpu.enqueue_indirect_dma source(%dma_start3A_160 : memref<10112x80xf32, #tpu.memory_space<hbm>>) target(%arg9 : memref<128x80xf32, #tpu.memory_space<vmem>>) offsets(%dma_start3A_157 : memref<128xi32, #tpu.memory_space<vmem>>) semaphore(%arg15 : memref<!tpu.dma_semaphore, #tpu.memory_space<semaphore_mem>>)
        %dma_start3A_161 = arith.constant 1 : i32
        %dma_start3A_162 = arith.constant 0 : i32
        %dma_start3A_163 = tpu.memref_slice %arg7[%dma_start3A_161, %dma_start3A_162] : memref<2x128xi32, #tpu.memory_space<vmem>> -> memref<1x128xi32, #tpu.memory_space<vmem>>
        %dma_start3A_164 = tpu.memref_squeeze %dma_start3A_163 : memref<1x128xi32, #tpu.memory_space<vmem>> -> memref<128xi32, #tpu.memory_space<vmem>>
        %dma_start3A_165 = arith.constant 0 : i32
        %dma_start3A_166 = arith.constant 0 : i32
        %dma_start3A_167 = tpu.memref_slice %arg3[%dma_start3A_165, %dma_start3A_166] : memref<10112x8xf32, #tpu.memory_space<hbm>> -> memref<10112x8xf32, #tpu.memory_space<hbm>>
        tpu.enqueue_indirect_dma source(%dma_start3A_167 : memref<10112x8xf32, #tpu.memory_space<hbm>>) target(%arg11 : memref<128x8xf32, #tpu.memory_space<vmem>>) offsets(%dma_start3A_164 : memref<128xi32, #tpu.memory_space<vmem>>) semaphore(%arg15 : memref<!tpu.dma_semaphore, #tpu.memory_space<semaphore_mem>>)
      } else {
      }
      %iota3A = tpu.iota {dimensions = array<i32: 0>} : vector<16xi32>
      %shift_right_arithmetic3A = arith.constant 3 : i32
      %shift_right_arithmetic3A_85 = vector.broadcast %shift_right_arithmetic3A : i32 to vector<16xi32>
      %shift_right_arithmetic3A_86 = arith.shrsi %iota3A, %shift_right_arithmetic3A_85 : vector<16xi32>
      %and3A_87 = arith.constant 7 : i32
      %and3A_88 = vector.broadcast %and3A_87 : i32 to vector<16xi32>
      %and3A_89 = arith.andi %iota3A, %and3A_88 : vector<16xi32>
      %scan3A_90 = arith.constant 0 : i32
      %scan3A_91 = arith.constant 0 : i32
      %scan3A_92 = arith.constant 64 : i32
      %scan3A_93 = arith.addi %scan3A_91, %scan3A_92 : i32
      %scan3A_94 = arith.constant 1 : i32
      %scan3A_95 = scf.for %scan3A_151 = %scan3A_91 to %scan3A_93 step %scan3A_94 iter_args(%scan3A_152 = %scan3A_90) -> (i32)  : i32 {
        %mul3A_153 = arith.constant 2 : i32
        %mul3A_154 = arith.muli %mul3A_153, %scan3A_151 : i32
        %add3A_155 = vector.broadcast %mul3A_154 : i32 to vector<16xi32>
        %add3A_156 = arith.addi %add3A_155, %shift_right_arithmetic3A_86 : vector<16xi32>
        %add3A_157 = arith.constant 64 : i32
        %add3A_158 = vector.broadcast %add3A_157 : i32 to vector<16xi32>
        %add3A_159 = arith.addi %add3A_158, %and3A_89 : vector<16xi32>
        %gather3A = tpu.vector_load_idx %arg8[%add3A_156, %add3A_159] : memref<128x80xf32, #tpu.memory_space<vmem>>[vector<16xi32>, vector<16xi32>], vector<16xf32>,
        %gather3A_160 = tpu.vector_load_idx %arg10[%add3A_156, %and3A_89] : memref<128x8xf32, #tpu.memory_space<vmem>>[vector<16xi32>, vector<16xi32>], vector<16xf32>,
        %add3A_161 = arith.addf %gather3A, %gather3A_160 : vector<16xf32>
        %ge3A = arith.constant 0.000000e+00 : f32
        %ge3A_162 = vector.broadcast %ge3A : f32 to vector<16xf32>
        %ge3A_163 = arith.cmpf oge, %add3A_161, %ge3A_162 : vector<16xf32>
        %mul3A_164 = arith.constant 2.000000e-01 : f32
        %mul3A_165 = vector.broadcast %mul3A_164 : f32 to vector<16xf32>
        %mul3A_166 = arith.mulf %mul3A_165, %add3A_161 : vector<16xf32>
        %select_n3A_167 = arith.select %ge3A_163, %add3A_161, %mul3A_166 : vector<16xi1>, vector<16xf32>
        %add3A_168 = arith.constant 64 : i32
        %add3A_169 = vector.broadcast %add3A_168 : i32 to vector<16xi32>
        %add3A_170 = arith.addi %add3A_169, %and3A_89 : vector<16xi32>
        %exp3A = math.exp %select_n3A_167 : vector<16xf32>
        tpu.vector_store_idx %arg8[%add3A_156, %add3A_170], %exp3A : memref<128x80xf32, #tpu.memory_space<vmem>>[vector<16xi32>, vector<16xi32>], vector<16xf32>,
        %scan3A_171 = arith.constant 0 : i32
        scf.yield %scan3A_171 : i32
      }
      %scan3A_96 = arith.constant 64 : i32
      %scan3A_97 = arith.constant 0 : i32
      %scan3A_98 = arith.constant 0 : i32
      %scan3A_99 = arith.constant 128 : i32
      %scan3A_100 = arith.addi %scan3A_98, %scan3A_99 : i32
      %scan3A_101 = arith.constant 1 : i32
      %scan3A_102 = scf.for %scan3A_151 = %scan3A_98 to %scan3A_100 step %scan3A_101 iter_args(%scan3A_152 = %scan3A_97) -> (i32)  : i32 {
        %get3A = arith.index_cast %scan3A_151 : i32 to index
        %get3A_153 = arith.constant 64 : index
        %get3A_154 = tpu.vector_load %arg8[%get3A, %get3A_153] {strides = array<i32>} : memref<128x80xf32, #tpu.memory_space<vmem>>, vector<16xf32>,
        %add3A_155 = arith.constant 0 : i32
        %add3A_156 = vector.broadcast %add3A_155 : i32 to vector<16xi32>
        %add3A_157 = arith.addi %add3A_156, %shift_right_arithmetic3A_86 : vector<16xi32>
        %lt3A_158 = arith.constant 0 : i32
        %lt3A_159 = vector.broadcast %lt3A_158 : i32 to vector<16xi32>
        %lt3A_160 = arith.cmpi slt, %add3A_157, %lt3A_159 : vector<16xi32>
        %add3A_161 = arith.constant 16 : i32
        %add3A_162 = vector.broadcast %add3A_161 : i32 to vector<16xi32>
        %add3A_163 = arith.addi %add3A_157, %add3A_162 : vector<16xi32>
        %select_n3A_164 = arith.select %lt3A_160, %add3A_163, %add3A_157 : vector<16xi1>, vector<16xi32>
        %broadcast_in_dim3A_165 = vector.shape_cast %select_n3A_164 : vector<16xi32> to vector<16x1xi32>
        %gather3A = vector.shape_cast %broadcast_in_dim3A_165 : vector<16x1xi32> to vector<16xi32>
        %gather3A_166 = tpu.dynamic_gather %get3A_154[%gather3A] in [0] : vector<16xf32>, vector<16xi32> -> vector<16xf32>
        %get3A_167 = arith.index_cast %scan3A_151 : i32 to index
        %get3A_168 = arith.constant 0 : index
        %get3A_169 = tpu.vector_load %arg8[%get3A_167, %get3A_168] {strides = array<i32>} : memref<128x80xf32, #tpu.memory_space<vmem>>, vector<16xf32>,
        %mul3A_170 = arith.mulf %get3A_169, %gather3A_166 : vector<16xf32>
        %swap3A = arith.index_cast %scan3A_151 : i32 to index
        %swap3A_171 = arith.constant 0 : index
        %swap3A_172 = tpu.vector_load %arg8[%swap3A, %swap3A_171] {strides = array<i32>} : memref<128x80xf32, #tpu.memory_space<vmem>>, vector<16xf32>,
        tpu.vector_store %arg8[%swap3A, %swap3A_171], %mul3A_170 {strides = array<i32>} : memref<128x80xf32, #tpu.memory_space<vmem>>, vector<16xf32>,
        %add3A_173 = arith.constant 2 : i32
        %add3A_174 = vector.broadcast %add3A_173 : i32 to vector<16xi32>
        %add3A_175 = arith.addi %add3A_174, %shift_right_arithmetic3A_86 : vector<16xi32>
        %lt3A_176 = arith.constant 0 : i32
        %lt3A_177 = vector.broadcast %lt3A_176 : i32 to vector<16xi32>
        %lt3A_178 = arith.cmpi slt, %add3A_175, %lt3A_177 : vector<16xi32>
        %add3A_179 = arith.constant 16 : i32
        %add3A_180 = vector.broadcast %add3A_179 : i32 to vector<16xi32>
        %add3A_181 = arith.addi %add3A_175, %add3A_180 : vector<16xi32>
        %select_n3A_182 = arith.select %lt3A_178, %add3A_181, %add3A_175 : vector<16xi1>, vector<16xi32>
        %broadcast_in_dim3A_183 = vector.shape_cast %select_n3A_182 : vector<16xi32> to vector<16x1xi32>
        %gather3A_184 = vector.shape_cast %broadcast_in_dim3A_183 : vector<16x1xi32> to vector<16xi32>
        %gather3A_185 = tpu.dynamic_gather %get3A_154[%gather3A_184] in [0] : vector<16xf32>, vector<16xi32> -> vector<16xf32>
        %get3A_186 = arith.index_cast %scan3A_151 : i32 to index
        %get3A_187 = arith.constant 16 : index
        %get3A_188 = tpu.vector_load %arg8[%get3A_186, %get3A_187] {strides = array<i32>} : memref<128x80xf32, #tpu.memory_space<vmem>>, vector<16xf32>,
        %mul3A_189 = arith.mulf %get3A_188, %gather3A_185 : vector<16xf32>
        %swap3A_190 = arith.index_cast %scan3A_151 : i32 to index
        %swap3A_191 = arith.constant 16 : index
        %swap3A_192 = tpu.vector_load %arg8[%swap3A_190, %swap3A_191] {strides = array<i32>} : memref<128x80xf32, #tpu.memory_space<vmem>>, vector<16xf32>,
        tpu.vector_store %arg8[%swap3A_190, %swap3A_191], %mul3A_189 {strides = array<i32>} : memref<128x80xf32, #tpu.memory_space<vmem>>, vector<16xf32>,
        %add3A_193 = arith.constant 4 : i32
        %add3A_194 = vector.broadcast %add3A_193 : i32 to vector<16xi32>
        %add3A_195 = arith.addi %add3A_194, %shift_right_arithmetic3A_86 : vector<16xi32>
        %lt3A_196 = arith.constant 0 : i32
        %lt3A_197 = vector.broadcast %lt3A_196 : i32 to vector<16xi32>
        %lt3A_198 = arith.cmpi slt, %add3A_195, %lt3A_197 : vector<16xi32>
        %add3A_199 = arith.constant 16 : i32
        %add3A_200 = vector.broadcast %add3A_199 : i32 to vector<16xi32>
        %add3A_201 = arith.addi %add3A_195, %add3A_200 : vector<16xi32>
        %select_n3A_202 = arith.select %lt3A_198, %add3A_201, %add3A_195 : vector<16xi1>, vector<16xi32>
        %broadcast_in_dim3A_203 = vector.shape_cast %select_n3A_202 : vector<16xi32> to vector<16x1xi32>
        %gather3A_204 = vector.shape_cast %broadcast_in_dim3A_203 : vector<16x1xi32> to vector<16xi32>
        %gather3A_205 = tpu.dynamic_gather %get3A_154[%gather3A_204] in [0] : vector<16xf32>, vector<16xi32> -> vector<16xf32>
        %get3A_206 = arith.index_cast %scan3A_151 : i32 to index
        %get3A_207 = arith.constant 32 : index
        %get3A_208 = tpu.vector_load %arg8[%get3A_206, %get3A_207] {strides = array<i32>} : memref<128x80xf32, #tpu.memory_space<vmem>>, vector<16xf32>,
        %mul3A_209 = arith.mulf %get3A_208, %gather3A_205 : vector<16xf32>
        %swap3A_210 = arith.index_cast %scan3A_151 : i32 to index
        %swap3A_211 = arith.constant 32 : index
        %swap3A_212 = tpu.vector_load %arg8[%swap3A_210, %swap3A_211] {strides = array<i32>} : memref<128x80xf32, #tpu.memory_space<vmem>>, vector<16xf32>,
        tpu.vector_store %arg8[%swap3A_210, %swap3A_211], %mul3A_209 {strides = array<i32>} : memref<128x80xf32, #tpu.memory_space<vmem>>, vector<16xf32>,
        %add3A_213 = arith.constant 6 : i32
        %add3A_214 = vector.broadcast %add3A_213 : i32 to vector<16xi32>
        %add3A_215 = arith.addi %add3A_214, %shift_right_arithmetic3A_86 : vector<16xi32>
        %lt3A_216 = arith.constant 0 : i32
        %lt3A_217 = vector.broadcast %lt3A_216 : i32 to vector<16xi32>
        %lt3A_218 = arith.cmpi slt, %add3A_215, %lt3A_217 : vector<16xi32>
        %add3A_219 = arith.constant 16 : i32
        %add3A_220 = vector.broadcast %add3A_219 : i32 to vector<16xi32>
        %add3A_221 = arith.addi %add3A_215, %add3A_220 : vector<16xi32>
        %select_n3A_222 = arith.select %lt3A_218, %add3A_221, %add3A_215 : vector<16xi1>, vector<16xi32>
        %broadcast_in_dim3A_223 = vector.shape_cast %select_n3A_222 : vector<16xi32> to vector<16x1xi32>
        %gather3A_224 = vector.shape_cast %broadcast_in_dim3A_223 : vector<16x1xi32> to vector<16xi32>
        %gather3A_225 = tpu.dynamic_gather %get3A_154[%gather3A_224] in [0] : vector<16xf32>, vector<16xi32> -> vector<16xf32>
        %get3A_226 = arith.index_cast %scan3A_151 : i32 to index
        %get3A_227 = arith.constant 48 : index
        %get3A_228 = tpu.vector_load %arg8[%get3A_226, %get3A_227] {strides = array<i32>} : memref<128x80xf32, #tpu.memory_space<vmem>>, vector<16xf32>,
        %mul3A_229 = arith.mulf %get3A_228, %gather3A_225 : vector<16xf32>
        %swap3A_230 = arith.index_cast %scan3A_151 : i32 to index
        %swap3A_231 = arith.constant 48 : index
        %swap3A_232 = tpu.vector_load %arg8[%swap3A_230, %swap3A_231] {strides = array<i32>} : memref<128x80xf32, #tpu.memory_space<vmem>>, vector<16xf32>,
        tpu.vector_store %arg8[%swap3A_230, %swap3A_231], %mul3A_229 {strides = array<i32>} : memref<128x80xf32, #tpu.memory_space<vmem>>, vector<16xf32>,
        %scan3A_233 = arith.constant 0 : i32
        scf.yield %scan3A_233 : i32
      }
      %scan3A_103 = arith.constant 128 : i32
      %run_scoped3A = arith.constant 1 : i32
      "tpu.region"() ({
        %run_scoped3A_151 = tpu.sem_alloc : memref<!tpu.dma_semaphore, #tpu.memory_space<semaphore_mem>>
        %dma_start3A_152 = arith.constant 0 : i32
        %dma_start3A_153 = tpu.memref_slice %arg6[%run_scoped3A, %dma_start3A_152] : memref<2x128xi32, #tpu.memory_space<vmem>> -> memref<1x128xi32, #tpu.memory_space<vmem>>
        %dma_start3A_154 = tpu.memref_squeeze %dma_start3A_153 : memref<1x128xi32, #tpu.memory_space<vmem>> -> memref<128xi32, #tpu.memory_space<vmem>>
        %dma_start3A_155 = arith.constant 0 : i32
        %dma_start3A_156 = arith.constant 0 : i32
        %dma_start3A_157 = tpu.memref_slice %arg13[%dma_start3A_155, %dma_start3A_156] : memref<10112x80xf32, #tpu.memory_space<vmem_shared>> -> memref<10112x80xf32, #tpu.memory_space<vmem_shared>>
        tpu.enqueue_indirect_dma source(%arg8 : memref<128x80xf32, #tpu.memory_space<vmem>>) target(%dma_start3A_157 : memref<10112x80xf32, #tpu.memory_space<vmem_shared>>) offsets(%dma_start3A_154 : memref<128xi32, #tpu.memory_space<vmem>>) semaphore(%run_scoped3A_151 : memref<!tpu.dma_semaphore, #tpu.memory_space<semaphore_mem>>) {add = true}
        %dma_wait3A_158 = arith.constant 0 : i32
        %dma_wait3A_159 = tpu.memref_slice %arg6[%run_scoped3A, %dma_wait3A_158] : memref<2x128xi32, #tpu.memory_space<vmem>> -> memref<1x128xi32, #tpu.memory_space<vmem>>
        %dma_wait3A_160 = tpu.memref_squeeze %dma_wait3A_159 : memref<1x128xi32, #tpu.memory_space<vmem>> -> memref<128xi32, #tpu.memory_space<vmem>>
        %dma_wait3A_161 = arith.constant 0 : i32
        %dma_wait3A_162 = arith.constant 0 : i32
        %dma_wait3A_163 = tpu.memref_slice %arg13[%dma_wait3A_161, %dma_wait3A_162] : memref<10112x80xf32, #tpu.memory_space<vmem_shared>> -> memref<10112x80xf32, #tpu.memory_space<vmem_shared>>
        tpu.wait_indirect_dma semaphore(%run_scoped3A_151 : memref<!tpu.dma_semaphore, #tpu.memory_space<semaphore_mem>>) src(%arg8 : memref<128x80xf32, #tpu.memory_space<vmem>>) dst(%dma_wait3A_163 : memref<10112x80xf32, #tpu.memory_space<vmem_shared>>)
        tpu.yield
      }) : () -> ()
      %mul3A_104 = arith.constant 2 : i32
      %mul3A_105 = arith.muli %mul3A_104, %while3A_63 : i32
      %add3A_106 = arith.constant 1 : i32
      %add3A_107 = arith.addi %mul3A_105, %add3A_106 : i32
      %dma_wait3A_108 = arith.constant 0 : i32
      %dma_wait3A_109 = arith.constant 0 : i32
      %dma_wait3A_110 = tpu.memref_slice %arg7[%dma_wait3A_108, %dma_wait3A_109] : memref<2x128xi32, #tpu.memory_space<vmem>> -> memref<1x128xi32, #tpu.memory_space<vmem>>
      %dma_wait3A_111 = tpu.memref_squeeze %dma_wait3A_110 : memref<1x128xi32, #tpu.memory_space<vmem>> -> memref<128xi32, #tpu.memory_space<vmem>>
      %dma_wait3A_112 = arith.constant 0 : i32
      %dma_wait3A_113 = arith.constant 0 : i32
      %dma_wait3A_114 = tpu.memref_slice %arg2[%dma_wait3A_112, %dma_wait3A_113] : memref<10112x80xf32, #tpu.memory_space<hbm>> -> memref<10112x80xf32, #tpu.memory_space<hbm>>
      tpu.wait_indirect_dma semaphore(%arg15 : memref<!tpu.dma_semaphore, #tpu.memory_space<semaphore_mem>>) src(%dma_wait3A_114 : memref<10112x80xf32, #tpu.memory_space<hbm>>) dst(%arg9 : memref<128x80xf32, #tpu.memory_space<vmem>>)
      %dma_wait3A_115 = arith.constant 1 : i32
      %dma_wait3A_116 = arith.constant 0 : i32
      %dma_wait3A_117 = tpu.memref_slice %arg7[%dma_wait3A_115, %dma_wait3A_116] : memref<2x128xi32, #tpu.memory_space<vmem>> -> memref<1x128xi32, #tpu.memory_space<vmem>>
      %dma_wait3A_118 = tpu.memref_squeeze %dma_wait3A_117 : memref<1x128xi32, #tpu.memory_space<vmem>> -> memref<128xi32, #tpu.memory_space<vmem>>
      %dma_wait3A_119 = arith.constant 0 : i32
      %dma_wait3A_120 = arith.constant 0 : i32
      %dma_wait3A_121 = tpu.memref_slice %arg3[%dma_wait3A_119, %dma_wait3A_120] : memref<10112x8xf32, #tpu.memory_space<hbm>> -> memref<10112x8xf32, #tpu.memory_space<hbm>>
      tpu.wait_indirect_dma semaphore(%arg15 : memref<!tpu.dma_semaphore, #tpu.memory_space<semaphore_mem>>) src(%dma_wait3A_121 : memref<10112x8xf32, #tpu.memory_space<hbm>>) dst(%arg11 : memref<128x8xf32, #tpu.memory_space<vmem>>)
      %sub3A_122 = arith.constant 1 : i32
      %sub3A_123 = arith.subi %select_n3A_17, %sub3A_122 : i32
      %lt3A_124 = arith.cmpi slt, %add3A_107, %sub3A_123 : i32
      %convert_element_type3A_125 = arith.extui %lt3A_124 : i1 to i32
      %cond3A_126 = arith.constant 0 : i32
      %cond3A_127 = arith.cmpi ne, %convert_element_type3A_125, %cond3A_126 : i32
      scf.if %cond3A_127 {
        %add3A_151 = arith.addi %select_n3A, %add3A_107 : i32
        %add3A_152 = arith.constant 1 : i32
        %add3A_153 = arith.addi %add3A_151, %add3A_152 : i32
        "tpu.region"() ({
          %run_scoped3A_168 = tpu.sem_alloc : memref<!tpu.dma_semaphore, #tpu.memory_space<semaphore_mem>>
          %dma_start3A_169 = arith.constant 0 : i32
          %dma_start3A_170 = arith.constant 0 : i32
          %dma_start3A_171 = tpu.memref_slice %arg4[%add3A_153, %dma_start3A_169, %dma_start3A_170] : memref<2560x2x128xi32, #tpu.memory_space<hbm>> -> memref<1x2x128xi32, #tpu.memory_space<hbm>>
          %dma_start3A_172 = tpu.memref_squeeze %dma_start3A_171 : memref<1x2x128xi32, #tpu.memory_space<hbm>> -> memref<2x128xi32, #tpu.memory_space<hbm>>
          %dma_start3A_173 = arith.constant 0 : i32
          %dma_start3A_174 = arith.constant 0 : i32
          %dma_start3A_175 = tpu.memref_slice %arg4[%add3A_153, %dma_start3A_173, %dma_start3A_174] : memref<2560x2x128xi32, #tpu.memory_space<hbm>> -> memref<1x2x128xi32, #tpu.memory_space<hbm>>
          %dma_start3A_176 = tpu.memref_squeeze %dma_start3A_175 : memref<1x2x128xi32, #tpu.memory_space<hbm>> -> memref<2x128xi32, #tpu.memory_space<hbm>>
          tpu.enqueue_dma source(%dma_start3A_176 : memref<2x128xi32, #tpu.memory_space<hbm>>) target(%arg6 : memref<2x128xi32, #tpu.memory_space<vmem>>) target_semaphore(%run_scoped3A_168 : memref<!tpu.dma_semaphore, #tpu.memory_space<semaphore_mem>>)
          %dma_wait3A_177 = arith.constant 0 : i32
          %dma_wait3A_178 = arith.constant 0 : i32
          %dma_wait3A_179 = tpu.memref_slice %arg4[%add3A_153, %dma_wait3A_177, %dma_wait3A_178] : memref<2560x2x128xi32, #tpu.memory_space<hbm>> -> memref<1x2x128xi32, #tpu.memory_space<hbm>>
          %dma_wait3A_180 = tpu.memref_squeeze %dma_wait3A_179 : memref<1x2x128xi32, #tpu.memory_space<hbm>> -> memref<2x128xi32, #tpu.memory_space<hbm>>
          %dma_wait3A_181 = arith.constant 0 : i32
          %dma_wait3A_182 = arith.constant 0 : i32
          %dma_wait3A_183 = tpu.memref_slice %arg4[%add3A_153, %dma_wait3A_181, %dma_wait3A_182] : memref<2560x2x128xi32, #tpu.memory_space<hbm>> -> memref<1x2x128xi32, #tpu.memory_space<hbm>>
          %dma_wait3A_184 = tpu.memref_squeeze %dma_wait3A_183 : memref<1x2x128xi32, #tpu.memory_space<hbm>> -> memref<2x128xi32, #tpu.memory_space<hbm>>
          tpu.wait_dma2 semaphore(%run_scoped3A_168 : memref<!tpu.dma_semaphore, #tpu.memory_space<semaphore_mem>>) src(%dma_wait3A_184 : memref<2x128xi32, #tpu.memory_space<hbm>>) dst(%arg6 : memref<2x128xi32, #tpu.memory_space<vmem>>)
          tpu.yield
        }) : () -> ()
        %dma_start3A_154 = arith.constant 0 : i32
        %dma_start3A_155 = arith.constant 0 : i32
        %dma_start3A_156 = tpu.memref_slice %arg6[%dma_start3A_154, %dma_start3A_155] : memref<2x128xi32, #tpu.memory_space<vmem>> -> memref<1x128xi32, #tpu.memory_space<vmem>>
        %dma_start3A_157 = tpu.memref_squeeze %dma_start3A_156 : memref<1x128xi32, #tpu.memory_space<vmem>> -> memref<128xi32, #tpu.memory_space<vmem>>
        %dma_start3A_158 = arith.constant 0 : i32
        %dma_start3A_159 = arith.constant 0 : i32
        %dma_start3A_160 = tpu.memref_slice %arg2[%dma_start3A_158, %dma_start3A_159] : memref<10112x80xf32, #tpu.memory_space<hbm>> -> memref<10112x80xf32, #tpu.memory_space<hbm>>
        tpu.enqueue_indirect_dma source(%dma_start3A_160 : memref<10112x80xf32, #tpu.memory_space<hbm>>) target(%arg8 : memref<128x80xf32, #tpu.memory_space<vmem>>) offsets(%dma_start3A_157 : memref<128xi32, #tpu.memory_space<vmem>>) semaphore(%arg14 : memref<!tpu.dma_semaphore, #tpu.memory_space<semaphore_mem>>)
        %dma_start3A_161 = arith.constant 1 : i32
        %dma_start3A_162 = arith.constant 0 : i32
        %dma_start3A_163 = tpu.memref_slice %arg6[%dma_start3A_161, %dma_start3A_162] : memref<2x128xi32, #tpu.memory_space<vmem>> -> memref<1x128xi32, #tpu.memory_space<vmem>>
        %dma_start3A_164 = tpu.memref_squeeze %dma_start3A_163 : memref<1x128xi32, #tpu.memory_space<vmem>> -> memref<128xi32, #tpu.memory_space<vmem>>
        %dma_start3A_165 = arith.constant 0 : i32
        %dma_start3A_166 = arith.constant 0 : i32
        %dma_start3A_167 = tpu.memref_slice %arg3[%dma_start3A_165, %dma_start3A_166] : memref<10112x8xf32, #tpu.memory_space<hbm>> -> memref<10112x8xf32, #tpu.memory_space<hbm>>
        tpu.enqueue_indirect_dma source(%dma_start3A_167 : memref<10112x8xf32, #tpu.memory_space<hbm>>) target(%arg10 : memref<128x8xf32, #tpu.memory_space<vmem>>) offsets(%dma_start3A_164 : memref<128xi32, #tpu.memory_space<vmem>>) semaphore(%arg14 : memref<!tpu.dma_semaphore, #tpu.memory_space<semaphore_mem>>)
      } else {
      }
      %iota3A_128 = tpu.iota {dimensions = array<i32: 0>} : vector<16xi32>
      %shift_right_arithmetic3A_129 = arith.constant 3 : i32
      %shift_right_arithmetic3A_130 = vector.broadcast %shift_right_arithmetic3A_129 : i32 to vector<16xi32>
      %shift_right_arithmetic3A_131 = arith.shrsi %iota3A_128, %shift_right_arithmetic3A_130 : vector<16xi32>
      %and3A_132 = arith.constant 7 : i32
      %and3A_133 = vector.broadcast %and3A_132 : i32 to vector<16xi32>
      %and3A_134 = arith.andi %iota3A_128, %and3A_133 : vector<16xi32>
      %scan3A_135 = arith.constant 0 : i32
      %scan3A_136 = arith.constant 0 : i32
      %scan3A_137 = arith.constant 64 : i32
      %scan3A_138 = arith.addi %scan3A_136, %scan3A_137 : i32
      %scan3A_139 = arith.constant 1 : i32
      %scan3A_140 = scf.for %scan3A_151 = %scan3A_136 to %scan3A_138 step %scan3A_139 iter_args(%scan3A_152 = %scan3A_135) -> (i32)  : i32 {
        %mul3A_153 = arith.constant 2 : i32
        %mul3A_154 = arith.muli %mul3A_153, %scan3A_151 : i32
        %add3A_155 = vector.broadcast %mul3A_154 : i32 to vector<16xi32>
        %add3A_156 = arith.addi %add3A_155, %shift_right_arithmetic3A_131 : vector<16xi32>
        %add3A_157 = arith.constant 64 : i32
        %add3A_158 = vector.broadcast %add3A_157 : i32 to vector<16xi32>
        %add3A_159 = arith.addi %add3A_158, %and3A_134 : vector<16xi32>
        %gather3A = tpu.vector_load_idx %arg9[%add3A_156, %add3A_159] : memref<128x80xf32, #tpu.memory_space<vmem>>[vector<16xi32>, vector<16xi32>], vector<16xf32>,
        %gather3A_160 = tpu.vector_load_idx %arg11[%add3A_156, %and3A_134] : memref<128x8xf32, #tpu.memory_space<vmem>>[vector<16xi32>, vector<16xi32>], vector<16xf32>,
        %add3A_161 = arith.addf %gather3A, %gather3A_160 : vector<16xf32>
        %ge3A = arith.constant 0.000000e+00 : f32
        %ge3A_162 = vector.broadcast %ge3A : f32 to vector<16xf32>
        %ge3A_163 = arith.cmpf oge, %add3A_161, %ge3A_162 : vector<16xf32>
        %mul3A_164 = arith.constant 2.000000e-01 : f32
        %mul3A_165 = vector.broadcast %mul3A_164 : f32 to vector<16xf32>
        %mul3A_166 = arith.mulf %mul3A_165, %add3A_161 : vector<16xf32>
        %select_n3A_167 = arith.select %ge3A_163, %add3A_161, %mul3A_166 : vector<16xi1>, vector<16xf32>
        %add3A_168 = arith.constant 64 : i32
        %add3A_169 = vector.broadcast %add3A_168 : i32 to vector<16xi32>
        %add3A_170 = arith.addi %add3A_169, %and3A_134 : vector<16xi32>
        %exp3A = math.exp %select_n3A_167 : vector<16xf32>
        tpu.vector_store_idx %arg9[%add3A_156, %add3A_170], %exp3A : memref<128x80xf32, #tpu.memory_space<vmem>>[vector<16xi32>, vector<16xi32>], vector<16xf32>,
        %scan3A_171 = arith.constant 0 : i32
        scf.yield %scan3A_171 : i32
      }
      %scan3A_141 = arith.constant 64 : i32
      %scan3A_142 = arith.constant 0 : i32
      %scan3A_143 = arith.constant 0 : i32
      %scan3A_144 = arith.constant 128 : i32
      %scan3A_145 = arith.addi %scan3A_143, %scan3A_144 : i32
      %scan3A_146 = arith.constant 1 : i32
      %scan3A_147 = scf.for %scan3A_151 = %scan3A_143 to %scan3A_145 step %scan3A_146 iter_args(%scan3A_152 = %scan3A_142) -> (i32)  : i32 {
        %get3A = arith.index_cast %scan3A_151 : i32 to index
        %get3A_153 = arith.constant 64 : index
        %get3A_154 = tpu.vector_load %arg9[%get3A, %get3A_153] {strides = array<i32>} : memref<128x80xf32, #tpu.memory_space<vmem>>, vector<16xf32>,
        %add3A_155 = arith.constant 0 : i32
        %add3A_156 = vector.broadcast %add3A_155 : i32 to vector<16xi32>
        %add3A_157 = arith.addi %add3A_156, %shift_right_arithmetic3A_131 : vector<16xi32>
        %lt3A_158 = arith.constant 0 : i32
        %lt3A_159 = vector.broadcast %lt3A_158 : i32 to vector<16xi32>
        %lt3A_160 = arith.cmpi slt, %add3A_157, %lt3A_159 : vector<16xi32>
        %add3A_161 = arith.constant 16 : i32
        %add3A_162 = vector.broadcast %add3A_161 : i32 to vector<16xi32>
        %add3A_163 = arith.addi %add3A_157, %add3A_162 : vector<16xi32>
        %select_n3A_164 = arith.select %lt3A_160, %add3A_163, %add3A_157 : vector<16xi1>, vector<16xi32>
        %broadcast_in_dim3A_165 = vector.shape_cast %select_n3A_164 : vector<16xi32> to vector<16x1xi32>
        %gather3A = vector.shape_cast %broadcast_in_dim3A_165 : vector<16x1xi32> to vector<16xi32>
        %gather3A_166 = tpu.dynamic_gather %get3A_154[%gather3A] in [0] : vector<16xf32>, vector<16xi32> -> vector<16xf32>
        %get3A_167 = arith.index_cast %scan3A_151 : i32 to index
        %get3A_168 = arith.constant 0 : index
        %get3A_169 = tpu.vector_load %arg9[%get3A_167, %get3A_168] {strides = array<i32>} : memref<128x80xf32, #tpu.memory_space<vmem>>, vector<16xf32>,
        %mul3A_170 = arith.mulf %get3A_169, %gather3A_166 : vector<16xf32>
        %swap3A = arith.index_cast %scan3A_151 : i32 to index
        %swap3A_171 = arith.constant 0 : index
        %swap3A_172 = tpu.vector_load %arg9[%swap3A, %swap3A_171] {strides = array<i32>} : memref<128x80xf32, #tpu.memory_space<vmem>>, vector<16xf32>,
        tpu.vector_store %arg9[%swap3A, %swap3A_171], %mul3A_170 {strides = array<i32>} : memref<128x80xf32, #tpu.memory_space<vmem>>, vector<16xf32>,
        %add3A_173 = arith.constant 2 : i32
        %add3A_174 = vector.broadcast %add3A_173 : i32 to vector<16xi32>
        %add3A_175 = arith.addi %add3A_174, %shift_right_arithmetic3A_131 : vector<16xi32>
        %lt3A_176 = arith.constant 0 : i32
        %lt3A_177 = vector.broadcast %lt3A_176 : i32 to vector<16xi32>
        %lt3A_178 = arith.cmpi slt, %add3A_175, %lt3A_177 : vector<16xi32>
        %add3A_179 = arith.constant 16 : i32
        %add3A_180 = vector.broadcast %add3A_179 : i32 to vector<16xi32>
        %add3A_181 = arith.addi %add3A_175, %add3A_180 : vector<16xi32>
        %select_n3A_182 = arith.select %lt3A_178, %add3A_181, %add3A_175 : vector<16xi1>, vector<16xi32>
        %broadcast_in_dim3A_183 = vector.shape_cast %select_n3A_182 : vector<16xi32> to vector<16x1xi32>
        %gather3A_184 = vector.shape_cast %broadcast_in_dim3A_183 : vector<16x1xi32> to vector<16xi32>
        %gather3A_185 = tpu.dynamic_gather %get3A_154[%gather3A_184] in [0] : vector<16xf32>, vector<16xi32> -> vector<16xf32>
        %get3A_186 = arith.index_cast %scan3A_151 : i32 to index
        %get3A_187 = arith.constant 16 : index
        %get3A_188 = tpu.vector_load %arg9[%get3A_186, %get3A_187] {strides = array<i32>} : memref<128x80xf32, #tpu.memory_space<vmem>>, vector<16xf32>,
        %mul3A_189 = arith.mulf %get3A_188, %gather3A_185 : vector<16xf32>
        %swap3A_190 = arith.index_cast %scan3A_151 : i32 to index
        %swap3A_191 = arith.constant 16 : index
        %swap3A_192 = tpu.vector_load %arg9[%swap3A_190, %swap3A_191] {strides = array<i32>} : memref<128x80xf32, #tpu.memory_space<vmem>>, vector<16xf32>,
        tpu.vector_store %arg9[%swap3A_190, %swap3A_191], %mul3A_189 {strides = array<i32>} : memref<128x80xf32, #tpu.memory_space<vmem>>, vector<16xf32>,
        %add3A_193 = arith.constant 4 : i32
        %add3A_194 = vector.broadcast %add3A_193 : i32 to vector<16xi32>
        %add3A_195 = arith.addi %add3A_194, %shift_right_arithmetic3A_131 : vector<16xi32>
        %lt3A_196 = arith.constant 0 : i32
        %lt3A_197 = vector.broadcast %lt3A_196 : i32 to vector<16xi32>
        %lt3A_198 = arith.cmpi slt, %add3A_195, %lt3A_197 : vector<16xi32>
        %add3A_199 = arith.constant 16 : i32
        %add3A_200 = vector.broadcast %add3A_199 : i32 to vector<16xi32>
        %add3A_201 = arith.addi %add3A_195, %add3A_200 : vector<16xi32>
        %select_n3A_202 = arith.select %lt3A_198, %add3A_201, %add3A_195 : vector<16xi1>, vector<16xi32>
        %broadcast_in_dim3A_203 = vector.shape_cast %select_n3A_202 : vector<16xi32> to vector<16x1xi32>
        %gather3A_204 = vector.shape_cast %broadcast_in_dim3A_203 : vector<16x1xi32> to vector<16xi32>
        %gather3A_205 = tpu.dynamic_gather %get3A_154[%gather3A_204] in [0] : vector<16xf32>, vector<16xi32> -> vector<16xf32>
        %get3A_206 = arith.index_cast %scan3A_151 : i32 to index
        %get3A_207 = arith.constant 32 : index
        %get3A_208 = tpu.vector_load %arg9[%get3A_206, %get3A_207] {strides = array<i32>} : memref<128x80xf32, #tpu.memory_space<vmem>>, vector<16xf32>,
        %mul3A_209 = arith.mulf %get3A_208, %gather3A_205 : vector<16xf32>
        %swap3A_210 = arith.index_cast %scan3A_151 : i32 to index
        %swap3A_211 = arith.constant 32 : index
        %swap3A_212 = tpu.vector_load %arg9[%swap3A_210, %swap3A_211] {strides = array<i32>} : memref<128x80xf32, #tpu.memory_space<vmem>>, vector<16xf32>,
        tpu.vector_store %arg9[%swap3A_210, %swap3A_211], %mul3A_209 {strides = array<i32>} : memref<128x80xf32, #tpu.memory_space<vmem>>, vector<16xf32>,
        %add3A_213 = arith.constant 6 : i32
        %add3A_214 = vector.broadcast %add3A_213 : i32 to vector<16xi32>
        %add3A_215 = arith.addi %add3A_214, %shift_right_arithmetic3A_131 : vector<16xi32>
        %lt3A_216 = arith.constant 0 : i32
        %lt3A_217 = vector.broadcast %lt3A_216 : i32 to vector<16xi32>
        %lt3A_218 = arith.cmpi slt, %add3A_215, %lt3A_217 : vector<16xi32>
        %add3A_219 = arith.constant 16 : i32
        %add3A_220 = vector.broadcast %add3A_219 : i32 to vector<16xi32>
        %add3A_221 = arith.addi %add3A_215, %add3A_220 : vector<16xi32>
        %select_n3A_222 = arith.select %lt3A_218, %add3A_221, %add3A_215 : vector<16xi1>, vector<16xi32>
        %broadcast_in_dim3A_223 = vector.shape_cast %select_n3A_222 : vector<16xi32> to vector<16x1xi32>
        %gather3A_224 = vector.shape_cast %broadcast_in_dim3A_223 : vector<16x1xi32> to vector<16xi32>
        %gather3A_225 = tpu.dynamic_gather %get3A_154[%gather3A_224] in [0] : vector<16xf32>, vector<16xi32> -> vector<16xf32>
        %get3A_226 = arith.index_cast %scan3A_151 : i32 to index
        %get3A_227 = arith.constant 48 : index
        %get3A_228 = tpu.vector_load %arg9[%get3A_226, %get3A_227] {strides = array<i32>} : memref<128x80xf32, #tpu.memory_space<vmem>>, vector<16xf32>,
        %mul3A_229 = arith.mulf %get3A_228, %gather3A_225 : vector<16xf32>
        %swap3A_230 = arith.index_cast %scan3A_151 : i32 to index
        %swap3A_231 = arith.constant 48 : index
        %swap3A_232 = tpu.vector_load %arg9[%swap3A_230, %swap3A_231] {strides = array<i32>} : memref<128x80xf32, #tpu.memory_space<vmem>>, vector<16xf32>,
        tpu.vector_store %arg9[%swap3A_230, %swap3A_231], %mul3A_229 {strides = array<i32>} : memref<128x80xf32, #tpu.memory_space<vmem>>, vector<16xf32>,
        %scan3A_233 = arith.constant 0 : i32
        scf.yield %scan3A_233 : i32
      }
      %scan3A_148 = arith.constant 128 : i32
      %run_scoped3A_149 = arith.constant 1 : i32
      "tpu.region"() ({
        %run_scoped3A_151 = tpu.sem_alloc : memref<!tpu.dma_semaphore, #tpu.memory_space<semaphore_mem>>
        %dma_start3A_152 = arith.constant 0 : i32
        %dma_start3A_153 = tpu.memref_slice %arg7[%run_scoped3A_149, %dma_start3A_152] : memref<2x128xi32, #tpu.memory_space<vmem>> -> memref<1x128xi32, #tpu.memory_space<vmem>>
        %dma_start3A_154 = tpu.memref_squeeze %dma_start3A_153 : memref<1x128xi32, #tpu.memory_space<vmem>> -> memref<128xi32, #tpu.memory_space<vmem>>
        %dma_start3A_155 = arith.constant 0 : i32
        %dma_start3A_156 = arith.constant 0 : i32
        %dma_start3A_157 = tpu.memref_slice %arg13[%dma_start3A_155, %dma_start3A_156] : memref<10112x80xf32, #tpu.memory_space<vmem_shared>> -> memref<10112x80xf32, #tpu.memory_space<vmem_shared>>
        tpu.enqueue_indirect_dma source(%arg9 : memref<128x80xf32, #tpu.memory_space<vmem>>) target(%dma_start3A_157 : memref<10112x80xf32, #tpu.memory_space<vmem_shared>>) offsets(%dma_start3A_154 : memref<128xi32, #tpu.memory_space<vmem>>) semaphore(%run_scoped3A_151 : memref<!tpu.dma_semaphore, #tpu.memory_space<semaphore_mem>>) {add = true}
        %dma_wait3A_158 = arith.constant 0 : i32
        %dma_wait3A_159 = tpu.memref_slice %arg7[%run_scoped3A_149, %dma_wait3A_158] : memref<2x128xi32, #tpu.memory_space<vmem>> -> memref<1x128xi32, #tpu.memory_space<vmem>>
        %dma_wait3A_160 = tpu.memref_squeeze %dma_wait3A_159 : memref<1x128xi32, #tpu.memory_space<vmem>> -> memref<128xi32, #tpu.memory_space<vmem>>
        %dma_wait3A_161 = arith.constant 0 : i32
        %dma_wait3A_162 = arith.constant 0 : i32
        %dma_wait3A_163 = tpu.memref_slice %arg13[%dma_wait3A_161, %dma_wait3A_162] : memref<10112x80xf32, #tpu.memory_space<vmem_shared>> -> memref<10112x80xf32, #tpu.memory_space<vmem_shared>>
        tpu.wait_indirect_dma semaphore(%run_scoped3A_151 : memref<!tpu.dma_semaphore, #tpu.memory_space<semaphore_mem>>) src(%arg9 : memref<128x80xf32, #tpu.memory_space<vmem>>) dst(%dma_wait3A_163 : memref<10112x80xf32, #tpu.memory_space<vmem_shared>>)
        tpu.yield
      }) : () -> ()
      %while3A_150 = arith.constant 0 : i32
      scf.yield %while3A_150 : i32
    }
    %while3A_58 = arith.constant 1 : i32
    %while3A_59 = scf.for %while3A_63 = %while3A_55 to %while3A_51 step %while3A_58 iter_args(%while3A_64 = %while3A_57) -> (i32)  : i32 {
      %mul3A_65 = arith.constant 2 : i32
      %mul3A_66 = arith.muli %mul3A_65, %while3A_63 : i32
      %add3A_67 = arith.constant 0 : i32
      %add3A_68 = arith.addi %mul3A_66, %add3A_67 : i32
      %dma_wait3A = arith.constant 0 : i32
      %dma_wait3A_69 = arith.constant 0 : i32
      %dma_wait3A_70 = tpu.memref_slice %arg6[%dma_wait3A, %dma_wait3A_69] : memref<2x128xi32, #tpu.memory_space<vmem>> -> memref<1x128xi32, #tpu.memory_space<vmem>>
      %dma_wait3A_71 = tpu.memref_squeeze %dma_wait3A_70 : memref<1x128xi32, #tpu.memory_space<vmem>> -> memref<128xi32, #tpu.memory_space<vmem>>
      %dma_wait3A_72 = arith.constant 0 : i32
      %dma_wait3A_73 = arith.constant 0 : i32
      %dma_wait3A_74 = tpu.memref_slice %arg2[%dma_wait3A_72, %dma_wait3A_73] : memref<10112x80xf32, #tpu.memory_space<hbm>> -> memref<10112x80xf32, #tpu.memory_space<hbm>>
      tpu.wait_indirect_dma semaphore(%arg14 : memref<!tpu.dma_semaphore, #tpu.memory_space<semaphore_mem>>) src(%dma_wait3A_74 : memref<10112x80xf32, #tpu.memory_space<hbm>>) dst(%arg8 : memref<128x80xf32, #tpu.memory_space<vmem>>)
      %dma_wait3A_75 = arith.constant 1 : i32
      %dma_wait3A_76 = arith.constant 0 : i32
      %dma_wait3A_77 = tpu.memref_slice %arg6[%dma_wait3A_75, %dma_wait3A_76] : memref<2x128xi32, #tpu.memory_space<vmem>> -> memref<1x128xi32, #tpu.memory_space<vmem>>
      %dma_wait3A_78 = tpu.memref_squeeze %dma_wait3A_77 : memref<1x128xi32, #tpu.memory_space<vmem>> -> memref<128xi32, #tpu.memory_space<vmem>>
      %dma_wait3A_79 = arith.constant 0 : i32
      %dma_wait3A_80 = arith.constant 0 : i32
      %dma_wait3A_81 = tpu.memref_slice %arg3[%dma_wait3A_79, %dma_wait3A_80] : memref<10112x8xf32, #tpu.memory_space<hbm>> -> memref<10112x8xf32, #tpu.memory_space<hbm>>
      tpu.wait_indirect_dma semaphore(%arg14 : memref<!tpu.dma_semaphore, #tpu.memory_space<semaphore_mem>>) src(%dma_wait3A_81 : memref<10112x8xf32, #tpu.memory_space<hbm>>) dst(%arg10 : memref<128x8xf32, #tpu.memory_space<vmem>>)
      %sub3A_82 = arith.constant 1 : i32
      %sub3A_83 = arith.subi %select_n3A_17, %sub3A_82 : i32
      %lt3A = arith.cmpi slt, %add3A_68, %sub3A_83 : i32
      %convert_element_type3A = arith.extui %lt3A : i1 to i32
      %cond3A = arith.constant 0 : i32
      %cond3A_84 = arith.cmpi ne, %convert_element_type3A, %cond3A : i32
      scf.if %cond3A_84 {
        %add3A_151 = arith.addi %select_n3A, %add3A_68 : i32
        %add3A_152 = arith.constant 1 : i32
        %add3A_153 = arith.addi %add3A_151, %add3A_152 : i32
        "tpu.region"() ({
          %run_scoped3A_168 = tpu.sem_alloc : memref<!tpu.dma_semaphore, #tpu.memory_space<semaphore_mem>>
          %dma_start3A_169 = arith.constant 0 : i32
          %dma_start3A_170 = arith.constant 0 : i32
          %dma_start3A_171 = tpu.memref_slice %arg4[%add3A_153, %dma_start3A_169, %dma_start3A_170] : memref<2560x2x128xi32, #tpu.memory_space<hbm>> -> memref<1x2x128xi32, #tpu.memory_space<hbm>>
          %dma_start3A_172 = tpu.memref_squeeze %dma_start3A_171 : memref<1x2x128xi32, #tpu.memory_space<hbm>> -> memref<2x128xi32, #tpu.memory_space<hbm>>
          %dma_start3A_173 = arith.constant 0 : i32
          %dma_start3A_174 = arith.constant 0 : i32
          %dma_start3A_175 = tpu.memref_slice %arg4[%add3A_153, %dma_start3A_173, %dma_start3A_174] : memref<2560x2x128xi32, #tpu.memory_space<hbm>> -> memref<1x2x128xi32, #tpu.memory_space<hbm>>
          %dma_start3A_176 = tpu.memref_squeeze %dma_start3A_175 : memref<1x2x128xi32, #tpu.memory_space<hbm>> -> memref<2x128xi32, #tpu.memory_space<hbm>>
          tpu.enqueue_dma source(%dma_start3A_176 : memref<2x128xi32, #tpu.memory_space<hbm>>) target(%arg7 : memref<2x128xi32, #tpu.memory_space<vmem>>) target_semaphore(%run_scoped3A_168 : memref<!tpu.dma_semaphore, #tpu.memory_space<semaphore_mem>>)
          %dma_wait3A_177 = arith.constant 0 : i32
          %dma_wait3A_178 = arith.constant 0 : i32
          %dma_wait3A_179 = tpu.memref_slice %arg4[%add3A_153, %dma_wait3A_177, %dma_wait3A_178] : memref<2560x2x128xi32, #tpu.memory_space<hbm>> -> memref<1x2x128xi32, #tpu.memory_space<hbm>>
          %dma_wait3A_180 = tpu.memref_squeeze %dma_wait3A_179 : memref<1x2x128xi32, #tpu.memory_space<hbm>> -> memref<2x128xi32, #tpu.memory_space<hbm>>
          %dma_wait3A_181 = arith.constant 0 : i32
          %dma_wait3A_182 = arith.constant 0 : i32
          %dma_wait3A_183 = tpu.memref_slice %arg4[%add3A_153, %dma_wait3A_181, %dma_wait3A_182] : memref<2560x2x128xi32, #tpu.memory_space<hbm>> -> memref<1x2x128xi32, #tpu.memory_space<hbm>>
          %dma_wait3A_184 = tpu.memref_squeeze %dma_wait3A_183 : memref<1x2x128xi32, #tpu.memory_space<hbm>> -> memref<2x128xi32, #tpu.memory_space<hbm>>
          tpu.wait_dma2 semaphore(%run_scoped3A_168 : memref<!tpu.dma_semaphore, #tpu.memory_space<semaphore_mem>>) src(%dma_wait3A_184 : memref<2x128xi32, #tpu.memory_space<hbm>>) dst(%arg7 : memref<2x128xi32, #tpu.memory_space<vmem>>)
          tpu.yield
        }) : () -> ()
        %dma_start3A_154 = arith.constant 0 : i32
        %dma_start3A_155 = arith.constant 0 : i32
        %dma_start3A_156 = tpu.memref_slice %arg7[%dma_start3A_154, %dma_start3A_155] : memref<2x128xi32, #tpu.memory_space<vmem>> -> memref<1x128xi32, #tpu.memory_space<vmem>>
        %dma_start3A_157 = tpu.memref_squeeze %dma_start3A_156 : memref<1x128xi32, #tpu.memory_space<vmem>> -> memref<128xi32, #tpu.memory_space<vmem>>
        %dma_start3A_158 = arith.constant 0 : i32
        %dma_start3A_159 = arith.constant 0 : i32
        %dma_start3A_160 = tpu.memref_slice %arg2[%dma_start3A_158, %dma_start3A_159] : memref<10112x80xf32, #tpu.memory_space<hbm>> -> memref<10112x80xf32, #tpu.memory_space<hbm>>
        tpu.enqueue_indirect_dma source(%dma_start3A_160 : memref<10112x80xf32, #tpu.memory_space<hbm>>) target(%arg9 : memref<128x80xf32, #tpu.memory_space<vmem>>) offsets(%dma_start3A_157 : memref<128xi32, #tpu.memory_space<vmem>>) semaphore(%arg15 : memref<!tpu.dma_semaphore, #tpu.memory_space<semaphore_mem>>)
        %dma_start3A_161 = arith.constant 1 : i32
        %dma_start3A_162 = arith.constant 0 : i32
        %dma_start3A_163 = tpu.memref_slice %arg7[%dma_start3A_161, %dma_start3A_162] : memref<2x128xi32, #tpu.memory_space<vmem>> -> memref<1x128xi32, #tpu.memory_space<vmem>>
        %dma_start3A_164 = tpu.memref_squeeze %dma_start3A_163 : memref<1x128xi32, #tpu.memory_space<vmem>> -> memref<128xi32, #tpu.memory_space<vmem>>
        %dma_start3A_165 = arith.constant 0 : i32
        %dma_start3A_166 = arith.constant 0 : i32
        %dma_start3A_167 = tpu.memref_slice %arg3[%dma_start3A_165, %dma_start3A_166] : memref<10112x8xf32, #tpu.memory_space<hbm>> -> memref<10112x8xf32, #tpu.memory_space<hbm>>
        tpu.enqueue_indirect_dma source(%dma_start3A_167 : memref<10112x8xf32, #tpu.memory_space<hbm>>) target(%arg11 : memref<128x8xf32, #tpu.memory_space<vmem>>) offsets(%dma_start3A_164 : memref<128xi32, #tpu.memory_space<vmem>>) semaphore(%arg15 : memref<!tpu.dma_semaphore, #tpu.memory_space<semaphore_mem>>)
      } else {
      }
      %iota3A = tpu.iota {dimensions = array<i32: 0>} : vector<16xi32>
      %shift_right_arithmetic3A = arith.constant 3 : i32
      %shift_right_arithmetic3A_85 = vector.broadcast %shift_right_arithmetic3A : i32 to vector<16xi32>
      %shift_right_arithmetic3A_86 = arith.shrsi %iota3A, %shift_right_arithmetic3A_85 : vector<16xi32>
      %and3A_87 = arith.constant 7 : i32
      %and3A_88 = vector.broadcast %and3A_87 : i32 to vector<16xi32>
      %and3A_89 = arith.andi %iota3A, %and3A_88 : vector<16xi32>
      %scan3A_90 = arith.constant 0 : i32
      %scan3A_91 = arith.constant 0 : i32
      %scan3A_92 = arith.constant 64 : i32
      %scan3A_93 = arith.addi %scan3A_91, %scan3A_92 : i32
      %scan3A_94 = arith.constant 1 : i32
      %scan3A_95 = scf.for %scan3A_151 = %scan3A_91 to %scan3A_93 step %scan3A_94 iter_args(%scan3A_152 = %scan3A_90) -> (i32)  : i32 {
        %mul3A_153 = arith.constant 2 : i32
        %mul3A_154 = arith.muli %mul3A_153, %scan3A_151 : i32
        %add3A_155 = vector.broadcast %mul3A_154 : i32 to vector<16xi32>
        %add3A_156 = arith.addi %add3A_155, %shift_right_arithmetic3A_86 : vector<16xi32>
        %add3A_157 = arith.constant 64 : i32
        %add3A_158 = vector.broadcast %add3A_157 : i32 to vector<16xi32>
        %add3A_159 = arith.addi %add3A_158, %and3A_89 : vector<16xi32>
        %gather3A = tpu.vector_load_idx %arg8[%add3A_156, %add3A_159] : memref<128x80xf32, #tpu.memory_space<vmem>>[vector<16xi32>, vector<16xi32>], vector<16xf32>,
        %gather3A_160 = tpu.vector_load_idx %arg10[%add3A_156, %and3A_89] : memref<128x8xf32, #tpu.memory_space<vmem>>[vector<16xi32>, vector<16xi32>], vector<16xf32>,
        %add3A_161 = arith.addf %gather3A, %gather3A_160 : vector<16xf32>
        %ge3A = arith.constant 0.000000e+00 : f32
        %ge3A_162 = vector.broadcast %ge3A : f32 to vector<16xf32>
        %ge3A_163 = arith.cmpf oge, %add3A_161, %ge3A_162 : vector<16xf32>
        %mul3A_164 = arith.constant 2.000000e-01 : f32
        %mul3A_165 = vector.broadcast %mul3A_164 : f32 to vector<16xf32>
        %mul3A_166 = arith.mulf %mul3A_165, %add3A_161 : vector<16xf32>
        %select_n3A_167 = arith.select %ge3A_163, %add3A_161, %mul3A_166 : vector<16xi1>, vector<16xf32>
        %add3A_168 = arith.constant 64 : i32
        %add3A_169 = vector.broadcast %add3A_168 : i32 to vector<16xi32>
        %add3A_170 = arith.addi %add3A_169, %and3A_89 : vector<16xi32>
        %exp3A = math.exp %select_n3A_167 : vector<16xf32>
        tpu.vector_store_idx %arg8[%add3A_156, %add3A_170], %exp3A : memref<128x80xf32, #tpu.memory_space<vmem>>[vector<16xi32>, vector<16xi32>], vector<16xf32>,
        %scan3A_171 = arith.constant 0 : i32
        scf.yield %scan3A_171 : i32
      }
      %scan3A_96 = arith.constant 64 : i32
      %scan3A_97 = arith.constant 0 : i32
      %scan3A_98 = arith.constant 0 : i32
      %scan3A_99 = arith.constant 128 : i32
      %scan3A_100 = arith.addi %scan3A_98, %scan3A_99 : i32
      %scan3A_101 = arith.constant 1 : i32
      %scan3A_102 = scf.for %scan3A_151 = %scan3A_98 to %scan3A_100 step %scan3A_101 iter_args(%scan3A_152 = %scan3A_97) -> (i32)  : i32 {
        %get3A = arith.index_cast %scan3A_151 : i32 to index
        %get3A_153 = arith.constant 64 : index
        %get3A_154 = tpu.vector_load %arg8[%get3A, %get3A_153] {strides = array<i32>} : memref<128x80xf32, #tpu.memory_space<vmem>>, vector<16xf32>,
        %add3A_155 = arith.constant 0 : i32
        %add3A_156 = vector.broadcast %add3A_155 : i32 to vector<16xi32>
        %add3A_157 = arith.addi %add3A_156, %shift_right_arithmetic3A_86 : vector<16xi32>
        %lt3A_158 = arith.constant 0 : i32
        %lt3A_159 = vector.broadcast %lt3A_158 : i32 to vector<16xi32>
        %lt3A_160 = arith.cmpi slt, %add3A_157, %lt3A_159 : vector<16xi32>
        %add3A_161 = arith.constant 16 : i32
        %add3A_162 = vector.broadcast %add3A_161 : i32 to vector<16xi32>
        %add3A_163 = arith.addi %add3A_157, %add3A_162 : vector<16xi32>
        %select_n3A_164 = arith.select %lt3A_160, %add3A_163, %add3A_157 : vector<16xi1>, vector<16xi32>
        %broadcast_in_dim3A_165 = vector.shape_cast %select_n3A_164 : vector<16xi32> to vector<16x1xi32>
        %gather3A = vector.shape_cast %broadcast_in_dim3A_165 : vector<16x1xi32> to vector<16xi32>
        %gather3A_166 = tpu.dynamic_gather %get3A_154[%gather3A] in [0] : vector<16xf32>, vector<16xi32> -> vector<16xf32>
        %get3A_167 = arith.index_cast %scan3A_151 : i32 to index
        %get3A_168 = arith.constant 0 : index
        %get3A_169 = tpu.vector_load %arg8[%get3A_167, %get3A_168] {strides = array<i32>} : memref<128x80xf32, #tpu.memory_space<vmem>>, vector<16xf32>,
        %mul3A_170 = arith.mulf %get3A_169, %gather3A_166 : vector<16xf32>
        %swap3A = arith.index_cast %scan3A_151 : i32 to index
        %swap3A_171 = arith.constant 0 : index
        %swap3A_172 = tpu.vector_load %arg8[%swap3A, %swap3A_171] {strides = array<i32>} : memref<128x80xf32, #tpu.memory_space<vmem>>, vector<16xf32>,
        tpu.vector_store %arg8[%swap3A, %swap3A_171], %mul3A_170 {strides = array<i32>} : memref<128x80xf32, #tpu.memory_space<vmem>>, vector<16xf32>,
        %add3A_173 = arith.constant 2 : i32
        %add3A_174 = vector.broadcast %add3A_173 : i32 to vector<16xi32>
        %add3A_175 = arith.addi %add3A_174, %shift_right_arithmetic3A_86 : vector<16xi32>
        %lt3A_176 = arith.constant 0 : i32
        %lt3A_177 = vector.broadcast %lt3A_176 : i32 to vector<16xi32>
        %lt3A_178 = arith.cmpi slt, %add3A_175, %lt3A_177 : vector<16xi32>
        %add3A_179 = arith.constant 16 : i32
        %add3A_180 = vector.broadcast %add3A_179 : i32 to vector<16xi32>
        %add3A_181 = arith.addi %add3A_175, %add3A_180 : vector<16xi32>
        %select_n3A_182 = arith.select %lt3A_178, %add3A_181, %add3A_175 : vector<16xi1>, vector<16xi32>
        %broadcast_in_dim3A_183 = vector.shape_cast %select_n3A_182 : vector<16xi32> to vector<16x1xi32>
        %gather3A_184 = vector.shape_cast %broadcast_in_dim3A_183 : vector<16x1xi32> to vector<16xi32>
        %gather3A_185 = tpu.dynamic_gather %get3A_154[%gather3A_184] in [0] : vector<16xf32>, vector<16xi32> -> vector<16xf32>
        %get3A_186 = arith.index_cast %scan3A_151 : i32 to index
        %get3A_187 = arith.constant 16 : index
        %get3A_188 = tpu.vector_load %arg8[%get3A_186, %get3A_187] {strides = array<i32>} : memref<128x80xf32, #tpu.memory_space<vmem>>, vector<16xf32>,
        %mul3A_189 = arith.mulf %get3A_188, %gather3A_185 : vector<16xf32>
        %swap3A_190 = arith.index_cast %scan3A_151 : i32 to index
        %swap3A_191 = arith.constant 16 : index
        %swap3A_192 = tpu.vector_load %arg8[%swap3A_190, %swap3A_191] {strides = array<i32>} : memref<128x80xf32, #tpu.memory_space<vmem>>, vector<16xf32>,
        tpu.vector_store %arg8[%swap3A_190, %swap3A_191], %mul3A_189 {strides = array<i32>} : memref<128x80xf32, #tpu.memory_space<vmem>>, vector<16xf32>,
        %add3A_193 = arith.constant 4 : i32
        %add3A_194 = vector.broadcast %add3A_193 : i32 to vector<16xi32>
        %add3A_195 = arith.addi %add3A_194, %shift_right_arithmetic3A_86 : vector<16xi32>
        %lt3A_196 = arith.constant 0 : i32
        %lt3A_197 = vector.broadcast %lt3A_196 : i32 to vector<16xi32>
        %lt3A_198 = arith.cmpi slt, %add3A_195, %lt3A_197 : vector<16xi32>
        %add3A_199 = arith.constant 16 : i32
        %add3A_200 = vector.broadcast %add3A_199 : i32 to vector<16xi32>
        %add3A_201 = arith.addi %add3A_195, %add3A_200 : vector<16xi32>
        %select_n3A_202 = arith.select %lt3A_198, %add3A_201, %add3A_195 : vector<16xi1>, vector<16xi32>
        %broadcast_in_dim3A_203 = vector.shape_cast %select_n3A_202 : vector<16xi32> to vector<16x1xi32>
        %gather3A_204 = vector.shape_cast %broadcast_in_dim3A_203 : vector<16x1xi32> to vector<16xi32>
        %gather3A_205 = tpu.dynamic_gather %get3A_154[%gather3A_204] in [0] : vector<16xf32>, vector<16xi32> -> vector<16xf32>
        %get3A_206 = arith.index_cast %scan3A_151 : i32 to index
        %get3A_207 = arith.constant 32 : index
        %get3A_208 = tpu.vector_load %arg8[%get3A_206, %get3A_207] {strides = array<i32>} : memref<128x80xf32, #tpu.memory_space<vmem>>, vector<16xf32>,
        %mul3A_209 = arith.mulf %get3A_208, %gather3A_205 : vector<16xf32>
        %swap3A_210 = arith.index_cast %scan3A_151 : i32 to index
        %swap3A_211 = arith.constant 32 : index
        %swap3A_212 = tpu.vector_load %arg8[%swap3A_210, %swap3A_211] {strides = array<i32>} : memref<128x80xf32, #tpu.memory_space<vmem>>, vector<16xf32>,
        tpu.vector_store %arg8[%swap3A_210, %swap3A_211], %mul3A_209 {strides = array<i32>} : memref<128x80xf32, #tpu.memory_space<vmem>>, vector<16xf32>,
        %add3A_213 = arith.constant 6 : i32
        %add3A_214 = vector.broadcast %add3A_213 : i32 to vector<16xi32>
        %add3A_215 = arith.addi %add3A_214, %shift_right_arithmetic3A_86 : vector<16xi32>
        %lt3A_216 = arith.constant 0 : i32
        %lt3A_217 = vector.broadcast %lt3A_216 : i32 to vector<16xi32>
        %lt3A_218 = arith.cmpi slt, %add3A_215, %lt3A_217 : vector<16xi32>
        %add3A_219 = arith.constant 16 : i32
        %add3A_220 = vector.broadcast %add3A_219 : i32 to vector<16xi32>
        %add3A_221 = arith.addi %add3A_215, %add3A_220 : vector<16xi32>
        %select_n3A_222 = arith.select %lt3A_218, %add3A_221, %add3A_215 : vector<16xi1>, vector<16xi32>
        %broadcast_in_dim3A_223 = vector.shape_cast %select_n3A_222 : vector<16xi32> to vector<16x1xi32>
        %gather3A_224 = vector.shape_cast %broadcast_in_dim3A_223 : vector<16x1xi32> to vector<16xi32>
        %gather3A_225 = tpu.dynamic_gather %get3A_154[%gather3A_224] in [0] : vector<16xf32>, vector<16xi32> -> vector<16xf32>
        %get3A_226 = arith.index_cast %scan3A_151 : i32 to index
        %get3A_227 = arith.constant 48 : index
        %get3A_228 = tpu.vector_load %arg8[%get3A_226, %get3A_227] {strides = array<i32>} : memref<128x80xf32, #tpu.memory_space<vmem>>, vector<16xf32>,
        %mul3A_229 = arith.mulf %get3A_228, %gather3A_225 : vector<16xf32>
        %swap3A_230 = arith.index_cast %scan3A_151 : i32 to index
        %swap3A_231 = arith.constant 48 : index
        %swap3A_232 = tpu.vector_load %arg8[%swap3A_230, %swap3A_231] {strides = array<i32>} : memref<128x80xf32, #tpu.memory_space<vmem>>, vector<16xf32>,
        tpu.vector_store %arg8[%swap3A_230, %swap3A_231], %mul3A_229 {strides = array<i32>} : memref<128x80xf32, #tpu.memory_space<vmem>>, vector<16xf32>,
        %scan3A_233 = arith.constant 0 : i32
        scf.yield %scan3A_233 : i32
      }
      %scan3A_103 = arith.constant 128 : i32
      %run_scoped3A = arith.constant 1 : i32
      "tpu.region"() ({
        %run_scoped3A_151 = tpu.sem_alloc : memref<!tpu.dma_semaphore, #tpu.memory_space<semaphore_mem>>
        %dma_start3A_152 = arith.constant 0 : i32
        %dma_start3A_153 = tpu.memref_slice %arg6[%run_scoped3A, %dma_start3A_152] : memref<2x128xi32, #tpu.memory_space<vmem>> -> memref<1x128xi32, #tpu.memory_space<vmem>>
        %dma_start3A_154 = tpu.memref_squeeze %dma_start3A_153 : memref<1x128xi32, #tpu.memory_space<vmem>> -> memref<128xi32, #tpu.memory_space<vmem>>
        %dma_start3A_155 = arith.constant 0 : i32
        %dma_start3A_156 = arith.constant 0 : i32
        %dma_start3A_157 = tpu.memref_slice %arg13[%dma_start3A_155, %dma_start3A_156] : memref<10112x80xf32, #tpu.memory_space<vmem_shared>> -> memref<10112x80xf32, #tpu.memory_space<vmem_shared>>
        tpu.enqueue_indirect_dma source(%arg8 : memref<128x80xf32, #tpu.memory_space<vmem>>) target(%dma_start3A_157 : memref<10112x80xf32, #tpu.memory_space<vmem_shared>>) offsets(%dma_start3A_154 : memref<128xi32, #tpu.memory_space<vmem>>) semaphore(%run_scoped3A_151 : memref<!tpu.dma_semaphore, #tpu.memory_space<semaphore_mem>>) {add = true}
        %dma_wait3A_158 = arith.constant 0 : i32
        %dma_wait3A_159 = tpu.memref_slice %arg6[%run_scoped3A, %dma_wait3A_158] : memref<2x128xi32, #tpu.memory_space<vmem>> -> memref<1x128xi32, #tpu.memory_space<vmem>>
        %dma_wait3A_160 = tpu.memref_squeeze %dma_wait3A_159 : memref<1x128xi32, #tpu.memory_space<vmem>> -> memref<128xi32, #tpu.memory_space<vmem>>
        %dma_wait3A_161 = arith.constant 0 : i32
        %dma_wait3A_162 = arith.constant 0 : i32
        %dma_wait3A_163 = tpu.memref_slice %arg13[%dma_wait3A_161, %dma_wait3A_162] : memref<10112x80xf32, #tpu.memory_space<vmem_shared>> -> memref<10112x80xf32, #tpu.memory_space<vmem_shared>>
        tpu.wait_indirect_dma semaphore(%run_scoped3A_151 : memref<!tpu.dma_semaphore, #tpu.memory_space<semaphore_mem>>) src(%arg8 : memref<128x80xf32, #tpu.memory_space<vmem>>) dst(%dma_wait3A_163 : memref<10112x80xf32, #tpu.memory_space<vmem_shared>>)
        tpu.yield
      }) : () -> ()
      %mul3A_104 = arith.constant 2 : i32
      %mul3A_105 = arith.muli %mul3A_104, %while3A_63 : i32
      %add3A_106 = arith.constant 1 : i32
      %add3A_107 = arith.addi %mul3A_105, %add3A_106 : i32
      %dma_wait3A_108 = arith.constant 0 : i32
      %dma_wait3A_109 = arith.constant 0 : i32
      %dma_wait3A_110 = tpu.memref_slice %arg7[%dma_wait3A_108, %dma_wait3A_109] : memref<2x128xi32, #tpu.memory_space<vmem>> -> memref<1x128xi32, #tpu.memory_space<vmem>>
      %dma_wait3A_111 = tpu.memref_squeeze %dma_wait3A_110 : memref<1x128xi32, #tpu.memory_space<vmem>> -> memref<128xi32, #tpu.memory_space<vmem>>
      %dma_wait3A_112 = arith.constant 0 : i32
      %dma_wait3A_113 = arith.constant 0 : i32
      %dma_wait3A_114 = tpu.memref_slice %arg2[%dma_wait3A_112, %dma_wait3A_113] : memref<10112x80xf32, #tpu.memory_space<hbm>> -> memref<10112x80xf32, #tpu.memory_space<hbm>>
      tpu.wait_indirect_dma semaphore(%arg15 : memref<!tpu.dma_semaphore, #tpu.memory_space<semaphore_mem>>) src(%dma_wait3A_114 : memref<10112x80xf32, #tpu.memory_space<hbm>>) dst(%arg9 : memref<128x80xf32, #tpu.memory_space<vmem>>)
      %dma_wait3A_115 = arith.constant 1 : i32
      %dma_wait3A_116 = arith.constant 0 : i32
      %dma_wait3A_117 = tpu.memref_slice %arg7[%dma_wait3A_115, %dma_wait3A_116] : memref<2x128xi32, #tpu.memory_space<vmem>> -> memref<1x128xi32, #tpu.memory_space<vmem>>
      %dma_wait3A_118 = tpu.memref_squeeze %dma_wait3A_117 : memref<1x128xi32, #tpu.memory_space<vmem>> -> memref<128xi32, #tpu.memory_space<vmem>>
      %dma_wait3A_119 = arith.constant 0 : i32
      %dma_wait3A_120 = arith.constant 0 : i32
      %dma_wait3A_121 = tpu.memref_slice %arg3[%dma_wait3A_119, %dma_wait3A_120] : memref<10112x8xf32, #tpu.memory_space<hbm>> -> memref<10112x8xf32, #tpu.memory_space<hbm>>
      tpu.wait_indirect_dma semaphore(%arg15 : memref<!tpu.dma_semaphore, #tpu.memory_space<semaphore_mem>>) src(%dma_wait3A_121 : memref<10112x8xf32, #tpu.memory_space<hbm>>) dst(%arg11 : memref<128x8xf32, #tpu.memory_space<vmem>>)
      %sub3A_122 = arith.constant 1 : i32
      %sub3A_123 = arith.subi %select_n3A_17, %sub3A_122 : i32
      %lt3A_124 = arith.cmpi slt, %add3A_107, %sub3A_123 : i32
      %convert_element_type3A_125 = arith.extui %lt3A_124 : i1 to i32
      %cond3A_126 = arith.constant 0 : i32
      %cond3A_127 = arith.cmpi ne, %convert_element_type3A_125, %cond3A_126 : i32
      scf.if %cond3A_127 {
        %add3A_151 = arith.addi %select_n3A, %add3A_107 : i32
        %add3A_152 = arith.constant 1 : i32
        %add3A_153 = arith.addi %add3A_151, %add3A_152 : i32
        "tpu.region"() ({
          %run_scoped3A_168 = tpu.sem_alloc : memref<!tpu.dma_semaphore, #tpu.memory_space<semaphore_mem>>
          %dma_start3A_169 = arith.constant 0 : i32
          %dma_start3A_170 = arith.constant 0 : i32
          %dma_start3A_171 = tpu.memref_slice %arg4[%add3A_153, %dma_start3A_169, %dma_start3A_170] : memref<2560x2x128xi32, #tpu.memory_space<hbm>> -> memref<1x2x128xi32, #tpu.memory_space<hbm>>
          %dma_start3A_172 = tpu.memref_squeeze %dma_start3A_171 : memref<1x2x128xi32, #tpu.memory_space<hbm>> -> memref<2x128xi32, #tpu.memory_space<hbm>>
          %dma_start3A_173 = arith.constant 0 : i32
          %dma_start3A_174 = arith.constant 0 : i32
          %dma_start3A_175 = tpu.memref_slice %arg4[%add3A_153, %dma_start3A_173, %dma_start3A_174] : memref<2560x2x128xi32, #tpu.memory_space<hbm>> -> memref<1x2x128xi32, #tpu.memory_space<hbm>>
          %dma_start3A_176 = tpu.memref_squeeze %dma_start3A_175 : memref<1x2x128xi32, #tpu.memory_space<hbm>> -> memref<2x128xi32, #tpu.memory_space<hbm>>
          tpu.enqueue_dma source(%dma_start3A_176 : memref<2x128xi32, #tpu.memory_space<hbm>>) target(%arg6 : memref<2x128xi32, #tpu.memory_space<vmem>>) target_semaphore(%run_scoped3A_168 : memref<!tpu.dma_semaphore, #tpu.memory_space<semaphore_mem>>)
          %dma_wait3A_177 = arith.constant 0 : i32
          %dma_wait3A_178 = arith.constant 0 : i32
          %dma_wait3A_179 = tpu.memref_slice %arg4[%add3A_153, %dma_wait3A_177, %dma_wait3A_178] : memref<2560x2x128xi32, #tpu.memory_space<hbm>> -> memref<1x2x128xi32, #tpu.memory_space<hbm>>
          %dma_wait3A_180 = tpu.memref_squeeze %dma_wait3A_179 : memref<1x2x128xi32, #tpu.memory_space<hbm>> -> memref<2x128xi32, #tpu.memory_space<hbm>>
          %dma_wait3A_181 = arith.constant 0 : i32
          %dma_wait3A_182 = arith.constant 0 : i32
          %dma_wait3A_183 = tpu.memref_slice %arg4[%add3A_153, %dma_wait3A_181, %dma_wait3A_182] : memref<2560x2x128xi32, #tpu.memory_space<hbm>> -> memref<1x2x128xi32, #tpu.memory_space<hbm>>
          %dma_wait3A_184 = tpu.memref_squeeze %dma_wait3A_183 : memref<1x2x128xi32, #tpu.memory_space<hbm>> -> memref<2x128xi32, #tpu.memory_space<hbm>>
          tpu.wait_dma2 semaphore(%run_scoped3A_168 : memref<!tpu.dma_semaphore, #tpu.memory_space<semaphore_mem>>) src(%dma_wait3A_184 : memref<2x128xi32, #tpu.memory_space<hbm>>) dst(%arg6 : memref<2x128xi32, #tpu.memory_space<vmem>>)
          tpu.yield
        }) : () -> ()
        %dma_start3A_154 = arith.constant 0 : i32
        %dma_start3A_155 = arith.constant 0 : i32
        %dma_start3A_156 = tpu.memref_slice %arg6[%dma_start3A_154, %dma_start3A_155] : memref<2x128xi32, #tpu.memory_space<vmem>> -> memref<1x128xi32, #tpu.memory_space<vmem>>
        %dma_start3A_157 = tpu.memref_squeeze %dma_start3A_156 : memref<1x128xi32, #tpu.memory_space<vmem>> -> memref<128xi32, #tpu.memory_space<vmem>>
        %dma_start3A_158 = arith.constant 0 : i32
        %dma_start3A_159 = arith.constant 0 : i32
        %dma_start3A_160 = tpu.memref_slice %arg2[%dma_start3A_158, %dma_start3A_159] : memref<10112x80xf32, #tpu.memory_space<hbm>> -> memref<10112x80xf32, #tpu.memory_space<hbm>>
        tpu.enqueue_indirect_dma source(%dma_start3A_160 : memref<10112x80xf32, #tpu.memory_space<hbm>>) target(%arg8 : memref<128x80xf32, #tpu.memory_space<vmem>>) offsets(%dma_start3A_157 : memref<128xi32, #tpu.memory_space<vmem>>) semaphore(%arg14 : memref<!tpu.dma_semaphore, #tpu.memory_space<semaphore_mem>>)
        %dma_start3A_161 = arith.constant 1 : i32
        %dma_start3A_162 = arith.constant 0 : i32
        %dma_start3A_163 = tpu.memref_slice %arg6[%dma_start3A_161, %dma_start3A_162] : memref<2x128xi32, #tpu.memory_space<vmem>> -> memref<1x128xi32, #tpu.memory_space<vmem>>
        %dma_start3A_164 = tpu.memref_squeeze %dma_start3A_163 : memref<1x128xi32, #tpu.memory_space<vmem>> -> memref<128xi32, #tpu.memory_space<vmem>>
        %dma_start3A_165 = arith.constant 0 : i32
        %dma_start3A_166 = arith.constant 0 : i32
        %dma_start3A_167 = tpu.memref_slice %arg3[%dma_start3A_165, %dma_start3A_166] : memref<10112x8xf32, #tpu.memory_space<hbm>> -> memref<10112x8xf32, #tpu.memory_space<hbm>>
        tpu.enqueue_indirect_dma source(%dma_start3A_167 : memref<10112x8xf32, #tpu.memory_space<hbm>>) target(%arg10 : memref<128x8xf32, #tpu.memory_space<vmem>>) offsets(%dma_start3A_164 : memref<128xi32, #tpu.memory_space<vmem>>) semaphore(%arg14 : memref<!tpu.dma_semaphore, #tpu.memory_space<semaphore_mem>>)
      } else {
      }
      %iota3A_128 = tpu.iota {dimensions = array<i32: 0>} : vector<16xi32>
      %shift_right_arithmetic3A_129 = arith.constant 3 : i32
      %shift_right_arithmetic3A_130 = vector.broadcast %shift_right_arithmetic3A_129 : i32 to vector<16xi32>
      %shift_right_arithmetic3A_131 = arith.shrsi %iota3A_128, %shift_right_arithmetic3A_130 : vector<16xi32>
      %and3A_132 = arith.constant 7 : i32
      %and3A_133 = vector.broadcast %and3A_132 : i32 to vector<16xi32>
      %and3A_134 = arith.andi %iota3A_128, %and3A_133 : vector<16xi32>
      %scan3A_135 = arith.constant 0 : i32
      %scan3A_136 = arith.constant 0 : i32
      %scan3A_137 = arith.constant 64 : i32
      %scan3A_138 = arith.addi %scan3A_136, %scan3A_137 : i32
      %scan3A_139 = arith.constant 1 : i32
      %scan3A_140 = scf.for %scan3A_151 = %scan3A_136 to %scan3A_138 step %scan3A_139 iter_args(%scan3A_152 = %scan3A_135) -> (i32)  : i32 {
        %mul3A_153 = arith.constant 2 : i32
        %mul3A_154 = arith.muli %mul3A_153, %scan3A_151 : i32
        %add3A_155 = vector.broadcast %mul3A_154 : i32 to vector<16xi32>
        %add3A_156 = arith.addi %add3A_155, %shift_right_arithmetic3A_131 : vector<16xi32>
        %add3A_157 = arith.constant 64 : i32
        %add3A_158 = vector.broadcast %add3A_157 : i32 to vector<16xi32>
        %add3A_159 = arith.addi %add3A_158, %and3A_134 : vector<16xi32>
        %gather3A = tpu.vector_load_idx %arg9[%add3A_156, %add3A_159] : memref<128x80xf32, #tpu.memory_space<vmem>>[vector<16xi32>, vector<16xi32>], vector<16xf32>,
        %gather3A_160 = tpu.vector_load_idx %arg11[%add3A_156, %and3A_134] : memref<128x8xf32, #tpu.memory_space<vmem>>[vector<16xi32>, vector<16xi32>], vector<16xf32>,
        %add3A_161 = arith.addf %gather3A, %gather3A_160 : vector<16xf32>
        %ge3A = arith.constant 0.000000e+00 : f32
        %ge3A_162 = vector.broadcast %ge3A : f32 to vector<16xf32>
        %ge3A_163 = arith.cmpf oge, %add3A_161, %ge3A_162 : vector<16xf32>
        %mul3A_164 = arith.constant 2.000000e-01 : f32
        %mul3A_165 = vector.broadcast %mul3A_164 : f32 to vector<16xf32>
        %mul3A_166 = arith.mulf %mul3A_165, %add3A_161 : vector<16xf32>
        %select_n3A_167 = arith.select %ge3A_163, %add3A_161, %mul3A_166 : vector<16xi1>, vector<16xf32>
        %add3A_168 = arith.constant 64 : i32
        %add3A_169 = vector.broadcast %add3A_168 : i32 to vector<16xi32>
        %add3A_170 = arith.addi %add3A_169, %and3A_134 : vector<16xi32>
        %exp3A = math.exp %select_n3A_167 : vector<16xf32>
        tpu.vector_store_idx %arg9[%add3A_156, %add3A_170], %exp3A : memref<128x80xf32, #tpu.memory_space<vmem>>[vector<16xi32>, vector<16xi32>], vector<16xf32>,
        %scan3A_171 = arith.constant 0 : i32
        scf.yield %scan3A_171 : i32
      }
      %scan3A_141 = arith.constant 64 : i32
      %scan3A_142 = arith.constant 0 : i32
      %scan3A_143 = arith.constant 0 : i32
      %scan3A_144 = arith.constant 128 : i32
      %scan3A_145 = arith.addi %scan3A_143, %scan3A_144 : i32
      %scan3A_146 = arith.constant 1 : i32
      %scan3A_147 = scf.for %scan3A_151 = %scan3A_143 to %scan3A_145 step %scan3A_146 iter_args(%scan3A_152 = %scan3A_142) -> (i32)  : i32 {
        %get3A = arith.index_cast %scan3A_151 : i32 to index
        %get3A_153 = arith.constant 64 : index
        %get3A_154 = tpu.vector_load %arg9[%get3A, %get3A_153] {strides = array<i32>} : memref<128x80xf32, #tpu.memory_space<vmem>>, vector<16xf32>,
        %add3A_155 = arith.constant 0 : i32
        %add3A_156 = vector.broadcast %add3A_155 : i32 to vector<16xi32>
        %add3A_157 = arith.addi %add3A_156, %shift_right_arithmetic3A_131 : vector<16xi32>
        %lt3A_158 = arith.constant 0 : i32
        %lt3A_159 = vector.broadcast %lt3A_158 : i32 to vector<16xi32>
        %lt3A_160 = arith.cmpi slt, %add3A_157, %lt3A_159 : vector<16xi32>
        %add3A_161 = arith.constant 16 : i32
        %add3A_162 = vector.broadcast %add3A_161 : i32 to vector<16xi32>
        %add3A_163 = arith.addi %add3A_157, %add3A_162 : vector<16xi32>
        %select_n3A_164 = arith.select %lt3A_160, %add3A_163, %add3A_157 : vector<16xi1>, vector<16xi32>
        %broadcast_in_dim3A_165 = vector.shape_cast %select_n3A_164 : vector<16xi32> to vector<16x1xi32>
        %gather3A = vector.shape_cast %broadcast_in_dim3A_165 : vector<16x1xi32> to vector<16xi32>
        %gather3A_166 = tpu.dynamic_gather %get3A_154[%gather3A] in [0] : vector<16xf32>, vector<16xi32> -> vector<16xf32>
        %get3A_167 = arith.index_cast %scan3A_151 : i32 to index
        %get3A_168 = arith.constant 0 : index
        %get3A_169 = tpu.vector_load %arg9[%get3A_167, %get3A_168] {strides = array<i32>} : memref<128x80xf32, #tpu.memory_space<vmem>>, vector<16xf32>,
        %mul3A_170 = arith.mulf %get3A_169, %gather3A_166 : vector<16xf32>
        %swap3A = arith.index_cast %scan3A_151 : i32 to index
        %swap3A_171 = arith.constant 0 : index
        %swap3A_172 = tpu.vector_load %arg9[%swap3A, %swap3A_171] {strides = array<i32>} : memref<128x80xf32, #tpu.memory_space<vmem>>, vector<16xf32>,
        tpu.vector_store %arg9[%swap3A, %swap3A_171], %mul3A_170 {strides = array<i32>} : memref<128x80xf32, #tpu.memory_space<vmem>>, vector<16xf32>,
        %add3A_173 = arith.constant 2 : i32
        %add3A_174 = vector.broadcast %add3A_173 : i32 to vector<16xi32>
        %add3A_175 = arith.addi %add3A_174, %shift_right_arithmetic3A_131 : vector<16xi32>
        %lt3A_176 = arith.constant 0 : i32
        %lt3A_177 = vector.broadcast %lt3A_176 : i32 to vector<16xi32>
        %lt3A_178 = arith.cmpi slt, %add3A_175, %lt3A_177 : vector<16xi32>
        %add3A_179 = arith.constant 16 : i32
        %add3A_180 = vector.broadcast %add3A_179 : i32 to vector<16xi32>
        %add3A_181 = arith.addi %add3A_175, %add3A_180 : vector<16xi32>
        %select_n3A_182 = arith.select %lt3A_178, %add3A_181, %add3A_175 : vector<16xi1>, vector<16xi32>
        %broadcast_in_dim3A_183 = vector.shape_cast %select_n3A_182 : vector<16xi32> to vector<16x1xi32>
        %gather3A_184 = vector.shape_cast %broadcast_in_dim3A_183 : vector<16x1xi32> to vector<16xi32>
        %gather3A_185 = tpu.dynamic_gather %get3A_154[%gather3A_184] in [0] : vector<16xf32>, vector<16xi32> -> vector<16xf32>
        %get3A_186 = arith.index_cast %scan3A_151 : i32 to index
        %get3A_187 = arith.constant 16 : index
        %get3A_188 = tpu.vector_load %arg9[%get3A_186, %get3A_187] {strides = array<i32>} : memref<128x80xf32, #tpu.memory_space<vmem>>, vector<16xf32>,
        %mul3A_189 = arith.mulf %get3A_188, %gather3A_185 : vector<16xf32>
        %swap3A_190 = arith.index_cast %scan3A_151 : i32 to index
        %swap3A_191 = arith.constant 16 : index
        %swap3A_192 = tpu.vector_load %arg9[%swap3A_190, %swap3A_191] {strides = array<i32>} : memref<128x80xf32, #tpu.memory_space<vmem>>, vector<16xf32>,
        tpu.vector_store %arg9[%swap3A_190, %swap3A_191], %mul3A_189 {strides = array<i32>} : memref<128x80xf32, #tpu.memory_space<vmem>>, vector<16xf32>,
        %add3A_193 = arith.constant 4 : i32
        %add3A_194 = vector.broadcast %add3A_193 : i32 to vector<16xi32>
        %add3A_195 = arith.addi %add3A_194, %shift_right_arithmetic3A_131 : vector<16xi32>
        %lt3A_196 = arith.constant 0 : i32
        %lt3A_197 = vector.broadcast %lt3A_196 : i32 to vector<16xi32>
        %lt3A_198 = arith.cmpi slt, %add3A_195, %lt3A_197 : vector<16xi32>
        %add3A_199 = arith.constant 16 : i32
        %add3A_200 = vector.broadcast %add3A_199 : i32 to vector<16xi32>
        %add3A_201 = arith.addi %add3A_195, %add3A_200 : vector<16xi32>
        %select_n3A_202 = arith.select %lt3A_198, %add3A_201, %add3A_195 : vector<16xi1>, vector<16xi32>
        %broadcast_in_dim3A_203 = vector.shape_cast %select_n3A_202 : vector<16xi32> to vector<16x1xi32>
        %gather3A_204 = vector.shape_cast %broadcast_in_dim3A_203 : vector<16x1xi32> to vector<16xi32>
        %gather3A_205 = tpu.dynamic_gather %get3A_154[%gather3A_204] in [0] : vector<16xf32>, vector<16xi32> -> vector<16xf32>
        %get3A_206 = arith.index_cast %scan3A_151 : i32 to index
        %get3A_207 = arith.constant 32 : index
        %get3A_208 = tpu.vector_load %arg9[%get3A_206, %get3A_207] {strides = array<i32>} : memref<128x80xf32, #tpu.memory_space<vmem>>, vector<16xf32>,
        %mul3A_209 = arith.mulf %get3A_208, %gather3A_205 : vector<16xf32>
        %swap3A_210 = arith.index_cast %scan3A_151 : i32 to index
        %swap3A_211 = arith.constant 32 : index
        %swap3A_212 = tpu.vector_load %arg9[%swap3A_210, %swap3A_211] {strides = array<i32>} : memref<128x80xf32, #tpu.memory_space<vmem>>, vector<16xf32>,
        tpu.vector_store %arg9[%swap3A_210, %swap3A_211], %mul3A_209 {strides = array<i32>} : memref<128x80xf32, #tpu.memory_space<vmem>>, vector<16xf32>,
        %add3A_213 = arith.constant 6 : i32
        %add3A_214 = vector.broadcast %add3A_213 : i32 to vector<16xi32>
        %add3A_215 = arith.addi %add3A_214, %shift_right_arithmetic3A_131 : vector<16xi32>
        %lt3A_216 = arith.constant 0 : i32
        %lt3A_217 = vector.broadcast %lt3A_216 : i32 to vector<16xi32>
        %lt3A_218 = arith.cmpi slt, %add3A_215, %lt3A_217 : vector<16xi32>
        %add3A_219 = arith.constant 16 : i32
        %add3A_220 = vector.broadcast %add3A_219 : i32 to vector<16xi32>
        %add3A_221 = arith.addi %add3A_215, %add3A_220 : vector<16xi32>
        %select_n3A_222 = arith.select %lt3A_218, %add3A_221, %add3A_215 : vector<16xi1>, vector<16xi32>
        %broadcast_in_dim3A_223 = vector.shape_cast %select_n3A_222 : vector<16xi32> to vector<16x1xi32>
        %gather3A_224 = vector.shape_cast %broadcast_in_dim3A_223 : vector<16x1xi32> to vector<16xi32>
        %gather3A_225 = tpu.dynamic_gather %get3A_154[%gather3A_224] in [0] : vector<16xf32>, vector<16xi32> -> vector<16xf32>
        %get3A_226 = arith.index_cast %scan3A_151 : i32 to index
        %get3A_227 = arith.constant 48 : index
        %get3A_228 = tpu.vector_load %arg9[%get3A_226, %get3A_227] {strides = array<i32>} : memref<128x80xf32, #tpu.memory_space<vmem>>, vector<16xf32>,
        %mul3A_229 = arith.mulf %get3A_228, %gather3A_225 : vector<16xf32>
        %swap3A_230 = arith.index_cast %scan3A_151 : i32 to index
        %swap3A_231 = arith.constant 48 : index
        %swap3A_232 = tpu.vector_load %arg9[%swap3A_230, %swap3A_231] {strides = array<i32>} : memref<128x80xf32, #tpu.memory_space<vmem>>, vector<16xf32>,
        tpu.vector_store %arg9[%swap3A_230, %swap3A_231], %mul3A_229 {strides = array<i32>} : memref<128x80xf32, #tpu.memory_space<vmem>>, vector<16xf32>,
        %scan3A_233 = arith.constant 0 : i32
        scf.yield %scan3A_233 : i32
      }
      %scan3A_148 = arith.constant 128 : i32
      %run_scoped3A_149 = arith.constant 1 : i32
      "tpu.region"() ({
        %run_scoped3A_151 = tpu.sem_alloc : memref<!tpu.dma_semaphore, #tpu.memory_space<semaphore_mem>>
        %dma_start3A_152 = arith.constant 0 : i32
        %dma_start3A_153 = tpu.memref_slice %arg7[%run_scoped3A_149, %dma_start3A_152] : memref<2x128xi32, #tpu.memory_space<vmem>> -> memref<1x128xi32, #tpu.memory_space<vmem>>
        %dma_start3A_154 = tpu.memref_squeeze %dma_start3A_153 : memref<1x128xi32, #tpu.memory_space<vmem>> -> memref<128xi32, #tpu.memory_space<vmem>>
        %dma_start3A_155 = arith.constant 0 : i32
        %dma_start3A_156 = arith.constant 0 : i32
        %dma_start3A_157 = tpu.memref_slice %arg13[%dma_start3A_155, %dma_start3A_156] : memref<10112x80xf32, #tpu.memory_space<vmem_shared>> -> memref<10112x80xf32, #tpu.memory_space<vmem_shared>>
        tpu.enqueue_indirect_dma source(%arg9 : memref<128x80xf32, #tpu.memory_space<vmem>>) target(%dma_start3A_157 : memref<10112x80xf32, #tpu.memory_space<vmem_shared>>) offsets(%dma_start3A_154 : memref<128xi32, #tpu.memory_space<vmem>>) semaphore(%run_scoped3A_151 : memref<!tpu.dma_semaphore, #tpu.memory_space<semaphore_mem>>) {add = true}
        %dma_wait3A_158 = arith.constant 0 : i32
        %dma_wait3A_159 = tpu.memref_slice %arg7[%run_scoped3A_149, %dma_wait3A_158] : memref<2x128xi32, #tpu.memory_space<vmem>> -> memref<1x128xi32, #tpu.memory_space<vmem>>
        %dma_wait3A_160 = tpu.memref_squeeze %dma_wait3A_159 : memref<1x128xi32, #tpu.memory_space<vmem>> -> memref<128xi32, #tpu.memory_space<vmem>>
        %dma_wait3A_161 = arith.constant 0 : i32
        %dma_wait3A_162 = arith.constant 0 : i32
        %dma_wait3A_163 = tpu.memref_slice %arg13[%dma_wait3A_161, %dma_wait3A_162] : memref<10112x80xf32, #tpu.memory_space<vmem_shared>> -> memref<10112x80xf32, #tpu.memory_space<vmem_shared>>
        tpu.wait_indirect_dma semaphore(%run_scoped3A_151 : memref<!tpu.dma_semaphore, #tpu.memory_space<semaphore_mem>>) src(%arg9 : memref<128x80xf32, #tpu.memory_space<vmem>>) dst(%dma_wait3A_163 : memref<10112x80xf32, #tpu.memory_space<vmem_shared>>)
        tpu.yield
      }) : () -> ()
      %while3A_150 = arith.constant 0 : i32
      scf.yield %while3A_150 : i32
    }
    %barrier3A_60 = arith.constant 0 : index
    tpu.barrier barrier_id(%barrier3A_60)
    %mul3A_61 = arith.constant 632 : i32
    %mul3A_62 = arith.muli %arg1, %mul3A_61 : i32
    "tpu.region"() ({
      %run_scoped3A = tpu.sem_alloc : memref<!tpu.dma_semaphore, #tpu.memory_space<semaphore_mem>>
      %dma_start3A_63 = arith.constant 0 : i32
      %dma_start3A_64 = tpu.memref_slice %arg13[%mul3A_62, %dma_start3A_63] : memref<10112x80xf32, #tpu.memory_space<vmem_shared>> -> memref<632x80xf32, #tpu.memory_space<vmem_shared>>
      %dma_start3A_65 = arith.constant 0 : i32
      %dma_start3A_66 = tpu.memref_slice %arg13[%mul3A_62, %dma_start3A_65] : memref<10112x80xf32, #tpu.memory_space<vmem_shared>> -> memref<632x80xf32, #tpu.memory_space<vmem_shared>>
      tpu.enqueue_dma source(%dma_start3A_66 : memref<632x80xf32, #tpu.memory_space<vmem_shared>>) target(%arg12 : memref<632x80xf32, #tpu.memory_space<vmem>>) target_semaphore(%run_scoped3A : memref<!tpu.dma_semaphore, #tpu.memory_space<semaphore_mem>>)
      %dma_wait3A = arith.constant 0 : i32
      %dma_wait3A_67 = tpu.memref_slice %arg13[%mul3A_62, %dma_wait3A] : memref<10112x80xf32, #tpu.memory_space<vmem_shared>> -> memref<632x80xf32, #tpu.memory_space<vmem_shared>>
      %dma_wait3A_68 = arith.constant 0 : i32
      %dma_wait3A_69 = tpu.memref_slice %arg13[%mul3A_62, %dma_wait3A_68] : memref<10112x80xf32, #tpu.memory_space<vmem_shared>> -> memref<632x80xf32, #tpu.memory_space<vmem_shared>>
      tpu.wait_dma2 semaphore(%run_scoped3A : memref<!tpu.dma_semaphore, #tpu.memory_space<semaphore_mem>>) src(%dma_wait3A_69 : memref<632x80xf32, #tpu.memory_space<vmem_shared>>) dst(%arg12 : memref<632x80xf32, #tpu.memory_space<vmem>>)
      tpu.yield
    }) : () -> ()
    "tpu.region"() ({
      %run_scoped3A = tpu.sem_alloc : memref<!tpu.dma_semaphore, #tpu.memory_space<semaphore_mem>>
      %dma_start3A_63 = arith.constant 0 : i32
      %dma_start3A_64 = tpu.memref_slice %arg5[%arg0, %mul3A_62, %dma_start3A_63] : memref<2x10112x80xf32, #tpu.memory_space<hbm>> -> memref<1x632x80xf32, #tpu.memory_space<hbm>>
      %dma_start3A_65 = tpu.memref_squeeze %dma_start3A_64 : memref<1x632x80xf32, #tpu.memory_space<hbm>> -> memref<632x80xf32, #tpu.memory_space<hbm>>
      %dma_start3A_66 = arith.constant 0 : i32
      %dma_start3A_67 = tpu.memref_slice %arg5[%arg0, %mul3A_62, %dma_start3A_66] : memref<2x10112x80xf32, #tpu.memory_space<hbm>> -> memref<1x632x80xf32, #tpu.memory_space<hbm>>
      %dma_start3A_68 = tpu.memref_squeeze %dma_start3A_67 : memref<1x632x80xf32, #tpu.memory_space<hbm>> -> memref<632x80xf32, #tpu.memory_space<hbm>>
      tpu.enqueue_dma source(%arg12 : memref<632x80xf32, #tpu.memory_space<vmem>>) target(%dma_start3A_68 : memref<632x80xf32, #tpu.memory_space<hbm>>) target_semaphore(%run_scoped3A : memref<!tpu.dma_semaphore, #tpu.memory_space<semaphore_mem>>)
      %dma_wait3A = arith.constant 0 : i32
      %dma_wait3A_69 = tpu.memref_slice %arg5[%arg0, %mul3A_62, %dma_wait3A] : memref<2x10112x80xf32, #tpu.memory_space<hbm>> -> memref<1x632x80xf32, #tpu.memory_space<hbm>>
      %dma_wait3A_70 = tpu.memref_squeeze %dma_wait3A_69 : memref<1x632x80xf32, #tpu.memory_space<hbm>> -> memref<632x80xf32, #tpu.memory_space<hbm>>
      %dma_wait3A_71 = arith.constant 0 : i32
      %dma_wait3A_72 = tpu.memref_slice %arg5[%arg0, %mul3A_62, %dma_wait3A_71] : memref<2x10112x80xf32, #tpu.memory_space<hbm>> -> memref<1x632x80xf32, #tpu.memory_space<hbm>>
      %dma_wait3A_73 = tpu.memref_squeeze %dma_wait3A_72 : memref<1x632x80xf32, #tpu.memory_space<hbm>> -> memref<632x80xf32, #tpu.memory_space<hbm>>
      tpu.wait_dma2 semaphore(%run_scoped3A : memref<!tpu.dma_semaphore, #tpu.memory_space<semaphore_mem>>) src(%arg12 : memref<632x80xf32, #tpu.memory_space<vmem>>) dst(%dma_wait3A_73 : memref<632x80xf32, #tpu.memory_space<hbm>>)
      tpu.yield
    }) : () -> ()
    return
  }
}

#map = affine_map<(d0, d1) -> (0, 0)>
#map1 = affine_map<(d0, d1) -> (0, 0, 0)>
module attributes {stable_mosaic.version = 14 : i64} {
  func.func @_sc_layer2(%arg0: i32, %arg1: i32, %arg2: memref<10112x48xf32, #tpu.memory_space<hbm>>, %arg3: memref<10112x8xf32, #tpu.memory_space<hbm>>, %arg4: memref<2560x2x128xi32, #tpu.memory_space<hbm>>, %arg5: memref<2x10112x48xf32, #tpu.memory_space<hbm>>, %arg6: memref<2x128xi32, #tpu.memory_space<vmem>>, %arg7: memref<2x128xi32, #tpu.memory_space<vmem>>, %arg8: memref<128x48xf32, #tpu.memory_space<vmem>>, %arg9: memref<128x48xf32, #tpu.memory_space<vmem>>, %arg10: memref<128x8xf32, #tpu.memory_space<vmem>>, %arg11: memref<128x8xf32, #tpu.memory_space<vmem>>, %arg12: memref<632x48xf32, #tpu.memory_space<vmem>>, %arg13: memref<10112x48xf32, #tpu.memory_space<vmem_shared>>, %arg14: memref<!tpu.dma_semaphore, #tpu.memory_space<semaphore_mem>>, %arg15: memref<!tpu.dma_semaphore, #tpu.memory_space<semaphore_mem>>) attributes {dimension_semantics = [#tpu.dimension_semantics<core_parallel>, #tpu.dimension_semantics<subcore_parallel>], iteration_bounds = array<i64: 2, 16>, scalar_prefetch = 0 : i64, scratch_operands = 10 : i64, tpu.core_type = #tpu.core_type<sc_vector_subcore>, window_params = [{transform_indices = #map}, {transform_indices = #map}, {transform_indices = #map1}, {transform_indices = #map1}]} {
    %broadcast_in_dim3A = arith.constant 0.000000e+00 : f32
    %broadcast_in_dim3A_0 = vector.broadcast %broadcast_in_dim3A : f32 to vector<16xf32>
    %scan3A = arith.constant 0 : i32
    %scan3A_1 = arith.constant 0 : i32
    %scan3A_2 = arith.constant 1896 : i32
    %scan3A_3 = arith.addi %scan3A_1, %scan3A_2 : i32
    %scan3A_4 = arith.constant 1 : i32
    %scan3A_5 = scf.for %scan3A_63 = %scan3A_1 to %scan3A_3 step %scan3A_4 iter_args(%scan3A_64 = %scan3A) -> (i32)  : i32 {
      %jit3A_65 = arith.constant 3 : i32
      %div3A_66 = arith.divsi %scan3A_63, %jit3A_65 : i32
      %sign3A_67 = arith.constant 0 : i32
      %sign3A_68 = arith.cmpi sgt, %scan3A_63, %sign3A_67 : i32
      %sign3A_69 = arith.extui %sign3A_68 : i1 to i32
      %sign3A_70 = arith.constant 0 : i32
      %sign3A_71 = arith.cmpi slt, %scan3A_63, %sign3A_70 : i32
      %sign3A_72 = arith.extui %sign3A_71 : i1 to i32
      %sign3A_73 = arith.subi %sign3A_69, %sign3A_72 : i32
      %sign3A_74 = arith.constant 0 : i32
      %sign3A_75 = arith.cmpi sgt, %jit3A_65, %sign3A_74 : i32
      %sign3A_76 = arith.extui %sign3A_75 : i1 to i32
      %sign3A_77 = arith.constant 0 : i32
      %sign3A_78 = arith.cmpi slt, %jit3A_65, %sign3A_77 : i32
      %sign3A_79 = arith.extui %sign3A_78 : i1 to i32
      %sign3A_80 = arith.subi %sign3A_76, %sign3A_79 : i32
      %ne3A_81 = arith.cmpi ne, %sign3A_73, %sign3A_80 : i32
      %rem3A_82 = arith.remsi %scan3A_63, %jit3A_65 : i32
      %ne3A_83 = arith.constant 0 : i32
      %ne3A_84 = arith.cmpi ne, %rem3A_82, %ne3A_83 : i32
      %and3A_85 = arith.andi %ne3A_81, %ne3A_84 : i1
      %sub3A_86 = arith.constant 1 : i32
      %sub3A_87 = arith.subi %div3A_66, %sub3A_86 : i32
      %select_n3A_88 = arith.select %and3A_85, %sub3A_87, %div3A_66 : i32
      %mul3A_89 = arith.constant 3 : i32
      %mul3A_90 = arith.muli %select_n3A_88, %mul3A_89 : i32
      %sub3A_91 = arith.subi %scan3A_63, %mul3A_90 : i32
      %mul3A_92 = arith.constant 16 : i32
      %mul3A_93 = arith.muli %mul3A_92, %sub3A_91 : i32
      %swap3A = arith.index_cast %select_n3A_88 : i32 to index
      %swap3A_94 = arith.index_cast %mul3A_93 : i32 to index
      %swap3A_95 = tpu.vector_load %arg12[%swap3A, %swap3A_94] {strides = array<i32>} : memref<632x48xf32, #tpu.memory_space<vmem>>, vector<16xf32>,
      tpu.vector_store %arg12[%swap3A, %swap3A_94], %broadcast_in_dim3A_0 {strides = array<i32>} : memref<632x48xf32, #tpu.memory_space<vmem>>, vector<16xf32>,
      %scan3A_96 = arith.constant 0 : i32
      scf.yield %scan3A_96 : i32
    }
    %scan3A_6 = arith.constant 1896 : i32
    %mul3A = arith.constant 632 : i32
    %mul3A_7 = arith.muli %arg1, %mul3A : i32
    "tpu.region"() ({
      %run_scoped3A = tpu.sem_alloc : memref<!tpu.dma_semaphore, #tpu.memory_space<semaphore_mem>>
      %dma_start3A_63 = arith.constant 0 : i32
      %dma_start3A_64 = tpu.memref_slice %arg13[%mul3A_7, %dma_start3A_63] : memref<10112x48xf32, #tpu.memory_space<vmem_shared>> -> memref<632x48xf32, #tpu.memory_space<vmem_shared>>
      %dma_start3A_65 = arith.constant 0 : i32
      %dma_start3A_66 = tpu.memref_slice %arg13[%mul3A_7, %dma_start3A_65] : memref<10112x48xf32, #tpu.memory_space<vmem_shared>> -> memref<632x48xf32, #tpu.memory_space<vmem_shared>>
      tpu.enqueue_dma source(%arg12 : memref<632x48xf32, #tpu.memory_space<vmem>>) target(%dma_start3A_66 : memref<632x48xf32, #tpu.memory_space<vmem_shared>>) target_semaphore(%run_scoped3A : memref<!tpu.dma_semaphore, #tpu.memory_space<semaphore_mem>>)
      %dma_wait3A = arith.constant 0 : i32
      %dma_wait3A_67 = tpu.memref_slice %arg13[%mul3A_7, %dma_wait3A] : memref<10112x48xf32, #tpu.memory_space<vmem_shared>> -> memref<632x48xf32, #tpu.memory_space<vmem_shared>>
      %dma_wait3A_68 = arith.constant 0 : i32
      %dma_wait3A_69 = tpu.memref_slice %arg13[%mul3A_7, %dma_wait3A_68] : memref<10112x48xf32, #tpu.memory_space<vmem_shared>> -> memref<632x48xf32, #tpu.memory_space<vmem_shared>>
      tpu.wait_dma2 semaphore(%run_scoped3A : memref<!tpu.dma_semaphore, #tpu.memory_space<semaphore_mem>>) src(%arg12 : memref<632x48xf32, #tpu.memory_space<vmem>>) dst(%dma_wait3A_69 : memref<632x48xf32, #tpu.memory_space<vmem_shared>>)
      tpu.yield
    }) : () -> ()
    %barrier3A = arith.constant 0 : index
    tpu.barrier barrier_id(%barrier3A)
    %eq3A = arith.constant 0 : i32
    %eq3A_8 = arith.cmpi eq, %arg0, %eq3A : i32
    %mul3A_9 = arith.constant 104 : i32
    %mul3A_10 = arith.muli %arg1, %mul3A_9 : i32
    %mul3A_11 = arith.constant 56 : i32
    %mul3A_12 = arith.muli %arg1, %mul3A_11 : i32
    %add3A = arith.constant 1664 : i32
    %add3A_13 = arith.addi %add3A, %mul3A_12 : i32
    %select_n3A = arith.select %eq3A_8, %mul3A_10, %add3A_13 : i32
    %eq3A_14 = arith.constant 0 : i32
    %eq3A_15 = arith.cmpi eq, %arg0, %eq3A_14 : i32
    %jit3A = arith.constant 104 : i32
    %jit3A_16 = arith.constant 56 : i32
    %select_n3A_17 = arith.select %eq3A_15, %jit3A, %jit3A_16 : i32
    "tpu.region"() ({
      %run_scoped3A = tpu.sem_alloc : memref<!tpu.dma_semaphore, #tpu.memory_space<semaphore_mem>>
      %dma_start3A_63 = arith.constant 0 : i32
      %dma_start3A_64 = arith.constant 0 : i32
      %dma_start3A_65 = tpu.memref_slice %arg4[%select_n3A, %dma_start3A_63, %dma_start3A_64] : memref<2560x2x128xi32, #tpu.memory_space<hbm>> -> memref<1x2x128xi32, #tpu.memory_space<hbm>>
      %dma_start3A_66 = tpu.memref_squeeze %dma_start3A_65 : memref<1x2x128xi32, #tpu.memory_space<hbm>> -> memref<2x128xi32, #tpu.memory_space<hbm>>
      %dma_start3A_67 = arith.constant 0 : i32
      %dma_start3A_68 = arith.constant 0 : i32
      %dma_start3A_69 = tpu.memref_slice %arg4[%select_n3A, %dma_start3A_67, %dma_start3A_68] : memref<2560x2x128xi32, #tpu.memory_space<hbm>> -> memref<1x2x128xi32, #tpu.memory_space<hbm>>
      %dma_start3A_70 = tpu.memref_squeeze %dma_start3A_69 : memref<1x2x128xi32, #tpu.memory_space<hbm>> -> memref<2x128xi32, #tpu.memory_space<hbm>>
      tpu.enqueue_dma source(%dma_start3A_70 : memref<2x128xi32, #tpu.memory_space<hbm>>) target(%arg6 : memref<2x128xi32, #tpu.memory_space<vmem>>) target_semaphore(%run_scoped3A : memref<!tpu.dma_semaphore, #tpu.memory_space<semaphore_mem>>)
      %dma_wait3A = arith.constant 0 : i32
      %dma_wait3A_71 = arith.constant 0 : i32
      %dma_wait3A_72 = tpu.memref_slice %arg4[%select_n3A, %dma_wait3A, %dma_wait3A_71] : memref<2560x2x128xi32, #tpu.memory_space<hbm>> -> memref<1x2x128xi32, #tpu.memory_space<hbm>>
      %dma_wait3A_73 = tpu.memref_squeeze %dma_wait3A_72 : memref<1x2x128xi32, #tpu.memory_space<hbm>> -> memref<2x128xi32, #tpu.memory_space<hbm>>
      %dma_wait3A_74 = arith.constant 0 : i32
      %dma_wait3A_75 = arith.constant 0 : i32
      %dma_wait3A_76 = tpu.memref_slice %arg4[%select_n3A, %dma_wait3A_74, %dma_wait3A_75] : memref<2560x2x128xi32, #tpu.memory_space<hbm>> -> memref<1x2x128xi32, #tpu.memory_space<hbm>>
      %dma_wait3A_77 = tpu.memref_squeeze %dma_wait3A_76 : memref<1x2x128xi32, #tpu.memory_space<hbm>> -> memref<2x128xi32, #tpu.memory_space<hbm>>
      tpu.wait_dma2 semaphore(%run_scoped3A : memref<!tpu.dma_semaphore, #tpu.memory_space<semaphore_mem>>) src(%dma_wait3A_77 : memref<2x128xi32, #tpu.memory_space<hbm>>) dst(%arg6 : memref<2x128xi32, #tpu.memory_space<vmem>>)
      tpu.yield
    }) : () -> ()
    %dma_start3A = arith.constant 0 : i32
    %dma_start3A_18 = arith.constant 0 : i32
    %dma_start3A_19 = tpu.memref_slice %arg6[%dma_start3A, %dma_start3A_18] : memref<2x128xi32, #tpu.memory_space<vmem>> -> memref<1x128xi32, #tpu.memory_space<vmem>>
    %dma_start3A_20 = tpu.memref_squeeze %dma_start3A_19 : memref<1x128xi32, #tpu.memory_space<vmem>> -> memref<128xi32, #tpu.memory_space<vmem>>
    %dma_start3A_21 = arith.constant 0 : i32
    %dma_start3A_22 = arith.constant 0 : i32
    %dma_start3A_23 = tpu.memref_slice %arg2[%dma_start3A_21, %dma_start3A_22] : memref<10112x48xf32, #tpu.memory_space<hbm>> -> memref<10112x48xf32, #tpu.memory_space<hbm>>
    tpu.enqueue_indirect_dma source(%dma_start3A_23 : memref<10112x48xf32, #tpu.memory_space<hbm>>) target(%arg8 : memref<128x48xf32, #tpu.memory_space<vmem>>) offsets(%dma_start3A_20 : memref<128xi32, #tpu.memory_space<vmem>>) semaphore(%arg14 : memref<!tpu.dma_semaphore, #tpu.memory_space<semaphore_mem>>)
    %dma_start3A_24 = arith.constant 1 : i32
    %dma_start3A_25 = arith.constant 0 : i32
    %dma_start3A_26 = tpu.memref_slice %arg6[%dma_start3A_24, %dma_start3A_25] : memref<2x128xi32, #tpu.memory_space<vmem>> -> memref<1x128xi32, #tpu.memory_space<vmem>>
    %dma_start3A_27 = tpu.memref_squeeze %dma_start3A_26 : memref<1x128xi32, #tpu.memory_space<vmem>> -> memref<128xi32, #tpu.memory_space<vmem>>
    %dma_start3A_28 = arith.constant 0 : i32
    %dma_start3A_29 = arith.constant 0 : i32
    %dma_start3A_30 = tpu.memref_slice %arg3[%dma_start3A_28, %dma_start3A_29] : memref<10112x8xf32, #tpu.memory_space<hbm>> -> memref<10112x8xf32, #tpu.memory_space<hbm>>
    tpu.enqueue_indirect_dma source(%dma_start3A_30 : memref<10112x8xf32, #tpu.memory_space<hbm>>) target(%arg10 : memref<128x8xf32, #tpu.memory_space<vmem>>) offsets(%dma_start3A_27 : memref<128xi32, #tpu.memory_space<vmem>>) semaphore(%arg14 : memref<!tpu.dma_semaphore, #tpu.memory_space<semaphore_mem>>)
    %jit3A_31 = arith.constant 2 : i32
    %div3A = arith.divsi %select_n3A_17, %jit3A_31 : i32
    %sign3A = arith.constant 0 : i32
    %sign3A_32 = arith.cmpi sgt, %select_n3A_17, %sign3A : i32
    %sign3A_33 = arith.extui %sign3A_32 : i1 to i32
    %sign3A_34 = arith.constant 0 : i32
    %sign3A_35 = arith.cmpi slt, %select_n3A_17, %sign3A_34 : i32
    %sign3A_36 = arith.extui %sign3A_35 : i1 to i32
    %sign3A_37 = arith.subi %sign3A_33, %sign3A_36 : i32
    %sign3A_38 = arith.constant 0 : i32
    %sign3A_39 = arith.cmpi sgt, %jit3A_31, %sign3A_38 : i32
    %sign3A_40 = arith.extui %sign3A_39 : i1 to i32
    %sign3A_41 = arith.constant 0 : i32
    %sign3A_42 = arith.cmpi slt, %jit3A_31, %sign3A_41 : i32
    %sign3A_43 = arith.extui %sign3A_42 : i1 to i32
    %sign3A_44 = arith.subi %sign3A_40, %sign3A_43 : i32
    %ne3A = arith.cmpi ne, %sign3A_37, %sign3A_44 : i32
    %rem3A = arith.remsi %select_n3A_17, %jit3A_31 : i32
    %ne3A_45 = arith.constant 0 : i32
    %ne3A_46 = arith.cmpi ne, %rem3A, %ne3A_45 : i32
    %and3A = arith.andi %ne3A, %ne3A_46 : i1
    %sub3A = arith.constant 1 : i32
    %sub3A_47 = arith.subi %div3A, %sub3A : i32
    %select_n3A_48 = arith.select %and3A, %sub3A_47, %div3A : i32
    %while3A = arith.constant 0 : i32
    %while3A_49 = arith.constant 0 : i32
    %while3A_50 = arith.subi %select_n3A_48, %while3A : i32
    %while3A_51 = arith.addi %while3A, %while3A_50 : i32
    %while3A_52 = arith.constant 1 : i32
    %while3A_53 = arith.divsi %while3A_50, %while3A_52 : i32
    %while3A_54 = arith.muli %while3A_53, %while3A_52 : i32
    %while3A_55 = arith.addi %while3A, %while3A_54 : i32
    %while3A_56 = arith.constant 1 : i32
    %while3A_57 = scf.for %while3A_63 = %while3A to %while3A_55 step %while3A_56 iter_args(%while3A_64 = %while3A_49) -> (i32)  : i32 {
      %mul3A_65 = arith.constant 2 : i32
      %mul3A_66 = arith.muli %mul3A_65, %while3A_63 : i32
      %add3A_67 = arith.constant 0 : i32
      %add3A_68 = arith.addi %mul3A_66, %add3A_67 : i32
      %dma_wait3A = arith.constant 0 : i32
      %dma_wait3A_69 = arith.constant 0 : i32
      %dma_wait3A_70 = tpu.memref_slice %arg6[%dma_wait3A, %dma_wait3A_69] : memref<2x128xi32, #tpu.memory_space<vmem>> -> memref<1x128xi32, #tpu.memory_space<vmem>>
      %dma_wait3A_71 = tpu.memref_squeeze %dma_wait3A_70 : memref<1x128xi32, #tpu.memory_space<vmem>> -> memref<128xi32, #tpu.memory_space<vmem>>
      %dma_wait3A_72 = arith.constant 0 : i32
      %dma_wait3A_73 = arith.constant 0 : i32
      %dma_wait3A_74 = tpu.memref_slice %arg2[%dma_wait3A_72, %dma_wait3A_73] : memref<10112x48xf32, #tpu.memory_space<hbm>> -> memref<10112x48xf32, #tpu.memory_space<hbm>>
      tpu.wait_indirect_dma semaphore(%arg14 : memref<!tpu.dma_semaphore, #tpu.memory_space<semaphore_mem>>) src(%dma_wait3A_74 : memref<10112x48xf32, #tpu.memory_space<hbm>>) dst(%arg8 : memref<128x48xf32, #tpu.memory_space<vmem>>)
      %dma_wait3A_75 = arith.constant 1 : i32
      %dma_wait3A_76 = arith.constant 0 : i32
      %dma_wait3A_77 = tpu.memref_slice %arg6[%dma_wait3A_75, %dma_wait3A_76] : memref<2x128xi32, #tpu.memory_space<vmem>> -> memref<1x128xi32, #tpu.memory_space<vmem>>
      %dma_wait3A_78 = tpu.memref_squeeze %dma_wait3A_77 : memref<1x128xi32, #tpu.memory_space<vmem>> -> memref<128xi32, #tpu.memory_space<vmem>>
      %dma_wait3A_79 = arith.constant 0 : i32
      %dma_wait3A_80 = arith.constant 0 : i32
      %dma_wait3A_81 = tpu.memref_slice %arg3[%dma_wait3A_79, %dma_wait3A_80] : memref<10112x8xf32, #tpu.memory_space<hbm>> -> memref<10112x8xf32, #tpu.memory_space<hbm>>
      tpu.wait_indirect_dma semaphore(%arg14 : memref<!tpu.dma_semaphore, #tpu.memory_space<semaphore_mem>>) src(%dma_wait3A_81 : memref<10112x8xf32, #tpu.memory_space<hbm>>) dst(%arg10 : memref<128x8xf32, #tpu.memory_space<vmem>>)
      %sub3A_82 = arith.constant 1 : i32
      %sub3A_83 = arith.subi %select_n3A_17, %sub3A_82 : i32
      %lt3A = arith.cmpi slt, %add3A_68, %sub3A_83 : i32
      %convert_element_type3A = arith.extui %lt3A : i1 to i32
      %cond3A = arith.constant 0 : i32
      %cond3A_84 = arith.cmpi ne, %convert_element_type3A, %cond3A : i32
      scf.if %cond3A_84 {
        %add3A_144 = arith.addi %select_n3A, %add3A_68 : i32
        %add3A_145 = arith.constant 1 : i32
        %add3A_146 = arith.addi %add3A_144, %add3A_145 : i32
        "tpu.region"() ({
          %run_scoped3A_161 = tpu.sem_alloc : memref<!tpu.dma_semaphore, #tpu.memory_space<semaphore_mem>>
          %dma_start3A_162 = arith.constant 0 : i32
          %dma_start3A_163 = arith.constant 0 : i32
          %dma_start3A_164 = tpu.memref_slice %arg4[%add3A_146, %dma_start3A_162, %dma_start3A_163] : memref<2560x2x128xi32, #tpu.memory_space<hbm>> -> memref<1x2x128xi32, #tpu.memory_space<hbm>>
          %dma_start3A_165 = tpu.memref_squeeze %dma_start3A_164 : memref<1x2x128xi32, #tpu.memory_space<hbm>> -> memref<2x128xi32, #tpu.memory_space<hbm>>
          %dma_start3A_166 = arith.constant 0 : i32
          %dma_start3A_167 = arith.constant 0 : i32
          %dma_start3A_168 = tpu.memref_slice %arg4[%add3A_146, %dma_start3A_166, %dma_start3A_167] : memref<2560x2x128xi32, #tpu.memory_space<hbm>> -> memref<1x2x128xi32, #tpu.memory_space<hbm>>
          %dma_start3A_169 = tpu.memref_squeeze %dma_start3A_168 : memref<1x2x128xi32, #tpu.memory_space<hbm>> -> memref<2x128xi32, #tpu.memory_space<hbm>>
          tpu.enqueue_dma source(%dma_start3A_169 : memref<2x128xi32, #tpu.memory_space<hbm>>) target(%arg7 : memref<2x128xi32, #tpu.memory_space<vmem>>) target_semaphore(%run_scoped3A_161 : memref<!tpu.dma_semaphore, #tpu.memory_space<semaphore_mem>>)
          %dma_wait3A_170 = arith.constant 0 : i32
          %dma_wait3A_171 = arith.constant 0 : i32
          %dma_wait3A_172 = tpu.memref_slice %arg4[%add3A_146, %dma_wait3A_170, %dma_wait3A_171] : memref<2560x2x128xi32, #tpu.memory_space<hbm>> -> memref<1x2x128xi32, #tpu.memory_space<hbm>>
          %dma_wait3A_173 = tpu.memref_squeeze %dma_wait3A_172 : memref<1x2x128xi32, #tpu.memory_space<hbm>> -> memref<2x128xi32, #tpu.memory_space<hbm>>
          %dma_wait3A_174 = arith.constant 0 : i32
          %dma_wait3A_175 = arith.constant 0 : i32
          %dma_wait3A_176 = tpu.memref_slice %arg4[%add3A_146, %dma_wait3A_174, %dma_wait3A_175] : memref<2560x2x128xi32, #tpu.memory_space<hbm>> -> memref<1x2x128xi32, #tpu.memory_space<hbm>>
          %dma_wait3A_177 = tpu.memref_squeeze %dma_wait3A_176 : memref<1x2x128xi32, #tpu.memory_space<hbm>> -> memref<2x128xi32, #tpu.memory_space<hbm>>
          tpu.wait_dma2 semaphore(%run_scoped3A_161 : memref<!tpu.dma_semaphore, #tpu.memory_space<semaphore_mem>>) src(%dma_wait3A_177 : memref<2x128xi32, #tpu.memory_space<hbm>>) dst(%arg7 : memref<2x128xi32, #tpu.memory_space<vmem>>)
          tpu.yield
        }) : () -> ()
        %dma_start3A_147 = arith.constant 0 : i32
        %dma_start3A_148 = arith.constant 0 : i32
        %dma_start3A_149 = tpu.memref_slice %arg7[%dma_start3A_147, %dma_start3A_148] : memref<2x128xi32, #tpu.memory_space<vmem>> -> memref<1x128xi32, #tpu.memory_space<vmem>>
        %dma_start3A_150 = tpu.memref_squeeze %dma_start3A_149 : memref<1x128xi32, #tpu.memory_space<vmem>> -> memref<128xi32, #tpu.memory_space<vmem>>
        %dma_start3A_151 = arith.constant 0 : i32
        %dma_start3A_152 = arith.constant 0 : i32
        %dma_start3A_153 = tpu.memref_slice %arg2[%dma_start3A_151, %dma_start3A_152] : memref<10112x48xf32, #tpu.memory_space<hbm>> -> memref<10112x48xf32, #tpu.memory_space<hbm>>
        tpu.enqueue_indirect_dma source(%dma_start3A_153 : memref<10112x48xf32, #tpu.memory_space<hbm>>) target(%arg9 : memref<128x48xf32, #tpu.memory_space<vmem>>) offsets(%dma_start3A_150 : memref<128xi32, #tpu.memory_space<vmem>>) semaphore(%arg15 : memref<!tpu.dma_semaphore, #tpu.memory_space<semaphore_mem>>)
        %dma_start3A_154 = arith.constant 1 : i32
        %dma_start3A_155 = arith.constant 0 : i32
        %dma_start3A_156 = tpu.memref_slice %arg7[%dma_start3A_154, %dma_start3A_155] : memref<2x128xi32, #tpu.memory_space<vmem>> -> memref<1x128xi32, #tpu.memory_space<vmem>>
        %dma_start3A_157 = tpu.memref_squeeze %dma_start3A_156 : memref<1x128xi32, #tpu.memory_space<vmem>> -> memref<128xi32, #tpu.memory_space<vmem>>
        %dma_start3A_158 = arith.constant 0 : i32
        %dma_start3A_159 = arith.constant 0 : i32
        %dma_start3A_160 = tpu.memref_slice %arg3[%dma_start3A_158, %dma_start3A_159] : memref<10112x8xf32, #tpu.memory_space<hbm>> -> memref<10112x8xf32, #tpu.memory_space<hbm>>
        tpu.enqueue_indirect_dma source(%dma_start3A_160 : memref<10112x8xf32, #tpu.memory_space<hbm>>) target(%arg11 : memref<128x8xf32, #tpu.memory_space<vmem>>) offsets(%dma_start3A_157 : memref<128xi32, #tpu.memory_space<vmem>>) semaphore(%arg15 : memref<!tpu.dma_semaphore, #tpu.memory_space<semaphore_mem>>)
      } else {
      }
      %iota3A = tpu.iota {dimensions = array<i32: 0>} : vector<16xi32>
      %scan3A_85 = arith.constant 0 : i32
      %scan3A_86 = arith.constant 0 : i32
      %scan3A_87 = arith.constant 8 : i32
      %scan3A_88 = arith.addi %scan3A_86, %scan3A_87 : i32
      %scan3A_89 = arith.constant 1 : i32
      %scan3A_90 = scf.for %scan3A_144 = %scan3A_86 to %scan3A_88 step %scan3A_89 iter_args(%scan3A_145 = %scan3A_85) -> (i32)  : i32 {
        %mul3A_146 = arith.constant 16 : i32
        %mul3A_147 = arith.muli %mul3A_146, %scan3A_144 : i32
        %add3A_148 = vector.broadcast %mul3A_147 : i32 to vector<16xi32>
        %add3A_149 = arith.addi %add3A_148, %iota3A : vector<16xi32>
        %broadcast_in_dim3A_150 = arith.constant 41 : i32
        %broadcast_in_dim3A_151 = vector.broadcast %broadcast_in_dim3A_150 : i32 to vector<16xi32>
        %gather3A = tpu.vector_load_idx %arg8[%add3A_149, %broadcast_in_dim3A_151] : memref<128x48xf32, #tpu.memory_space<vmem>>[vector<16xi32>, vector<16xi32>], vector<16xf32>,
        %broadcast_in_dim3A_152 = arith.constant 0 : i32
        %broadcast_in_dim3A_153 = vector.broadcast %broadcast_in_dim3A_152 : i32 to vector<16xi32>
        %gather3A_154 = tpu.vector_load_idx %arg10[%add3A_149, %broadcast_in_dim3A_153] : memref<128x8xf32, #tpu.memory_space<vmem>>[vector<16xi32>, vector<16xi32>], vector<16xf32>,
        %add3A_155 = arith.addf %gather3A, %gather3A_154 : vector<16xf32>
        %ge3A = arith.constant 0.000000e+00 : f32
        %ge3A_156 = vector.broadcast %ge3A : f32 to vector<16xf32>
        %ge3A_157 = arith.cmpf oge, %add3A_155, %ge3A_156 : vector<16xf32>
        %mul3A_158 = arith.constant 2.000000e-01 : f32
        %mul3A_159 = vector.broadcast %mul3A_158 : f32 to vector<16xf32>
        %mul3A_160 = arith.mulf %mul3A_159, %add3A_155 : vector<16xf32>
        %select_n3A_161 = arith.select %ge3A_157, %add3A_155, %mul3A_160 : vector<16xi1>, vector<16xf32>
        %broadcast_in_dim3A_162 = arith.constant 40 : i32
        %broadcast_in_dim3A_163 = vector.broadcast %broadcast_in_dim3A_162 : i32 to vector<16xi32>
        %exp3A = math.exp %select_n3A_161 : vector<16xf32>
        tpu.vector_store_idx %arg8[%add3A_149, %broadcast_in_dim3A_163], %exp3A : memref<128x48xf32, #tpu.memory_space<vmem>>[vector<16xi32>, vector<16xi32>], vector<16xf32>,
        %scan3A_164 = arith.constant 0 : i32
        scf.yield %scan3A_164 : i32
      }
      %scan3A_91 = arith.constant 8 : i32
      %broadcast_in_dim3A_92 = arith.constant 8 : i32
      %broadcast_in_dim3A_93 = vector.broadcast %broadcast_in_dim3A_92 : i32 to vector<16xi32>
      %scan3A_94 = arith.constant 0 : i32
      %scan3A_95 = arith.constant 0 : i32
      %scan3A_96 = arith.constant 128 : i32
      %scan3A_97 = arith.addi %scan3A_95, %scan3A_96 : i32
      %scan3A_98 = arith.constant 1 : i32
      %scan3A_99 = scf.for %scan3A_144 = %scan3A_95 to %scan3A_97 step %scan3A_98 iter_args(%scan3A_145 = %scan3A_94) -> (i32)  : i32 {
        %get3A = arith.index_cast %scan3A_144 : i32 to index
        %get3A_146 = arith.constant 32 : index
        %get3A_147 = tpu.vector_load %arg8[%get3A, %get3A_146] {strides = array<i32>} : memref<128x48xf32, #tpu.memory_space<vmem>>, vector<16xf32>,
        %lt3A_148 = arith.constant 0 : i32
        %lt3A_149 = vector.broadcast %lt3A_148 : i32 to vector<16xi32>
        %lt3A_150 = arith.cmpi slt, %broadcast_in_dim3A_93, %lt3A_149 : vector<16xi32>
        %add3A_151 = arith.constant 16 : i32
        %add3A_152 = vector.broadcast %add3A_151 : i32 to vector<16xi32>
        %add3A_153 = arith.addi %broadcast_in_dim3A_93, %add3A_152 : vector<16xi32>
        %select_n3A_154 = arith.select %lt3A_150, %add3A_153, %broadcast_in_dim3A_93 : vector<16xi1>, vector<16xi32>
        %broadcast_in_dim3A_155 = vector.shape_cast %select_n3A_154 : vector<16xi32> to vector<16x1xi32>
        %gather3A = vector.shape_cast %broadcast_in_dim3A_155 : vector<16x1xi32> to vector<16xi32>
        %gather3A_156 = tpu.dynamic_gather %get3A_147[%gather3A] in [0] : vector<16xf32>, vector<16xi32> -> vector<16xf32>
        %get3A_157 = arith.index_cast %scan3A_144 : i32 to index
        %get3A_158 = arith.constant 0 : index
        %get3A_159 = tpu.vector_load %arg8[%get3A_157, %get3A_158] {strides = array<i32>} : memref<128x48xf32, #tpu.memory_space<vmem>>, vector<16xf32>,
        %mul3A_160 = arith.mulf %get3A_159, %gather3A_156 : vector<16xf32>
        %swap3A = arith.index_cast %scan3A_144 : i32 to index
        %swap3A_161 = arith.constant 0 : index
        %swap3A_162 = tpu.vector_load %arg8[%swap3A, %swap3A_161] {strides = array<i32>} : memref<128x48xf32, #tpu.memory_space<vmem>>, vector<16xf32>,
        tpu.vector_store %arg8[%swap3A, %swap3A_161], %mul3A_160 {strides = array<i32>} : memref<128x48xf32, #tpu.memory_space<vmem>>, vector<16xf32>,
        %get3A_163 = arith.index_cast %scan3A_144 : i32 to index
        %get3A_164 = arith.constant 16 : index
        %get3A_165 = tpu.vector_load %arg8[%get3A_163, %get3A_164] {strides = array<i32>} : memref<128x48xf32, #tpu.memory_space<vmem>>, vector<16xf32>,
        %mul3A_166 = arith.mulf %get3A_165, %gather3A_156 : vector<16xf32>
        %swap3A_167 = arith.index_cast %scan3A_144 : i32 to index
        %swap3A_168 = arith.constant 16 : index
        %swap3A_169 = tpu.vector_load %arg8[%swap3A_167, %swap3A_168] {strides = array<i32>} : memref<128x48xf32, #tpu.memory_space<vmem>>, vector<16xf32>,
        tpu.vector_store %arg8[%swap3A_167, %swap3A_168], %mul3A_166 {strides = array<i32>} : memref<128x48xf32, #tpu.memory_space<vmem>>, vector<16xf32>,
        %lt3A_170 = arith.constant 8 : i32
        %lt3A_171 = vector.broadcast %lt3A_170 : i32 to vector<16xi32>
        %lt3A_172 = arith.cmpi slt, %iota3A, %lt3A_171 : vector<16xi32>
        %jit3A_173 = arith.constant 1.000000e+00 : f32
        %broadcast_in_dim3A_174 = vector.broadcast %jit3A_173 : f32 to vector<16xf32>
        %select_n3A_175 = arith.select %lt3A_172, %gather3A_156, %broadcast_in_dim3A_174 : vector<16xi1>, vector<16xf32>
        %mul3A_176 = arith.mulf %get3A_147, %select_n3A_175 : vector<16xf32>
        %swap3A_177 = arith.index_cast %scan3A_144 : i32 to index
        %swap3A_178 = arith.constant 32 : index
        %swap3A_179 = tpu.vector_load %arg8[%swap3A_177, %swap3A_178] {strides = array<i32>} : memref<128x48xf32, #tpu.memory_space<vmem>>, vector<16xf32>,
        tpu.vector_store %arg8[%swap3A_177, %swap3A_178], %mul3A_176 {strides = array<i32>} : memref<128x48xf32, #tpu.memory_space<vmem>>, vector<16xf32>,
        %scan3A_180 = arith.constant 0 : i32
        scf.yield %scan3A_180 : i32
      }
      %scan3A_100 = arith.constant 128 : i32
      %run_scoped3A = arith.constant 1 : i32
      "tpu.region"() ({
        %run_scoped3A_144 = tpu.sem_alloc : memref<!tpu.dma_semaphore, #tpu.memory_space<semaphore_mem>>
        %dma_start3A_145 = arith.constant 0 : i32
        %dma_start3A_146 = tpu.memref_slice %arg6[%run_scoped3A, %dma_start3A_145] : memref<2x128xi32, #tpu.memory_space<vmem>> -> memref<1x128xi32, #tpu.memory_space<vmem>>
        %dma_start3A_147 = tpu.memref_squeeze %dma_start3A_146 : memref<1x128xi32, #tpu.memory_space<vmem>> -> memref<128xi32, #tpu.memory_space<vmem>>
        %dma_start3A_148 = arith.constant 0 : i32
        %dma_start3A_149 = arith.constant 0 : i32
        %dma_start3A_150 = tpu.memref_slice %arg13[%dma_start3A_148, %dma_start3A_149] : memref<10112x48xf32, #tpu.memory_space<vmem_shared>> -> memref<10112x48xf32, #tpu.memory_space<vmem_shared>>
        tpu.enqueue_indirect_dma source(%arg8 : memref<128x48xf32, #tpu.memory_space<vmem>>) target(%dma_start3A_150 : memref<10112x48xf32, #tpu.memory_space<vmem_shared>>) offsets(%dma_start3A_147 : memref<128xi32, #tpu.memory_space<vmem>>) semaphore(%run_scoped3A_144 : memref<!tpu.dma_semaphore, #tpu.memory_space<semaphore_mem>>) {add = true}
        %dma_wait3A_151 = arith.constant 0 : i32
        %dma_wait3A_152 = tpu.memref_slice %arg6[%run_scoped3A, %dma_wait3A_151] : memref<2x128xi32, #tpu.memory_space<vmem>> -> memref<1x128xi32, #tpu.memory_space<vmem>>
        %dma_wait3A_153 = tpu.memref_squeeze %dma_wait3A_152 : memref<1x128xi32, #tpu.memory_space<vmem>> -> memref<128xi32, #tpu.memory_space<vmem>>
        %dma_wait3A_154 = arith.constant 0 : i32
        %dma_wait3A_155 = arith.constant 0 : i32
        %dma_wait3A_156 = tpu.memref_slice %arg13[%dma_wait3A_154, %dma_wait3A_155] : memref<10112x48xf32, #tpu.memory_space<vmem_shared>> -> memref<10112x48xf32, #tpu.memory_space<vmem_shared>>
        tpu.wait_indirect_dma semaphore(%run_scoped3A_144 : memref<!tpu.dma_semaphore, #tpu.memory_space<semaphore_mem>>) src(%arg8 : memref<128x48xf32, #tpu.memory_space<vmem>>) dst(%dma_wait3A_156 : memref<10112x48xf32, #tpu.memory_space<vmem_shared>>)
        tpu.yield
      }) : () -> ()
      %mul3A_101 = arith.constant 2 : i32
      %mul3A_102 = arith.muli %mul3A_101, %while3A_63 : i32
      %add3A_103 = arith.constant 1 : i32
      %add3A_104 = arith.addi %mul3A_102, %add3A_103 : i32
      %dma_wait3A_105 = arith.constant 0 : i32
      %dma_wait3A_106 = arith.constant 0 : i32
      %dma_wait3A_107 = tpu.memref_slice %arg7[%dma_wait3A_105, %dma_wait3A_106] : memref<2x128xi32, #tpu.memory_space<vmem>> -> memref<1x128xi32, #tpu.memory_space<vmem>>
      %dma_wait3A_108 = tpu.memref_squeeze %dma_wait3A_107 : memref<1x128xi32, #tpu.memory_space<vmem>> -> memref<128xi32, #tpu.memory_space<vmem>>
      %dma_wait3A_109 = arith.constant 0 : i32
      %dma_wait3A_110 = arith.constant 0 : i32
      %dma_wait3A_111 = tpu.memref_slice %arg2[%dma_wait3A_109, %dma_wait3A_110] : memref<10112x48xf32, #tpu.memory_space<hbm>> -> memref<10112x48xf32, #tpu.memory_space<hbm>>
      tpu.wait_indirect_dma semaphore(%arg15 : memref<!tpu.dma_semaphore, #tpu.memory_space<semaphore_mem>>) src(%dma_wait3A_111 : memref<10112x48xf32, #tpu.memory_space<hbm>>) dst(%arg9 : memref<128x48xf32, #tpu.memory_space<vmem>>)
      %dma_wait3A_112 = arith.constant 1 : i32
      %dma_wait3A_113 = arith.constant 0 : i32
      %dma_wait3A_114 = tpu.memref_slice %arg7[%dma_wait3A_112, %dma_wait3A_113] : memref<2x128xi32, #tpu.memory_space<vmem>> -> memref<1x128xi32, #tpu.memory_space<vmem>>
      %dma_wait3A_115 = tpu.memref_squeeze %dma_wait3A_114 : memref<1x128xi32, #tpu.memory_space<vmem>> -> memref<128xi32, #tpu.memory_space<vmem>>
      %dma_wait3A_116 = arith.constant 0 : i32
      %dma_wait3A_117 = arith.constant 0 : i32
      %dma_wait3A_118 = tpu.memref_slice %arg3[%dma_wait3A_116, %dma_wait3A_117] : memref<10112x8xf32, #tpu.memory_space<hbm>> -> memref<10112x8xf32, #tpu.memory_space<hbm>>
      tpu.wait_indirect_dma semaphore(%arg15 : memref<!tpu.dma_semaphore, #tpu.memory_space<semaphore_mem>>) src(%dma_wait3A_118 : memref<10112x8xf32, #tpu.memory_space<hbm>>) dst(%arg11 : memref<128x8xf32, #tpu.memory_space<vmem>>)
      %sub3A_119 = arith.constant 1 : i32
      %sub3A_120 = arith.subi %select_n3A_17, %sub3A_119 : i32
      %lt3A_121 = arith.cmpi slt, %add3A_104, %sub3A_120 : i32
      %convert_element_type3A_122 = arith.extui %lt3A_121 : i1 to i32
      %cond3A_123 = arith.constant 0 : i32
      %cond3A_124 = arith.cmpi ne, %convert_element_type3A_122, %cond3A_123 : i32
      scf.if %cond3A_124 {
        %add3A_144 = arith.addi %select_n3A, %add3A_104 : i32
        %add3A_145 = arith.constant 1 : i32
        %add3A_146 = arith.addi %add3A_144, %add3A_145 : i32
        "tpu.region"() ({
          %run_scoped3A_161 = tpu.sem_alloc : memref<!tpu.dma_semaphore, #tpu.memory_space<semaphore_mem>>
          %dma_start3A_162 = arith.constant 0 : i32
          %dma_start3A_163 = arith.constant 0 : i32
          %dma_start3A_164 = tpu.memref_slice %arg4[%add3A_146, %dma_start3A_162, %dma_start3A_163] : memref<2560x2x128xi32, #tpu.memory_space<hbm>> -> memref<1x2x128xi32, #tpu.memory_space<hbm>>
          %dma_start3A_165 = tpu.memref_squeeze %dma_start3A_164 : memref<1x2x128xi32, #tpu.memory_space<hbm>> -> memref<2x128xi32, #tpu.memory_space<hbm>>
          %dma_start3A_166 = arith.constant 0 : i32
          %dma_start3A_167 = arith.constant 0 : i32
          %dma_start3A_168 = tpu.memref_slice %arg4[%add3A_146, %dma_start3A_166, %dma_start3A_167] : memref<2560x2x128xi32, #tpu.memory_space<hbm>> -> memref<1x2x128xi32, #tpu.memory_space<hbm>>
          %dma_start3A_169 = tpu.memref_squeeze %dma_start3A_168 : memref<1x2x128xi32, #tpu.memory_space<hbm>> -> memref<2x128xi32, #tpu.memory_space<hbm>>
          tpu.enqueue_dma source(%dma_start3A_169 : memref<2x128xi32, #tpu.memory_space<hbm>>) target(%arg6 : memref<2x128xi32, #tpu.memory_space<vmem>>) target_semaphore(%run_scoped3A_161 : memref<!tpu.dma_semaphore, #tpu.memory_space<semaphore_mem>>)
          %dma_wait3A_170 = arith.constant 0 : i32
          %dma_wait3A_171 = arith.constant 0 : i32
          %dma_wait3A_172 = tpu.memref_slice %arg4[%add3A_146, %dma_wait3A_170, %dma_wait3A_171] : memref<2560x2x128xi32, #tpu.memory_space<hbm>> -> memref<1x2x128xi32, #tpu.memory_space<hbm>>
          %dma_wait3A_173 = tpu.memref_squeeze %dma_wait3A_172 : memref<1x2x128xi32, #tpu.memory_space<hbm>> -> memref<2x128xi32, #tpu.memory_space<hbm>>
          %dma_wait3A_174 = arith.constant 0 : i32
          %dma_wait3A_175 = arith.constant 0 : i32
          %dma_wait3A_176 = tpu.memref_slice %arg4[%add3A_146, %dma_wait3A_174, %dma_wait3A_175] : memref<2560x2x128xi32, #tpu.memory_space<hbm>> -> memref<1x2x128xi32, #tpu.memory_space<hbm>>
          %dma_wait3A_177 = tpu.memref_squeeze %dma_wait3A_176 : memref<1x2x128xi32, #tpu.memory_space<hbm>> -> memref<2x128xi32, #tpu.memory_space<hbm>>
          tpu.wait_dma2 semaphore(%run_scoped3A_161 : memref<!tpu.dma_semaphore, #tpu.memory_space<semaphore_mem>>) src(%dma_wait3A_177 : memref<2x128xi32, #tpu.memory_space<hbm>>) dst(%arg6 : memref<2x128xi32, #tpu.memory_space<vmem>>)
          tpu.yield
        }) : () -> ()
        %dma_start3A_147 = arith.constant 0 : i32
        %dma_start3A_148 = arith.constant 0 : i32
        %dma_start3A_149 = tpu.memref_slice %arg6[%dma_start3A_147, %dma_start3A_148] : memref<2x128xi32, #tpu.memory_space<vmem>> -> memref<1x128xi32, #tpu.memory_space<vmem>>
        %dma_start3A_150 = tpu.memref_squeeze %dma_start3A_149 : memref<1x128xi32, #tpu.memory_space<vmem>> -> memref<128xi32, #tpu.memory_space<vmem>>
        %dma_start3A_151 = arith.constant 0 : i32
        %dma_start3A_152 = arith.constant 0 : i32
        %dma_start3A_153 = tpu.memref_slice %arg2[%dma_start3A_151, %dma_start3A_152] : memref<10112x48xf32, #tpu.memory_space<hbm>> -> memref<10112x48xf32, #tpu.memory_space<hbm>>
        tpu.enqueue_indirect_dma source(%dma_start3A_153 : memref<10112x48xf32, #tpu.memory_space<hbm>>) target(%arg8 : memref<128x48xf32, #tpu.memory_space<vmem>>) offsets(%dma_start3A_150 : memref<128xi32, #tpu.memory_space<vmem>>) semaphore(%arg14 : memref<!tpu.dma_semaphore, #tpu.memory_space<semaphore_mem>>)
        %dma_start3A_154 = arith.constant 1 : i32
        %dma_start3A_155 = arith.constant 0 : i32
        %dma_start3A_156 = tpu.memref_slice %arg6[%dma_start3A_154, %dma_start3A_155] : memref<2x128xi32, #tpu.memory_space<vmem>> -> memref<1x128xi32, #tpu.memory_space<vmem>>
        %dma_start3A_157 = tpu.memref_squeeze %dma_start3A_156 : memref<1x128xi32, #tpu.memory_space<vmem>> -> memref<128xi32, #tpu.memory_space<vmem>>
        %dma_start3A_158 = arith.constant 0 : i32
        %dma_start3A_159 = arith.constant 0 : i32
        %dma_start3A_160 = tpu.memref_slice %arg3[%dma_start3A_158, %dma_start3A_159] : memref<10112x8xf32, #tpu.memory_space<hbm>> -> memref<10112x8xf32, #tpu.memory_space<hbm>>
        tpu.enqueue_indirect_dma source(%dma_start3A_160 : memref<10112x8xf32, #tpu.memory_space<hbm>>) target(%arg10 : memref<128x8xf32, #tpu.memory_space<vmem>>) offsets(%dma_start3A_157 : memref<128xi32, #tpu.memory_space<vmem>>) semaphore(%arg14 : memref<!tpu.dma_semaphore, #tpu.memory_space<semaphore_mem>>)
      } else {
      }
      %iota3A_125 = tpu.iota {dimensions = array<i32: 0>} : vector<16xi32>
      %scan3A_126 = arith.constant 0 : i32
      %scan3A_127 = arith.constant 0 : i32
      %scan3A_128 = arith.constant 8 : i32
      %scan3A_129 = arith.addi %scan3A_127, %scan3A_128 : i32
      %scan3A_130 = arith.constant 1 : i32
      %scan3A_131 = scf.for %scan3A_144 = %scan3A_127 to %scan3A_129 step %scan3A_130 iter_args(%scan3A_145 = %scan3A_126) -> (i32)  : i32 {
        %mul3A_146 = arith.constant 16 : i32
        %mul3A_147 = arith.muli %mul3A_146, %scan3A_144 : i32
        %add3A_148 = vector.broadcast %mul3A_147 : i32 to vector<16xi32>
        %add3A_149 = arith.addi %add3A_148, %iota3A_125 : vector<16xi32>
        %broadcast_in_dim3A_150 = arith.constant 41 : i32
        %broadcast_in_dim3A_151 = vector.broadcast %broadcast_in_dim3A_150 : i32 to vector<16xi32>
        %gather3A = tpu.vector_load_idx %arg9[%add3A_149, %broadcast_in_dim3A_151] : memref<128x48xf32, #tpu.memory_space<vmem>>[vector<16xi32>, vector<16xi32>], vector<16xf32>,
        %broadcast_in_dim3A_152 = arith.constant 0 : i32
        %broadcast_in_dim3A_153 = vector.broadcast %broadcast_in_dim3A_152 : i32 to vector<16xi32>
        %gather3A_154 = tpu.vector_load_idx %arg11[%add3A_149, %broadcast_in_dim3A_153] : memref<128x8xf32, #tpu.memory_space<vmem>>[vector<16xi32>, vector<16xi32>], vector<16xf32>,
        %add3A_155 = arith.addf %gather3A, %gather3A_154 : vector<16xf32>
        %ge3A = arith.constant 0.000000e+00 : f32
        %ge3A_156 = vector.broadcast %ge3A : f32 to vector<16xf32>
        %ge3A_157 = arith.cmpf oge, %add3A_155, %ge3A_156 : vector<16xf32>
        %mul3A_158 = arith.constant 2.000000e-01 : f32
        %mul3A_159 = vector.broadcast %mul3A_158 : f32 to vector<16xf32>
        %mul3A_160 = arith.mulf %mul3A_159, %add3A_155 : vector<16xf32>
        %select_n3A_161 = arith.select %ge3A_157, %add3A_155, %mul3A_160 : vector<16xi1>, vector<16xf32>
        %broadcast_in_dim3A_162 = arith.constant 40 : i32
        %broadcast_in_dim3A_163 = vector.broadcast %broadcast_in_dim3A_162 : i32 to vector<16xi32>
        %exp3A = math.exp %select_n3A_161 : vector<16xf32>
        tpu.vector_store_idx %arg9[%add3A_149, %broadcast_in_dim3A_163], %exp3A : memref<128x48xf32, #tpu.memory_space<vmem>>[vector<16xi32>, vector<16xi32>], vector<16xf32>,
        %scan3A_164 = arith.constant 0 : i32
        scf.yield %scan3A_164 : i32
      }
      %scan3A_132 = arith.constant 8 : i32
      %broadcast_in_dim3A_133 = arith.constant 8 : i32
      %broadcast_in_dim3A_134 = vector.broadcast %broadcast_in_dim3A_133 : i32 to vector<16xi32>
      %scan3A_135 = arith.constant 0 : i32
      %scan3A_136 = arith.constant 0 : i32
      %scan3A_137 = arith.constant 128 : i32
      %scan3A_138 = arith.addi %scan3A_136, %scan3A_137 : i32
      %scan3A_139 = arith.constant 1 : i32
      %scan3A_140 = scf.for %scan3A_144 = %scan3A_136 to %scan3A_138 step %scan3A_139 iter_args(%scan3A_145 = %scan3A_135) -> (i32)  : i32 {
        %get3A = arith.index_cast %scan3A_144 : i32 to index
        %get3A_146 = arith.constant 32 : index
        %get3A_147 = tpu.vector_load %arg9[%get3A, %get3A_146] {strides = array<i32>} : memref<128x48xf32, #tpu.memory_space<vmem>>, vector<16xf32>,
        %lt3A_148 = arith.constant 0 : i32
        %lt3A_149 = vector.broadcast %lt3A_148 : i32 to vector<16xi32>
        %lt3A_150 = arith.cmpi slt, %broadcast_in_dim3A_134, %lt3A_149 : vector<16xi32>
        %add3A_151 = arith.constant 16 : i32
        %add3A_152 = vector.broadcast %add3A_151 : i32 to vector<16xi32>
        %add3A_153 = arith.addi %broadcast_in_dim3A_134, %add3A_152 : vector<16xi32>
        %select_n3A_154 = arith.select %lt3A_150, %add3A_153, %broadcast_in_dim3A_134 : vector<16xi1>, vector<16xi32>
        %broadcast_in_dim3A_155 = vector.shape_cast %select_n3A_154 : vector<16xi32> to vector<16x1xi32>
        %gather3A = vector.shape_cast %broadcast_in_dim3A_155 : vector<16x1xi32> to vector<16xi32>
        %gather3A_156 = tpu.dynamic_gather %get3A_147[%gather3A] in [0] : vector<16xf32>, vector<16xi32> -> vector<16xf32>
        %get3A_157 = arith.index_cast %scan3A_144 : i32 to index
        %get3A_158 = arith.constant 0 : index
        %get3A_159 = tpu.vector_load %arg9[%get3A_157, %get3A_158] {strides = array<i32>} : memref<128x48xf32, #tpu.memory_space<vmem>>, vector<16xf32>,
        %mul3A_160 = arith.mulf %get3A_159, %gather3A_156 : vector<16xf32>
        %swap3A = arith.index_cast %scan3A_144 : i32 to index
        %swap3A_161 = arith.constant 0 : index
        %swap3A_162 = tpu.vector_load %arg9[%swap3A, %swap3A_161] {strides = array<i32>} : memref<128x48xf32, #tpu.memory_space<vmem>>, vector<16xf32>,
        tpu.vector_store %arg9[%swap3A, %swap3A_161], %mul3A_160 {strides = array<i32>} : memref<128x48xf32, #tpu.memory_space<vmem>>, vector<16xf32>,
        %get3A_163 = arith.index_cast %scan3A_144 : i32 to index
        %get3A_164 = arith.constant 16 : index
        %get3A_165 = tpu.vector_load %arg9[%get3A_163, %get3A_164] {strides = array<i32>} : memref<128x48xf32, #tpu.memory_space<vmem>>, vector<16xf32>,
        %mul3A_166 = arith.mulf %get3A_165, %gather3A_156 : vector<16xf32>
        %swap3A_167 = arith.index_cast %scan3A_144 : i32 to index
        %swap3A_168 = arith.constant 16 : index
        %swap3A_169 = tpu.vector_load %arg9[%swap3A_167, %swap3A_168] {strides = array<i32>} : memref<128x48xf32, #tpu.memory_space<vmem>>, vector<16xf32>,
        tpu.vector_store %arg9[%swap3A_167, %swap3A_168], %mul3A_166 {strides = array<i32>} : memref<128x48xf32, #tpu.memory_space<vmem>>, vector<16xf32>,
        %lt3A_170 = arith.constant 8 : i32
        %lt3A_171 = vector.broadcast %lt3A_170 : i32 to vector<16xi32>
        %lt3A_172 = arith.cmpi slt, %iota3A_125, %lt3A_171 : vector<16xi32>
        %jit3A_173 = arith.constant 1.000000e+00 : f32
        %broadcast_in_dim3A_174 = vector.broadcast %jit3A_173 : f32 to vector<16xf32>
        %select_n3A_175 = arith.select %lt3A_172, %gather3A_156, %broadcast_in_dim3A_174 : vector<16xi1>, vector<16xf32>
        %mul3A_176 = arith.mulf %get3A_147, %select_n3A_175 : vector<16xf32>
        %swap3A_177 = arith.index_cast %scan3A_144 : i32 to index
        %swap3A_178 = arith.constant 32 : index
        %swap3A_179 = tpu.vector_load %arg9[%swap3A_177, %swap3A_178] {strides = array<i32>} : memref<128x48xf32, #tpu.memory_space<vmem>>, vector<16xf32>,
        tpu.vector_store %arg9[%swap3A_177, %swap3A_178], %mul3A_176 {strides = array<i32>} : memref<128x48xf32, #tpu.memory_space<vmem>>, vector<16xf32>,
        %scan3A_180 = arith.constant 0 : i32
        scf.yield %scan3A_180 : i32
      }
      %scan3A_141 = arith.constant 128 : i32
      %run_scoped3A_142 = arith.constant 1 : i32
      "tpu.region"() ({
        %run_scoped3A_144 = tpu.sem_alloc : memref<!tpu.dma_semaphore, #tpu.memory_space<semaphore_mem>>
        %dma_start3A_145 = arith.constant 0 : i32
        %dma_start3A_146 = tpu.memref_slice %arg7[%run_scoped3A_142, %dma_start3A_145] : memref<2x128xi32, #tpu.memory_space<vmem>> -> memref<1x128xi32, #tpu.memory_space<vmem>>
        %dma_start3A_147 = tpu.memref_squeeze %dma_start3A_146 : memref<1x128xi32, #tpu.memory_space<vmem>> -> memref<128xi32, #tpu.memory_space<vmem>>
        %dma_start3A_148 = arith.constant 0 : i32
        %dma_start3A_149 = arith.constant 0 : i32
        %dma_start3A_150 = tpu.memref_slice %arg13[%dma_start3A_148, %dma_start3A_149] : memref<10112x48xf32, #tpu.memory_space<vmem_shared>> -> memref<10112x48xf32, #tpu.memory_space<vmem_shared>>
        tpu.enqueue_indirect_dma source(%arg9 : memref<128x48xf32, #tpu.memory_space<vmem>>) target(%dma_start3A_150 : memref<10112x48xf32, #tpu.memory_space<vmem_shared>>) offsets(%dma_start3A_147 : memref<128xi32, #tpu.memory_space<vmem>>) semaphore(%run_scoped3A_144 : memref<!tpu.dma_semaphore, #tpu.memory_space<semaphore_mem>>) {add = true}
        %dma_wait3A_151 = arith.constant 0 : i32
        %dma_wait3A_152 = tpu.memref_slice %arg7[%run_scoped3A_142, %dma_wait3A_151] : memref<2x128xi32, #tpu.memory_space<vmem>> -> memref<1x128xi32, #tpu.memory_space<vmem>>
        %dma_wait3A_153 = tpu.memref_squeeze %dma_wait3A_152 : memref<1x128xi32, #tpu.memory_space<vmem>> -> memref<128xi32, #tpu.memory_space<vmem>>
        %dma_wait3A_154 = arith.constant 0 : i32
        %dma_wait3A_155 = arith.constant 0 : i32
        %dma_wait3A_156 = tpu.memref_slice %arg13[%dma_wait3A_154, %dma_wait3A_155] : memref<10112x48xf32, #tpu.memory_space<vmem_shared>> -> memref<10112x48xf32, #tpu.memory_space<vmem_shared>>
        tpu.wait_indirect_dma semaphore(%run_scoped3A_144 : memref<!tpu.dma_semaphore, #tpu.memory_space<semaphore_mem>>) src(%arg9 : memref<128x48xf32, #tpu.memory_space<vmem>>) dst(%dma_wait3A_156 : memref<10112x48xf32, #tpu.memory_space<vmem_shared>>)
        tpu.yield
      }) : () -> ()
      %while3A_143 = arith.constant 0 : i32
      scf.yield %while3A_143 : i32
    }
    %while3A_58 = arith.constant 1 : i32
    %while3A_59 = scf.for %while3A_63 = %while3A_55 to %while3A_51 step %while3A_58 iter_args(%while3A_64 = %while3A_57) -> (i32)  : i32 {
      %mul3A_65 = arith.constant 2 : i32
      %mul3A_66 = arith.muli %mul3A_65, %while3A_63 : i32
      %add3A_67 = arith.constant 0 : i32
      %add3A_68 = arith.addi %mul3A_66, %add3A_67 : i32
      %dma_wait3A = arith.constant 0 : i32
      %dma_wait3A_69 = arith.constant 0 : i32
      %dma_wait3A_70 = tpu.memref_slice %arg6[%dma_wait3A, %dma_wait3A_69] : memref<2x128xi32, #tpu.memory_space<vmem>> -> memref<1x128xi32, #tpu.memory_space<vmem>>
      %dma_wait3A_71 = tpu.memref_squeeze %dma_wait3A_70 : memref<1x128xi32, #tpu.memory_space<vmem>> -> memref<128xi32, #tpu.memory_space<vmem>>
      %dma_wait3A_72 = arith.constant 0 : i32
      %dma_wait3A_73 = arith.constant 0 : i32
      %dma_wait3A_74 = tpu.memref_slice %arg2[%dma_wait3A_72, %dma_wait3A_73] : memref<10112x48xf32, #tpu.memory_space<hbm>> -> memref<10112x48xf32, #tpu.memory_space<hbm>>
      tpu.wait_indirect_dma semaphore(%arg14 : memref<!tpu.dma_semaphore, #tpu.memory_space<semaphore_mem>>) src(%dma_wait3A_74 : memref<10112x48xf32, #tpu.memory_space<hbm>>) dst(%arg8 : memref<128x48xf32, #tpu.memory_space<vmem>>)
      %dma_wait3A_75 = arith.constant 1 : i32
      %dma_wait3A_76 = arith.constant 0 : i32
      %dma_wait3A_77 = tpu.memref_slice %arg6[%dma_wait3A_75, %dma_wait3A_76] : memref<2x128xi32, #tpu.memory_space<vmem>> -> memref<1x128xi32, #tpu.memory_space<vmem>>
      %dma_wait3A_78 = tpu.memref_squeeze %dma_wait3A_77 : memref<1x128xi32, #tpu.memory_space<vmem>> -> memref<128xi32, #tpu.memory_space<vmem>>
      %dma_wait3A_79 = arith.constant 0 : i32
      %dma_wait3A_80 = arith.constant 0 : i32
      %dma_wait3A_81 = tpu.memref_slice %arg3[%dma_wait3A_79, %dma_wait3A_80] : memref<10112x8xf32, #tpu.memory_space<hbm>> -> memref<10112x8xf32, #tpu.memory_space<hbm>>
      tpu.wait_indirect_dma semaphore(%arg14 : memref<!tpu.dma_semaphore, #tpu.memory_space<semaphore_mem>>) src(%dma_wait3A_81 : memref<10112x8xf32, #tpu.memory_space<hbm>>) dst(%arg10 : memref<128x8xf32, #tpu.memory_space<vmem>>)
      %sub3A_82 = arith.constant 1 : i32
      %sub3A_83 = arith.subi %select_n3A_17, %sub3A_82 : i32
      %lt3A = arith.cmpi slt, %add3A_68, %sub3A_83 : i32
      %convert_element_type3A = arith.extui %lt3A : i1 to i32
      %cond3A = arith.constant 0 : i32
      %cond3A_84 = arith.cmpi ne, %convert_element_type3A, %cond3A : i32
      scf.if %cond3A_84 {
        %add3A_144 = arith.addi %select_n3A, %add3A_68 : i32
        %add3A_145 = arith.constant 1 : i32
        %add3A_146 = arith.addi %add3A_144, %add3A_145 : i32
        "tpu.region"() ({
          %run_scoped3A_161 = tpu.sem_alloc : memref<!tpu.dma_semaphore, #tpu.memory_space<semaphore_mem>>
          %dma_start3A_162 = arith.constant 0 : i32
          %dma_start3A_163 = arith.constant 0 : i32
          %dma_start3A_164 = tpu.memref_slice %arg4[%add3A_146, %dma_start3A_162, %dma_start3A_163] : memref<2560x2x128xi32, #tpu.memory_space<hbm>> -> memref<1x2x128xi32, #tpu.memory_space<hbm>>
          %dma_start3A_165 = tpu.memref_squeeze %dma_start3A_164 : memref<1x2x128xi32, #tpu.memory_space<hbm>> -> memref<2x128xi32, #tpu.memory_space<hbm>>
          %dma_start3A_166 = arith.constant 0 : i32
          %dma_start3A_167 = arith.constant 0 : i32
          %dma_start3A_168 = tpu.memref_slice %arg4[%add3A_146, %dma_start3A_166, %dma_start3A_167] : memref<2560x2x128xi32, #tpu.memory_space<hbm>> -> memref<1x2x128xi32, #tpu.memory_space<hbm>>
          %dma_start3A_169 = tpu.memref_squeeze %dma_start3A_168 : memref<1x2x128xi32, #tpu.memory_space<hbm>> -> memref<2x128xi32, #tpu.memory_space<hbm>>
          tpu.enqueue_dma source(%dma_start3A_169 : memref<2x128xi32, #tpu.memory_space<hbm>>) target(%arg7 : memref<2x128xi32, #tpu.memory_space<vmem>>) target_semaphore(%run_scoped3A_161 : memref<!tpu.dma_semaphore, #tpu.memory_space<semaphore_mem>>)
          %dma_wait3A_170 = arith.constant 0 : i32
          %dma_wait3A_171 = arith.constant 0 : i32
          %dma_wait3A_172 = tpu.memref_slice %arg4[%add3A_146, %dma_wait3A_170, %dma_wait3A_171] : memref<2560x2x128xi32, #tpu.memory_space<hbm>> -> memref<1x2x128xi32, #tpu.memory_space<hbm>>
          %dma_wait3A_173 = tpu.memref_squeeze %dma_wait3A_172 : memref<1x2x128xi32, #tpu.memory_space<hbm>> -> memref<2x128xi32, #tpu.memory_space<hbm>>
          %dma_wait3A_174 = arith.constant 0 : i32
          %dma_wait3A_175 = arith.constant 0 : i32
          %dma_wait3A_176 = tpu.memref_slice %arg4[%add3A_146, %dma_wait3A_174, %dma_wait3A_175] : memref<2560x2x128xi32, #tpu.memory_space<hbm>> -> memref<1x2x128xi32, #tpu.memory_space<hbm>>
          %dma_wait3A_177 = tpu.memref_squeeze %dma_wait3A_176 : memref<1x2x128xi32, #tpu.memory_space<hbm>> -> memref<2x128xi32, #tpu.memory_space<hbm>>
          tpu.wait_dma2 semaphore(%run_scoped3A_161 : memref<!tpu.dma_semaphore, #tpu.memory_space<semaphore_mem>>) src(%dma_wait3A_177 : memref<2x128xi32, #tpu.memory_space<hbm>>) dst(%arg7 : memref<2x128xi32, #tpu.memory_space<vmem>>)
          tpu.yield
        }) : () -> ()
        %dma_start3A_147 = arith.constant 0 : i32
        %dma_start3A_148 = arith.constant 0 : i32
        %dma_start3A_149 = tpu.memref_slice %arg7[%dma_start3A_147, %dma_start3A_148] : memref<2x128xi32, #tpu.memory_space<vmem>> -> memref<1x128xi32, #tpu.memory_space<vmem>>
        %dma_start3A_150 = tpu.memref_squeeze %dma_start3A_149 : memref<1x128xi32, #tpu.memory_space<vmem>> -> memref<128xi32, #tpu.memory_space<vmem>>
        %dma_start3A_151 = arith.constant 0 : i32
        %dma_start3A_152 = arith.constant 0 : i32
        %dma_start3A_153 = tpu.memref_slice %arg2[%dma_start3A_151, %dma_start3A_152] : memref<10112x48xf32, #tpu.memory_space<hbm>> -> memref<10112x48xf32, #tpu.memory_space<hbm>>
        tpu.enqueue_indirect_dma source(%dma_start3A_153 : memref<10112x48xf32, #tpu.memory_space<hbm>>) target(%arg9 : memref<128x48xf32, #tpu.memory_space<vmem>>) offsets(%dma_start3A_150 : memref<128xi32, #tpu.memory_space<vmem>>) semaphore(%arg15 : memref<!tpu.dma_semaphore, #tpu.memory_space<semaphore_mem>>)
        %dma_start3A_154 = arith.constant 1 : i32
        %dma_start3A_155 = arith.constant 0 : i32
        %dma_start3A_156 = tpu.memref_slice %arg7[%dma_start3A_154, %dma_start3A_155] : memref<2x128xi32, #tpu.memory_space<vmem>> -> memref<1x128xi32, #tpu.memory_space<vmem>>
        %dma_start3A_157 = tpu.memref_squeeze %dma_start3A_156 : memref<1x128xi32, #tpu.memory_space<vmem>> -> memref<128xi32, #tpu.memory_space<vmem>>
        %dma_start3A_158 = arith.constant 0 : i32
        %dma_start3A_159 = arith.constant 0 : i32
        %dma_start3A_160 = tpu.memref_slice %arg3[%dma_start3A_158, %dma_start3A_159] : memref<10112x8xf32, #tpu.memory_space<hbm>> -> memref<10112x8xf32, #tpu.memory_space<hbm>>
        tpu.enqueue_indirect_dma source(%dma_start3A_160 : memref<10112x8xf32, #tpu.memory_space<hbm>>) target(%arg11 : memref<128x8xf32, #tpu.memory_space<vmem>>) offsets(%dma_start3A_157 : memref<128xi32, #tpu.memory_space<vmem>>) semaphore(%arg15 : memref<!tpu.dma_semaphore, #tpu.memory_space<semaphore_mem>>)
      } else {
      }
      %iota3A = tpu.iota {dimensions = array<i32: 0>} : vector<16xi32>
      %scan3A_85 = arith.constant 0 : i32
      %scan3A_86 = arith.constant 0 : i32
      %scan3A_87 = arith.constant 8 : i32
      %scan3A_88 = arith.addi %scan3A_86, %scan3A_87 : i32
      %scan3A_89 = arith.constant 1 : i32
      %scan3A_90 = scf.for %scan3A_144 = %scan3A_86 to %scan3A_88 step %scan3A_89 iter_args(%scan3A_145 = %scan3A_85) -> (i32)  : i32 {
        %mul3A_146 = arith.constant 16 : i32
        %mul3A_147 = arith.muli %mul3A_146, %scan3A_144 : i32
        %add3A_148 = vector.broadcast %mul3A_147 : i32 to vector<16xi32>
        %add3A_149 = arith.addi %add3A_148, %iota3A : vector<16xi32>
        %broadcast_in_dim3A_150 = arith.constant 41 : i32
        %broadcast_in_dim3A_151 = vector.broadcast %broadcast_in_dim3A_150 : i32 to vector<16xi32>
        %gather3A = tpu.vector_load_idx %arg8[%add3A_149, %broadcast_in_dim3A_151] : memref<128x48xf32, #tpu.memory_space<vmem>>[vector<16xi32>, vector<16xi32>], vector<16xf32>,
        %broadcast_in_dim3A_152 = arith.constant 0 : i32
        %broadcast_in_dim3A_153 = vector.broadcast %broadcast_in_dim3A_152 : i32 to vector<16xi32>
        %gather3A_154 = tpu.vector_load_idx %arg10[%add3A_149, %broadcast_in_dim3A_153] : memref<128x8xf32, #tpu.memory_space<vmem>>[vector<16xi32>, vector<16xi32>], vector<16xf32>,
        %add3A_155 = arith.addf %gather3A, %gather3A_154 : vector<16xf32>
        %ge3A = arith.constant 0.000000e+00 : f32
        %ge3A_156 = vector.broadcast %ge3A : f32 to vector<16xf32>
        %ge3A_157 = arith.cmpf oge, %add3A_155, %ge3A_156 : vector<16xf32>
        %mul3A_158 = arith.constant 2.000000e-01 : f32
        %mul3A_159 = vector.broadcast %mul3A_158 : f32 to vector<16xf32>
        %mul3A_160 = arith.mulf %mul3A_159, %add3A_155 : vector<16xf32>
        %select_n3A_161 = arith.select %ge3A_157, %add3A_155, %mul3A_160 : vector<16xi1>, vector<16xf32>
        %broadcast_in_dim3A_162 = arith.constant 40 : i32
        %broadcast_in_dim3A_163 = vector.broadcast %broadcast_in_dim3A_162 : i32 to vector<16xi32>
        %exp3A = math.exp %select_n3A_161 : vector<16xf32>
        tpu.vector_store_idx %arg8[%add3A_149, %broadcast_in_dim3A_163], %exp3A : memref<128x48xf32, #tpu.memory_space<vmem>>[vector<16xi32>, vector<16xi32>], vector<16xf32>,
        %scan3A_164 = arith.constant 0 : i32
        scf.yield %scan3A_164 : i32
      }
      %scan3A_91 = arith.constant 8 : i32
      %broadcast_in_dim3A_92 = arith.constant 8 : i32
      %broadcast_in_dim3A_93 = vector.broadcast %broadcast_in_dim3A_92 : i32 to vector<16xi32>
      %scan3A_94 = arith.constant 0 : i32
      %scan3A_95 = arith.constant 0 : i32
      %scan3A_96 = arith.constant 128 : i32
      %scan3A_97 = arith.addi %scan3A_95, %scan3A_96 : i32
      %scan3A_98 = arith.constant 1 : i32
      %scan3A_99 = scf.for %scan3A_144 = %scan3A_95 to %scan3A_97 step %scan3A_98 iter_args(%scan3A_145 = %scan3A_94) -> (i32)  : i32 {
        %get3A = arith.index_cast %scan3A_144 : i32 to index
        %get3A_146 = arith.constant 32 : index
        %get3A_147 = tpu.vector_load %arg8[%get3A, %get3A_146] {strides = array<i32>} : memref<128x48xf32, #tpu.memory_space<vmem>>, vector<16xf32>,
        %lt3A_148 = arith.constant 0 : i32
        %lt3A_149 = vector.broadcast %lt3A_148 : i32 to vector<16xi32>
        %lt3A_150 = arith.cmpi slt, %broadcast_in_dim3A_93, %lt3A_149 : vector<16xi32>
        %add3A_151 = arith.constant 16 : i32
        %add3A_152 = vector.broadcast %add3A_151 : i32 to vector<16xi32>
        %add3A_153 = arith.addi %broadcast_in_dim3A_93, %add3A_152 : vector<16xi32>
        %select_n3A_154 = arith.select %lt3A_150, %add3A_153, %broadcast_in_dim3A_93 : vector<16xi1>, vector<16xi32>
        %broadcast_in_dim3A_155 = vector.shape_cast %select_n3A_154 : vector<16xi32> to vector<16x1xi32>
        %gather3A = vector.shape_cast %broadcast_in_dim3A_155 : vector<16x1xi32> to vector<16xi32>
        %gather3A_156 = tpu.dynamic_gather %get3A_147[%gather3A] in [0] : vector<16xf32>, vector<16xi32> -> vector<16xf32>
        %get3A_157 = arith.index_cast %scan3A_144 : i32 to index
        %get3A_158 = arith.constant 0 : index
        %get3A_159 = tpu.vector_load %arg8[%get3A_157, %get3A_158] {strides = array<i32>} : memref<128x48xf32, #tpu.memory_space<vmem>>, vector<16xf32>,
        %mul3A_160 = arith.mulf %get3A_159, %gather3A_156 : vector<16xf32>
        %swap3A = arith.index_cast %scan3A_144 : i32 to index
        %swap3A_161 = arith.constant 0 : index
        %swap3A_162 = tpu.vector_load %arg8[%swap3A, %swap3A_161] {strides = array<i32>} : memref<128x48xf32, #tpu.memory_space<vmem>>, vector<16xf32>,
        tpu.vector_store %arg8[%swap3A, %swap3A_161], %mul3A_160 {strides = array<i32>} : memref<128x48xf32, #tpu.memory_space<vmem>>, vector<16xf32>,
        %get3A_163 = arith.index_cast %scan3A_144 : i32 to index
        %get3A_164 = arith.constant 16 : index
        %get3A_165 = tpu.vector_load %arg8[%get3A_163, %get3A_164] {strides = array<i32>} : memref<128x48xf32, #tpu.memory_space<vmem>>, vector<16xf32>,
        %mul3A_166 = arith.mulf %get3A_165, %gather3A_156 : vector<16xf32>
        %swap3A_167 = arith.index_cast %scan3A_144 : i32 to index
        %swap3A_168 = arith.constant 16 : index
        %swap3A_169 = tpu.vector_load %arg8[%swap3A_167, %swap3A_168] {strides = array<i32>} : memref<128x48xf32, #tpu.memory_space<vmem>>, vector<16xf32>,
        tpu.vector_store %arg8[%swap3A_167, %swap3A_168], %mul3A_166 {strides = array<i32>} : memref<128x48xf32, #tpu.memory_space<vmem>>, vector<16xf32>,
        %lt3A_170 = arith.constant 8 : i32
        %lt3A_171 = vector.broadcast %lt3A_170 : i32 to vector<16xi32>
        %lt3A_172 = arith.cmpi slt, %iota3A, %lt3A_171 : vector<16xi32>
        %jit3A_173 = arith.constant 1.000000e+00 : f32
        %broadcast_in_dim3A_174 = vector.broadcast %jit3A_173 : f32 to vector<16xf32>
        %select_n3A_175 = arith.select %lt3A_172, %gather3A_156, %broadcast_in_dim3A_174 : vector<16xi1>, vector<16xf32>
        %mul3A_176 = arith.mulf %get3A_147, %select_n3A_175 : vector<16xf32>
        %swap3A_177 = arith.index_cast %scan3A_144 : i32 to index
        %swap3A_178 = arith.constant 32 : index
        %swap3A_179 = tpu.vector_load %arg8[%swap3A_177, %swap3A_178] {strides = array<i32>} : memref<128x48xf32, #tpu.memory_space<vmem>>, vector<16xf32>,
        tpu.vector_store %arg8[%swap3A_177, %swap3A_178], %mul3A_176 {strides = array<i32>} : memref<128x48xf32, #tpu.memory_space<vmem>>, vector<16xf32>,
        %scan3A_180 = arith.constant 0 : i32
        scf.yield %scan3A_180 : i32
      }
      %scan3A_100 = arith.constant 128 : i32
      %run_scoped3A = arith.constant 1 : i32
      "tpu.region"() ({
        %run_scoped3A_144 = tpu.sem_alloc : memref<!tpu.dma_semaphore, #tpu.memory_space<semaphore_mem>>
        %dma_start3A_145 = arith.constant 0 : i32
        %dma_start3A_146 = tpu.memref_slice %arg6[%run_scoped3A, %dma_start3A_145] : memref<2x128xi32, #tpu.memory_space<vmem>> -> memref<1x128xi32, #tpu.memory_space<vmem>>
        %dma_start3A_147 = tpu.memref_squeeze %dma_start3A_146 : memref<1x128xi32, #tpu.memory_space<vmem>> -> memref<128xi32, #tpu.memory_space<vmem>>
        %dma_start3A_148 = arith.constant 0 : i32
        %dma_start3A_149 = arith.constant 0 : i32
        %dma_start3A_150 = tpu.memref_slice %arg13[%dma_start3A_148, %dma_start3A_149] : memref<10112x48xf32, #tpu.memory_space<vmem_shared>> -> memref<10112x48xf32, #tpu.memory_space<vmem_shared>>
        tpu.enqueue_indirect_dma source(%arg8 : memref<128x48xf32, #tpu.memory_space<vmem>>) target(%dma_start3A_150 : memref<10112x48xf32, #tpu.memory_space<vmem_shared>>) offsets(%dma_start3A_147 : memref<128xi32, #tpu.memory_space<vmem>>) semaphore(%run_scoped3A_144 : memref<!tpu.dma_semaphore, #tpu.memory_space<semaphore_mem>>) {add = true}
        %dma_wait3A_151 = arith.constant 0 : i32
        %dma_wait3A_152 = tpu.memref_slice %arg6[%run_scoped3A, %dma_wait3A_151] : memref<2x128xi32, #tpu.memory_space<vmem>> -> memref<1x128xi32, #tpu.memory_space<vmem>>
        %dma_wait3A_153 = tpu.memref_squeeze %dma_wait3A_152 : memref<1x128xi32, #tpu.memory_space<vmem>> -> memref<128xi32, #tpu.memory_space<vmem>>
        %dma_wait3A_154 = arith.constant 0 : i32
        %dma_wait3A_155 = arith.constant 0 : i32
        %dma_wait3A_156 = tpu.memref_slice %arg13[%dma_wait3A_154, %dma_wait3A_155] : memref<10112x48xf32, #tpu.memory_space<vmem_shared>> -> memref<10112x48xf32, #tpu.memory_space<vmem_shared>>
        tpu.wait_indirect_dma semaphore(%run_scoped3A_144 : memref<!tpu.dma_semaphore, #tpu.memory_space<semaphore_mem>>) src(%arg8 : memref<128x48xf32, #tpu.memory_space<vmem>>) dst(%dma_wait3A_156 : memref<10112x48xf32, #tpu.memory_space<vmem_shared>>)
        tpu.yield
      }) : () -> ()
      %mul3A_101 = arith.constant 2 : i32
      %mul3A_102 = arith.muli %mul3A_101, %while3A_63 : i32
      %add3A_103 = arith.constant 1 : i32
      %add3A_104 = arith.addi %mul3A_102, %add3A_103 : i32
      %dma_wait3A_105 = arith.constant 0 : i32
      %dma_wait3A_106 = arith.constant 0 : i32
      %dma_wait3A_107 = tpu.memref_slice %arg7[%dma_wait3A_105, %dma_wait3A_106] : memref<2x128xi32, #tpu.memory_space<vmem>> -> memref<1x128xi32, #tpu.memory_space<vmem>>
      %dma_wait3A_108 = tpu.memref_squeeze %dma_wait3A_107 : memref<1x128xi32, #tpu.memory_space<vmem>> -> memref<128xi32, #tpu.memory_space<vmem>>
      %dma_wait3A_109 = arith.constant 0 : i32
      %dma_wait3A_110 = arith.constant 0 : i32
      %dma_wait3A_111 = tpu.memref_slice %arg2[%dma_wait3A_109, %dma_wait3A_110] : memref<10112x48xf32, #tpu.memory_space<hbm>> -> memref<10112x48xf32, #tpu.memory_space<hbm>>
      tpu.wait_indirect_dma semaphore(%arg15 : memref<!tpu.dma_semaphore, #tpu.memory_space<semaphore_mem>>) src(%dma_wait3A_111 : memref<10112x48xf32, #tpu.memory_space<hbm>>) dst(%arg9 : memref<128x48xf32, #tpu.memory_space<vmem>>)
      %dma_wait3A_112 = arith.constant 1 : i32
      %dma_wait3A_113 = arith.constant 0 : i32
      %dma_wait3A_114 = tpu.memref_slice %arg7[%dma_wait3A_112, %dma_wait3A_113] : memref<2x128xi32, #tpu.memory_space<vmem>> -> memref<1x128xi32, #tpu.memory_space<vmem>>
      %dma_wait3A_115 = tpu.memref_squeeze %dma_wait3A_114 : memref<1x128xi32, #tpu.memory_space<vmem>> -> memref<128xi32, #tpu.memory_space<vmem>>
      %dma_wait3A_116 = arith.constant 0 : i32
      %dma_wait3A_117 = arith.constant 0 : i32
      %dma_wait3A_118 = tpu.memref_slice %arg3[%dma_wait3A_116, %dma_wait3A_117] : memref<10112x8xf32, #tpu.memory_space<hbm>> -> memref<10112x8xf32, #tpu.memory_space<hbm>>
      tpu.wait_indirect_dma semaphore(%arg15 : memref<!tpu.dma_semaphore, #tpu.memory_space<semaphore_mem>>) src(%dma_wait3A_118 : memref<10112x8xf32, #tpu.memory_space<hbm>>) dst(%arg11 : memref<128x8xf32, #tpu.memory_space<vmem>>)
      %sub3A_119 = arith.constant 1 : i32
      %sub3A_120 = arith.subi %select_n3A_17, %sub3A_119 : i32
      %lt3A_121 = arith.cmpi slt, %add3A_104, %sub3A_120 : i32
      %convert_element_type3A_122 = arith.extui %lt3A_121 : i1 to i32
      %cond3A_123 = arith.constant 0 : i32
      %cond3A_124 = arith.cmpi ne, %convert_element_type3A_122, %cond3A_123 : i32
      scf.if %cond3A_124 {
        %add3A_144 = arith.addi %select_n3A, %add3A_104 : i32
        %add3A_145 = arith.constant 1 : i32
        %add3A_146 = arith.addi %add3A_144, %add3A_145 : i32
        "tpu.region"() ({
          %run_scoped3A_161 = tpu.sem_alloc : memref<!tpu.dma_semaphore, #tpu.memory_space<semaphore_mem>>
          %dma_start3A_162 = arith.constant 0 : i32
          %dma_start3A_163 = arith.constant 0 : i32
          %dma_start3A_164 = tpu.memref_slice %arg4[%add3A_146, %dma_start3A_162, %dma_start3A_163] : memref<2560x2x128xi32, #tpu.memory_space<hbm>> -> memref<1x2x128xi32, #tpu.memory_space<hbm>>
          %dma_start3A_165 = tpu.memref_squeeze %dma_start3A_164 : memref<1x2x128xi32, #tpu.memory_space<hbm>> -> memref<2x128xi32, #tpu.memory_space<hbm>>
          %dma_start3A_166 = arith.constant 0 : i32
          %dma_start3A_167 = arith.constant 0 : i32
          %dma_start3A_168 = tpu.memref_slice %arg4[%add3A_146, %dma_start3A_166, %dma_start3A_167] : memref<2560x2x128xi32, #tpu.memory_space<hbm>> -> memref<1x2x128xi32, #tpu.memory_space<hbm>>
          %dma_start3A_169 = tpu.memref_squeeze %dma_start3A_168 : memref<1x2x128xi32, #tpu.memory_space<hbm>> -> memref<2x128xi32, #tpu.memory_space<hbm>>
          tpu.enqueue_dma source(%dma_start3A_169 : memref<2x128xi32, #tpu.memory_space<hbm>>) target(%arg6 : memref<2x128xi32, #tpu.memory_space<vmem>>) target_semaphore(%run_scoped3A_161 : memref<!tpu.dma_semaphore, #tpu.memory_space<semaphore_mem>>)
          %dma_wait3A_170 = arith.constant 0 : i32
          %dma_wait3A_171 = arith.constant 0 : i32
          %dma_wait3A_172 = tpu.memref_slice %arg4[%add3A_146, %dma_wait3A_170, %dma_wait3A_171] : memref<2560x2x128xi32, #tpu.memory_space<hbm>> -> memref<1x2x128xi32, #tpu.memory_space<hbm>>
          %dma_wait3A_173 = tpu.memref_squeeze %dma_wait3A_172 : memref<1x2x128xi32, #tpu.memory_space<hbm>> -> memref<2x128xi32, #tpu.memory_space<hbm>>
          %dma_wait3A_174 = arith.constant 0 : i32
          %dma_wait3A_175 = arith.constant 0 : i32
          %dma_wait3A_176 = tpu.memref_slice %arg4[%add3A_146, %dma_wait3A_174, %dma_wait3A_175] : memref<2560x2x128xi32, #tpu.memory_space<hbm>> -> memref<1x2x128xi32, #tpu.memory_space<hbm>>
          %dma_wait3A_177 = tpu.memref_squeeze %dma_wait3A_176 : memref<1x2x128xi32, #tpu.memory_space<hbm>> -> memref<2x128xi32, #tpu.memory_space<hbm>>
          tpu.wait_dma2 semaphore(%run_scoped3A_161 : memref<!tpu.dma_semaphore, #tpu.memory_space<semaphore_mem>>) src(%dma_wait3A_177 : memref<2x128xi32, #tpu.memory_space<hbm>>) dst(%arg6 : memref<2x128xi32, #tpu.memory_space<vmem>>)
          tpu.yield
        }) : () -> ()
        %dma_start3A_147 = arith.constant 0 : i32
        %dma_start3A_148 = arith.constant 0 : i32
        %dma_start3A_149 = tpu.memref_slice %arg6[%dma_start3A_147, %dma_start3A_148] : memref<2x128xi32, #tpu.memory_space<vmem>> -> memref<1x128xi32, #tpu.memory_space<vmem>>
        %dma_start3A_150 = tpu.memref_squeeze %dma_start3A_149 : memref<1x128xi32, #tpu.memory_space<vmem>> -> memref<128xi32, #tpu.memory_space<vmem>>
        %dma_start3A_151 = arith.constant 0 : i32
        %dma_start3A_152 = arith.constant 0 : i32
        %dma_start3A_153 = tpu.memref_slice %arg2[%dma_start3A_151, %dma_start3A_152] : memref<10112x48xf32, #tpu.memory_space<hbm>> -> memref<10112x48xf32, #tpu.memory_space<hbm>>
        tpu.enqueue_indirect_dma source(%dma_start3A_153 : memref<10112x48xf32, #tpu.memory_space<hbm>>) target(%arg8 : memref<128x48xf32, #tpu.memory_space<vmem>>) offsets(%dma_start3A_150 : memref<128xi32, #tpu.memory_space<vmem>>) semaphore(%arg14 : memref<!tpu.dma_semaphore, #tpu.memory_space<semaphore_mem>>)
        %dma_start3A_154 = arith.constant 1 : i32
        %dma_start3A_155 = arith.constant 0 : i32
        %dma_start3A_156 = tpu.memref_slice %arg6[%dma_start3A_154, %dma_start3A_155] : memref<2x128xi32, #tpu.memory_space<vmem>> -> memref<1x128xi32, #tpu.memory_space<vmem>>
        %dma_start3A_157 = tpu.memref_squeeze %dma_start3A_156 : memref<1x128xi32, #tpu.memory_space<vmem>> -> memref<128xi32, #tpu.memory_space<vmem>>
        %dma_start3A_158 = arith.constant 0 : i32
        %dma_start3A_159 = arith.constant 0 : i32
        %dma_start3A_160 = tpu.memref_slice %arg3[%dma_start3A_158, %dma_start3A_159] : memref<10112x8xf32, #tpu.memory_space<hbm>> -> memref<10112x8xf32, #tpu.memory_space<hbm>>
        tpu.enqueue_indirect_dma source(%dma_start3A_160 : memref<10112x8xf32, #tpu.memory_space<hbm>>) target(%arg10 : memref<128x8xf32, #tpu.memory_space<vmem>>) offsets(%dma_start3A_157 : memref<128xi32, #tpu.memory_space<vmem>>) semaphore(%arg14 : memref<!tpu.dma_semaphore, #tpu.memory_space<semaphore_mem>>)
      } else {
      }
      %iota3A_125 = tpu.iota {dimensions = array<i32: 0>} : vector<16xi32>
      %scan3A_126 = arith.constant 0 : i32
      %scan3A_127 = arith.constant 0 : i32
      %scan3A_128 = arith.constant 8 : i32
      %scan3A_129 = arith.addi %scan3A_127, %scan3A_128 : i32
      %scan3A_130 = arith.constant 1 : i32
      %scan3A_131 = scf.for %scan3A_144 = %scan3A_127 to %scan3A_129 step %scan3A_130 iter_args(%scan3A_145 = %scan3A_126) -> (i32)  : i32 {
        %mul3A_146 = arith.constant 16 : i32
        %mul3A_147 = arith.muli %mul3A_146, %scan3A_144 : i32
        %add3A_148 = vector.broadcast %mul3A_147 : i32 to vector<16xi32>
        %add3A_149 = arith.addi %add3A_148, %iota3A_125 : vector<16xi32>
        %broadcast_in_dim3A_150 = arith.constant 41 : i32
        %broadcast_in_dim3A_151 = vector.broadcast %broadcast_in_dim3A_150 : i32 to vector<16xi32>
        %gather3A = tpu.vector_load_idx %arg9[%add3A_149, %broadcast_in_dim3A_151] : memref<128x48xf32, #tpu.memory_space<vmem>>[vector<16xi32>, vector<16xi32>], vector<16xf32>,
        %broadcast_in_dim3A_152 = arith.constant 0 : i32
        %broadcast_in_dim3A_153 = vector.broadcast %broadcast_in_dim3A_152 : i32 to vector<16xi32>
        %gather3A_154 = tpu.vector_load_idx %arg11[%add3A_149, %broadcast_in_dim3A_153] : memref<128x8xf32, #tpu.memory_space<vmem>>[vector<16xi32>, vector<16xi32>], vector<16xf32>,
        %add3A_155 = arith.addf %gather3A, %gather3A_154 : vector<16xf32>
        %ge3A = arith.constant 0.000000e+00 : f32
        %ge3A_156 = vector.broadcast %ge3A : f32 to vector<16xf32>
        %ge3A_157 = arith.cmpf oge, %add3A_155, %ge3A_156 : vector<16xf32>
        %mul3A_158 = arith.constant 2.000000e-01 : f32
        %mul3A_159 = vector.broadcast %mul3A_158 : f32 to vector<16xf32>
        %mul3A_160 = arith.mulf %mul3A_159, %add3A_155 : vector<16xf32>
        %select_n3A_161 = arith.select %ge3A_157, %add3A_155, %mul3A_160 : vector<16xi1>, vector<16xf32>
        %broadcast_in_dim3A_162 = arith.constant 40 : i32
        %broadcast_in_dim3A_163 = vector.broadcast %broadcast_in_dim3A_162 : i32 to vector<16xi32>
        %exp3A = math.exp %select_n3A_161 : vector<16xf32>
        tpu.vector_store_idx %arg9[%add3A_149, %broadcast_in_dim3A_163], %exp3A : memref<128x48xf32, #tpu.memory_space<vmem>>[vector<16xi32>, vector<16xi32>], vector<16xf32>,
        %scan3A_164 = arith.constant 0 : i32
        scf.yield %scan3A_164 : i32
      }
      %scan3A_132 = arith.constant 8 : i32
      %broadcast_in_dim3A_133 = arith.constant 8 : i32
      %broadcast_in_dim3A_134 = vector.broadcast %broadcast_in_dim3A_133 : i32 to vector<16xi32>
      %scan3A_135 = arith.constant 0 : i32
      %scan3A_136 = arith.constant 0 : i32
      %scan3A_137 = arith.constant 128 : i32
      %scan3A_138 = arith.addi %scan3A_136, %scan3A_137 : i32
      %scan3A_139 = arith.constant 1 : i32
      %scan3A_140 = scf.for %scan3A_144 = %scan3A_136 to %scan3A_138 step %scan3A_139 iter_args(%scan3A_145 = %scan3A_135) -> (i32)  : i32 {
        %get3A = arith.index_cast %scan3A_144 : i32 to index
        %get3A_146 = arith.constant 32 : index
        %get3A_147 = tpu.vector_load %arg9[%get3A, %get3A_146] {strides = array<i32>} : memref<128x48xf32, #tpu.memory_space<vmem>>, vector<16xf32>,
        %lt3A_148 = arith.constant 0 : i32
        %lt3A_149 = vector.broadcast %lt3A_148 : i32 to vector<16xi32>
        %lt3A_150 = arith.cmpi slt, %broadcast_in_dim3A_134, %lt3A_149 : vector<16xi32>
        %add3A_151 = arith.constant 16 : i32
        %add3A_152 = vector.broadcast %add3A_151 : i32 to vector<16xi32>
        %add3A_153 = arith.addi %broadcast_in_dim3A_134, %add3A_152 : vector<16xi32>
        %select_n3A_154 = arith.select %lt3A_150, %add3A_153, %broadcast_in_dim3A_134 : vector<16xi1>, vector<16xi32>
        %broadcast_in_dim3A_155 = vector.shape_cast %select_n3A_154 : vector<16xi32> to vector<16x1xi32>
        %gather3A = vector.shape_cast %broadcast_in_dim3A_155 : vector<16x1xi32> to vector<16xi32>
        %gather3A_156 = tpu.dynamic_gather %get3A_147[%gather3A] in [0] : vector<16xf32>, vector<16xi32> -> vector<16xf32>
        %get3A_157 = arith.index_cast %scan3A_144 : i32 to index
        %get3A_158 = arith.constant 0 : index
        %get3A_159 = tpu.vector_load %arg9[%get3A_157, %get3A_158] {strides = array<i32>} : memref<128x48xf32, #tpu.memory_space<vmem>>, vector<16xf32>,
        %mul3A_160 = arith.mulf %get3A_159, %gather3A_156 : vector<16xf32>
        %swap3A = arith.index_cast %scan3A_144 : i32 to index
        %swap3A_161 = arith.constant 0 : index
        %swap3A_162 = tpu.vector_load %arg9[%swap3A, %swap3A_161] {strides = array<i32>} : memref<128x48xf32, #tpu.memory_space<vmem>>, vector<16xf32>,
        tpu.vector_store %arg9[%swap3A, %swap3A_161], %mul3A_160 {strides = array<i32>} : memref<128x48xf32, #tpu.memory_space<vmem>>, vector<16xf32>,
        %get3A_163 = arith.index_cast %scan3A_144 : i32 to index
        %get3A_164 = arith.constant 16 : index
        %get3A_165 = tpu.vector_load %arg9[%get3A_163, %get3A_164] {strides = array<i32>} : memref<128x48xf32, #tpu.memory_space<vmem>>, vector<16xf32>,
        %mul3A_166 = arith.mulf %get3A_165, %gather3A_156 : vector<16xf32>
        %swap3A_167 = arith.index_cast %scan3A_144 : i32 to index
        %swap3A_168 = arith.constant 16 : index
        %swap3A_169 = tpu.vector_load %arg9[%swap3A_167, %swap3A_168] {strides = array<i32>} : memref<128x48xf32, #tpu.memory_space<vmem>>, vector<16xf32>,
        tpu.vector_store %arg9[%swap3A_167, %swap3A_168], %mul3A_166 {strides = array<i32>} : memref<128x48xf32, #tpu.memory_space<vmem>>, vector<16xf32>,
        %lt3A_170 = arith.constant 8 : i32
        %lt3A_171 = vector.broadcast %lt3A_170 : i32 to vector<16xi32>
        %lt3A_172 = arith.cmpi slt, %iota3A_125, %lt3A_171 : vector<16xi32>
        %jit3A_173 = arith.constant 1.000000e+00 : f32
        %broadcast_in_dim3A_174 = vector.broadcast %jit3A_173 : f32 to vector<16xf32>
        %select_n3A_175 = arith.select %lt3A_172, %gather3A_156, %broadcast_in_dim3A_174 : vector<16xi1>, vector<16xf32>
        %mul3A_176 = arith.mulf %get3A_147, %select_n3A_175 : vector<16xf32>
        %swap3A_177 = arith.index_cast %scan3A_144 : i32 to index
        %swap3A_178 = arith.constant 32 : index
        %swap3A_179 = tpu.vector_load %arg9[%swap3A_177, %swap3A_178] {strides = array<i32>} : memref<128x48xf32, #tpu.memory_space<vmem>>, vector<16xf32>,
        tpu.vector_store %arg9[%swap3A_177, %swap3A_178], %mul3A_176 {strides = array<i32>} : memref<128x48xf32, #tpu.memory_space<vmem>>, vector<16xf32>,
        %scan3A_180 = arith.constant 0 : i32
        scf.yield %scan3A_180 : i32
      }
      %scan3A_141 = arith.constant 128 : i32
      %run_scoped3A_142 = arith.constant 1 : i32
      "tpu.region"() ({
        %run_scoped3A_144 = tpu.sem_alloc : memref<!tpu.dma_semaphore, #tpu.memory_space<semaphore_mem>>
        %dma_start3A_145 = arith.constant 0 : i32
        %dma_start3A_146 = tpu.memref_slice %arg7[%run_scoped3A_142, %dma_start3A_145] : memref<2x128xi32, #tpu.memory_space<vmem>> -> memref<1x128xi32, #tpu.memory_space<vmem>>
        %dma_start3A_147 = tpu.memref_squeeze %dma_start3A_146 : memref<1x128xi32, #tpu.memory_space<vmem>> -> memref<128xi32, #tpu.memory_space<vmem>>
        %dma_start3A_148 = arith.constant 0 : i32
        %dma_start3A_149 = arith.constant 0 : i32
        %dma_start3A_150 = tpu.memref_slice %arg13[%dma_start3A_148, %dma_start3A_149] : memref<10112x48xf32, #tpu.memory_space<vmem_shared>> -> memref<10112x48xf32, #tpu.memory_space<vmem_shared>>
        tpu.enqueue_indirect_dma source(%arg9 : memref<128x48xf32, #tpu.memory_space<vmem>>) target(%dma_start3A_150 : memref<10112x48xf32, #tpu.memory_space<vmem_shared>>) offsets(%dma_start3A_147 : memref<128xi32, #tpu.memory_space<vmem>>) semaphore(%run_scoped3A_144 : memref<!tpu.dma_semaphore, #tpu.memory_space<semaphore_mem>>) {add = true}
        %dma_wait3A_151 = arith.constant 0 : i32
        %dma_wait3A_152 = tpu.memref_slice %arg7[%run_scoped3A_142, %dma_wait3A_151] : memref<2x128xi32, #tpu.memory_space<vmem>> -> memref<1x128xi32, #tpu.memory_space<vmem>>
        %dma_wait3A_153 = tpu.memref_squeeze %dma_wait3A_152 : memref<1x128xi32, #tpu.memory_space<vmem>> -> memref<128xi32, #tpu.memory_space<vmem>>
        %dma_wait3A_154 = arith.constant 0 : i32
        %dma_wait3A_155 = arith.constant 0 : i32
        %dma_wait3A_156 = tpu.memref_slice %arg13[%dma_wait3A_154, %dma_wait3A_155] : memref<10112x48xf32, #tpu.memory_space<vmem_shared>> -> memref<10112x48xf32, #tpu.memory_space<vmem_shared>>
        tpu.wait_indirect_dma semaphore(%run_scoped3A_144 : memref<!tpu.dma_semaphore, #tpu.memory_space<semaphore_mem>>) src(%arg9 : memref<128x48xf32, #tpu.memory_space<vmem>>) dst(%dma_wait3A_156 : memref<10112x48xf32, #tpu.memory_space<vmem_shared>>)
        tpu.yield
      }) : () -> ()
      %while3A_143 = arith.constant 0 : i32
      scf.yield %while3A_143 : i32
    }
    %barrier3A_60 = arith.constant 0 : index
    tpu.barrier barrier_id(%barrier3A_60)
    %mul3A_61 = arith.constant 632 : i32
    %mul3A_62 = arith.muli %arg1, %mul3A_61 : i32
    "tpu.region"() ({
      %run_scoped3A = tpu.sem_alloc : memref<!tpu.dma_semaphore, #tpu.memory_space<semaphore_mem>>
      %dma_start3A_63 = arith.constant 0 : i32
      %dma_start3A_64 = tpu.memref_slice %arg13[%mul3A_62, %dma_start3A_63] : memref<10112x48xf32, #tpu.memory_space<vmem_shared>> -> memref<632x48xf32, #tpu.memory_space<vmem_shared>>
      %dma_start3A_65 = arith.constant 0 : i32
      %dma_start3A_66 = tpu.memref_slice %arg13[%mul3A_62, %dma_start3A_65] : memref<10112x48xf32, #tpu.memory_space<vmem_shared>> -> memref<632x48xf32, #tpu.memory_space<vmem_shared>>
      tpu.enqueue_dma source(%dma_start3A_66 : memref<632x48xf32, #tpu.memory_space<vmem_shared>>) target(%arg12 : memref<632x48xf32, #tpu.memory_space<vmem>>) target_semaphore(%run_scoped3A : memref<!tpu.dma_semaphore, #tpu.memory_space<semaphore_mem>>)
      %dma_wait3A = arith.constant 0 : i32
      %dma_wait3A_67 = tpu.memref_slice %arg13[%mul3A_62, %dma_wait3A] : memref<10112x48xf32, #tpu.memory_space<vmem_shared>> -> memref<632x48xf32, #tpu.memory_space<vmem_shared>>
      %dma_wait3A_68 = arith.constant 0 : i32
      %dma_wait3A_69 = tpu.memref_slice %arg13[%mul3A_62, %dma_wait3A_68] : memref<10112x48xf32, #tpu.memory_space<vmem_shared>> -> memref<632x48xf32, #tpu.memory_space<vmem_shared>>
      tpu.wait_dma2 semaphore(%run_scoped3A : memref<!tpu.dma_semaphore, #tpu.memory_space<semaphore_mem>>) src(%dma_wait3A_69 : memref<632x48xf32, #tpu.memory_space<vmem_shared>>) dst(%arg12 : memref<632x48xf32, #tpu.memory_space<vmem>>)
      tpu.yield
    }) : () -> ()
    "tpu.region"() ({
      %run_scoped3A = tpu.sem_alloc : memref<!tpu.dma_semaphore, #tpu.memory_space<semaphore_mem>>
      %dma_start3A_63 = arith.constant 0 : i32
      %dma_start3A_64 = tpu.memref_slice %arg5[%arg0, %mul3A_62, %dma_start3A_63] : memref<2x10112x48xf32, #tpu.memory_space<hbm>> -> memref<1x632x48xf32, #tpu.memory_space<hbm>>
      %dma_start3A_65 = tpu.memref_squeeze %dma_start3A_64 : memref<1x632x48xf32, #tpu.memory_space<hbm>> -> memref<632x48xf32, #tpu.memory_space<hbm>>
      %dma_start3A_66 = arith.constant 0 : i32
      %dma_start3A_67 = tpu.memref_slice %arg5[%arg0, %mul3A_62, %dma_start3A_66] : memref<2x10112x48xf32, #tpu.memory_space<hbm>> -> memref<1x632x48xf32, #tpu.memory_space<hbm>>
      %dma_start3A_68 = tpu.memref_squeeze %dma_start3A_67 : memref<1x632x48xf32, #tpu.memory_space<hbm>> -> memref<632x48xf32, #tpu.memory_space<hbm>>
      tpu.enqueue_dma source(%arg12 : memref<632x48xf32, #tpu.memory_space<vmem>>) target(%dma_start3A_68 : memref<632x48xf32, #tpu.memory_space<hbm>>) target_semaphore(%run_scoped3A : memref<!tpu.dma_semaphore, #tpu.memory_space<semaphore_mem>>)
      %dma_wait3A = arith.constant 0 : i32
      %dma_wait3A_69 = tpu.memref_slice %arg5[%arg0, %mul3A_62, %dma_wait3A] : memref<2x10112x48xf32, #tpu.memory_space<hbm>> -> memref<1x632x48xf32, #tpu.memory_space<hbm>>
      %dma_wait3A_70 = tpu.memref_squeeze %dma_wait3A_69 : memref<1x632x48xf32, #tpu.memory_space<hbm>> -> memref<632x48xf32, #tpu.memory_space<hbm>>
      %dma_wait3A_71 = arith.constant 0 : i32
      %dma_wait3A_72 = tpu.memref_slice %arg5[%arg0, %mul3A_62, %dma_wait3A_71] : memref<2x10112x48xf32, #tpu.memory_space<hbm>> -> memref<1x632x48xf32, #tpu.memory_space<hbm>>
      %dma_wait3A_73 = tpu.memref_squeeze %dma_wait3A_72 : memref<1x632x48xf32, #tpu.memory_space<hbm>> -> memref<632x48xf32, #tpu.memory_space<hbm>>
      tpu.wait_dma2 semaphore(%run_scoped3A : memref<!tpu.dma_semaphore, #tpu.memory_space<semaphore_mem>>) src(%arg12 : memref<632x48xf32, #tpu.memory_space<vmem>>) dst(%dma_wait3A_73 : memref<632x48xf32, #tpu.memory_space<hbm>>)
      tpu.yield
    }) : () -> ()
    return
  }
}

module attributes {stable_mosaic.version = 14 : i64} {
  func.func @_tc_stage_a(%arg0: i32, %arg1: memref<1264x128xf32, #tpu.memory_space<vmem>>, %arg2: memref<128x88xf32, #tpu.memory_space<vmem>>, %arg3: memref<1264x80xf32, #tpu.memory_space<vmem>>, %arg4: memref<1264x8xf32, #tpu.memory_space<vmem>>) attributes {dimension_semantics = [#tpu.dimension_semantics<arbitrary>], iteration_bounds = array<i64: 8>, scalar_prefetch = 0 : i64, scratch_operands = 0 : i64, tpu.core_type = #tpu.core_type<tc>, window_params = [{transform_indices = @transform_0, window_bounds = array<i64: 1264, 128>}, {pipeline_mode = #tpu.pipeline_mode<synchronous>, transform_indices = @transform_1, window_bounds = array<i64: 128, 88>}, {transform_indices = @transform_2, window_bounds = array<i64: 1264, 80>}, {transform_indices = @transform_3, window_bounds = array<i64: 1264, 8>}]} {
    %get3A = arith.constant 0 : index
    %get3A_0 = arith.constant 0 : index
    %get3A_1 = vector.load %arg1[%get3A, %get3A_0] : memref<1264x128xf32, #tpu.memory_space<vmem>>, vector<1264x128xf32>
    %get3A_2 = arith.constant 0 : index
    %get3A_3 = arith.constant 0 : index
    %get3A_4 = vector.load %arg2[%get3A_2, %get3A_3] : memref<128x88xf32, #tpu.memory_space<vmem>>, vector<128x88xf32>
    %dot_general3A = arith.constant dense<0.000000e+00> : vector<1264x88xf32>
    %dot_general3A_5 = tpu.matmul %get3A_1, %get3A_4, %dot_general3A {dimension_numbers = #tpu.dot_dimension_numbers<[1], [0], [0], [1], [0, 0, 1, 1], [], []>, transpose_lhs_hint = false} : vector<1264x128xf32>, vector<128x88xf32>, vector<1264x88xf32> -> vector<1264x88xf32>
    %slice3A = vector.extract_strided_slice %dot_general3A_5 {offsets = [0, 0], sizes = [1264, 80], strides = [1, 1]} : vector<1264x88xf32> to vector<1264x80xf32>
    %swap3A = arith.constant 0 : index
    %swap3A_6 = arith.constant 0 : index
    %swap3A_7 = vector.load %arg3[%swap3A, %swap3A_6] : memref<1264x80xf32, #tpu.memory_space<vmem>>, vector<1264x80xf32>
    tpu.vector_store %arg3[%swap3A, %swap3A_6], %slice3A {strides = array<i32>} : memref<1264x80xf32, #tpu.memory_space<vmem>>, vector<1264x80xf32>,
    %slice3A_8 = vector.extract_strided_slice %dot_general3A_5 {offsets = [0, 80], sizes = [1264, 8], strides = [1, 1]} : vector<1264x88xf32> to vector<1264x8xf32>
    %swap3A_9 = arith.constant 0 : index
    %swap3A_10 = arith.constant 0 : index
    %swap3A_11 = vector.load %arg4[%swap3A_9, %swap3A_10] : memref<1264x8xf32, #tpu.memory_space<vmem>>, vector<1264x8xf32>
    tpu.vector_store %arg4[%swap3A_9, %swap3A_10], %slice3A_8 {strides = array<i32>} : memref<1264x8xf32, #tpu.memory_space<vmem>>, vector<1264x8xf32>,
    return
  }
  func.func @transform_0(%arg0: i32) -> (i32, i32) {
    %c0_i32 = arith.constant 0 : i32
    %c0_i32_0 = arith.constant 0 : i32
    return %arg0, %c0_i32 : i32, i32
  }
  func.func @transform_1(%arg0: i32) -> (i32, i32) {
    %c0_i32 = arith.constant 0 : i32
    %c0_i32_0 = arith.constant 0 : i32
    %c0_i32_1 = arith.constant 0 : i32
    return %c0_i32, %c0_i32_0 : i32, i32
  }
  func.func @transform_2(%arg0: i32) -> (i32, i32) {
    %c0_i32 = arith.constant 0 : i32
    %c0_i32_0 = arith.constant 0 : i32
    return %arg0, %c0_i32 : i32, i32
  }
  func.func @transform_3(%arg0: i32) -> (i32, i32) {
    %c0_i32 = arith.constant 0 : i32
    %c0_i32_0 = arith.constant 0 : i32
    return %arg0, %c0_i32 : i32, i32
  }
}

module attributes {stable_mosaic.version = 14 : i64} {
  func.func @_tc_stage_c(%arg0: i32, %arg1: memref<2x1264x80xf32, #tpu.memory_space<vmem>>, %arg2: memref<8x64xf32, #tpu.memory_space<vmem>>, %arg3: memref<1x64xf32, #tpu.memory_space<vmem>>, %arg4: memref<64x56xf32, #tpu.memory_space<vmem>>, %arg5: memref<1264x48xf32, #tpu.memory_space<vmem>>, %arg6: memref<1264x8xf32, #tpu.memory_space<vmem>>) attributes {dimension_semantics = [#tpu.dimension_semantics<arbitrary>], iteration_bounds = array<i64: 8>, scalar_prefetch = 0 : i64, scratch_operands = 0 : i64, tpu.core_type = #tpu.core_type<tc>, window_params = [{transform_indices = @transform_0, window_bounds = array<i64: 2, 1264, 80>}, {pipeline_mode = #tpu.pipeline_mode<synchronous>, transform_indices = @transform_1, window_bounds = array<i64: 8, 64>}, {pipeline_mode = #tpu.pipeline_mode<synchronous>, transform_indices = @transform_2, window_bounds = array<i64: 1, 64>}, {pipeline_mode = #tpu.pipeline_mode<synchronous>, transform_indices = @transform_3, window_bounds = array<i64: 64, 56>}, {transform_indices = @transform_4, window_bounds = array<i64: 1264, 48>}, {transform_indices = @transform_5, window_bounds = array<i64: 1264, 8>}]} {
    %get3A = arith.constant 0 : index
    %get3A_0 = arith.constant 0 : index
    %get3A_1 = arith.constant 0 : index
    %get3A_2 = vector.load %arg1[%get3A, %get3A_0, %get3A_1] : memref<2x1264x80xf32, #tpu.memory_space<vmem>>, vector<1x1264x80xf32>
    %get3A_3 = vector.shape_cast %get3A_2 : vector<1x1264x80xf32> to vector<1264x80xf32>
    %get3A_4 = arith.constant 1 : index
    %get3A_5 = arith.constant 0 : index
    %get3A_6 = arith.constant 0 : index
    %get3A_7 = vector.load %arg1[%get3A_4, %get3A_5, %get3A_6] : memref<2x1264x80xf32, #tpu.memory_space<vmem>>, vector<1x1264x80xf32>
    %get3A_8 = vector.shape_cast %get3A_7 : vector<1x1264x80xf32> to vector<1264x80xf32>
    %add3A = arith.addf %get3A_3, %get3A_8 : vector<1264x80xf32>
    %slice3A = vector.extract_strided_slice %add3A {offsets = [0, 64], sizes = [1264, 8], strides = [1, 1]} : vector<1264x80xf32> to vector<1264x8xf32>
    %gt3A = arith.constant 0.000000e+00 : f32
    %gt3A_9 = vector.broadcast %gt3A : f32 to vector<1264x8xf32>
    %gt3A_10 = arith.cmpf ogt, %slice3A, %gt3A_9 : vector<1264x8xf32>
    %div3A = arith.constant 1.000000e+00 : f32
    %div3A_11 = vector.broadcast %div3A : f32 to vector<1264x8xf32>
    %div3A_12 = arith.divf %div3A_11, %slice3A : vector<1264x8xf32>
    %jit3A = arith.constant 0.000000e+00 : f32
    %broadcast_in_dim3A = vector.broadcast %jit3A : f32 to vector<1264x8xf32>
    %select_n3A = arith.select %gt3A_10, %div3A_12, %broadcast_in_dim3A : vector<1264x8xi1>, vector<1264x8xf32>
    %get3A_13 = arith.constant 0 : index
    %get3A_14 = arith.constant 0 : index
    %get3A_15 = vector.load %arg2[%get3A_13, %get3A_14] : memref<8x64xf32, #tpu.memory_space<vmem>>, vector<8x64xf32>
    %dot_general3A = arith.constant dense<0.000000e+00> : vector<1264x64xf32>
    %dot_general3A_16 = tpu.matmul %select_n3A, %get3A_15, %dot_general3A {dimension_numbers = #tpu.dot_dimension_numbers<[1], [0], [0], [1], [0, 0, 1, 1], [], []>, transpose_lhs_hint = false} : vector<1264x8xf32>, vector<8x64xf32>, vector<1264x64xf32> -> vector<1264x64xf32>
    %slice3A_17 = vector.extract_strided_slice %add3A {offsets = [0, 0], sizes = [1264, 64], strides = [1, 1]} : vector<1264x80xf32> to vector<1264x64xf32>
    %mul3A = arith.mulf %slice3A_17, %dot_general3A_16 : vector<1264x64xf32>
    %get3A_18 = arith.constant 0 : index
    %get3A_19 = arith.constant 0 : index
    %get3A_20 = vector.load %arg3[%get3A_18, %get3A_19] : memref<1x64xf32, #tpu.memory_space<vmem>>, vector<1x64xf32>
    %add3A_21 = vector.broadcast %get3A_20 : vector<1x64xf32> to vector<1264x64xf32>
    %add3A_22 = arith.addf %mul3A, %add3A_21 : vector<1264x64xf32>
    %gt3A_23 = arith.constant 0.000000e+00 : f32
    %gt3A_24 = vector.broadcast %gt3A_23 : f32 to vector<1264x64xf32>
    %gt3A_25 = arith.cmpf ogt, %add3A_22, %gt3A_24 : vector<1264x64xf32>
    %exp3A = math.exp %add3A_22 : vector<1264x64xf32>
    %sub3A = arith.constant 1.000000e+00 : f32
    %sub3A_26 = vector.broadcast %sub3A : f32 to vector<1264x64xf32>
    %sub3A_27 = arith.subf %exp3A, %sub3A_26 : vector<1264x64xf32>
    %select_n3A_28 = arith.select %gt3A_25, %add3A_22, %sub3A_27 : vector<1264x64xi1>, vector<1264x64xf32>
    %get3A_29 = arith.constant 0 : index
    %get3A_30 = arith.constant 0 : index
    %get3A_31 = vector.load %arg4[%get3A_29, %get3A_30] : memref<64x56xf32, #tpu.memory_space<vmem>>, vector<64x56xf32>
    %dot_general3A_32 = arith.constant dense<0.000000e+00> : vector<1264x56xf32>
    %dot_general3A_33 = tpu.matmul %select_n3A_28, %get3A_31, %dot_general3A_32 {dimension_numbers = #tpu.dot_dimension_numbers<[1], [0], [0], [1], [0, 0, 1, 1], [], []>, transpose_lhs_hint = false} : vector<1264x64xf32>, vector<64x56xf32>, vector<1264x56xf32> -> vector<1264x56xf32>
    %slice3A_34 = vector.extract_strided_slice %dot_general3A_33 {offsets = [0, 0], sizes = [1264, 48], strides = [1, 1]} : vector<1264x56xf32> to vector<1264x48xf32>
    %swap3A = arith.constant 0 : index
    %swap3A_35 = arith.constant 0 : index
    %swap3A_36 = vector.load %arg5[%swap3A, %swap3A_35] : memref<1264x48xf32, #tpu.memory_space<vmem>>, vector<1264x48xf32>
    tpu.vector_store %arg5[%swap3A, %swap3A_35], %slice3A_34 {strides = array<i32>} : memref<1264x48xf32, #tpu.memory_space<vmem>>, vector<1264x48xf32>,
    %slice3A_37 = vector.extract_strided_slice %dot_general3A_33 {offsets = [0, 48], sizes = [1264, 8], strides = [1, 1]} : vector<1264x56xf32> to vector<1264x8xf32>
    %swap3A_38 = arith.constant 0 : index
    %swap3A_39 = arith.constant 0 : index
    %swap3A_40 = vector.load %arg6[%swap3A_38, %swap3A_39] : memref<1264x8xf32, #tpu.memory_space<vmem>>, vector<1264x8xf32>
    tpu.vector_store %arg6[%swap3A_38, %swap3A_39], %slice3A_37 {strides = array<i32>} : memref<1264x8xf32, #tpu.memory_space<vmem>>, vector<1264x8xf32>,
    return
  }
  func.func @transform_0(%arg0: i32) -> (i32, i32, i32) {
    %c0_i32 = arith.constant 0 : i32
    %c0_i32_0 = arith.constant 0 : i32
    %c0_i32_1 = arith.constant 0 : i32
    return %c0_i32, %arg0, %c0_i32_0 : i32, i32, i32
  }
  func.func @transform_1(%arg0: i32) -> (i32, i32) {
    %c0_i32 = arith.constant 0 : i32
    %c0_i32_0 = arith.constant 0 : i32
    %c0_i32_1 = arith.constant 0 : i32
    return %c0_i32, %c0_i32_0 : i32, i32
  }
  func.func @transform_2(%arg0: i32) -> (i32, i32) {
    %c0_i32 = arith.constant 0 : i32
    %c0_i32_0 = arith.constant 0 : i32
    %c0_i32_1 = arith.constant 0 : i32
    return %c0_i32, %c0_i32_0 : i32, i32
  }
  func.func @transform_3(%arg0: i32) -> (i32, i32) {
    %c0_i32 = arith.constant 0 : i32
    %c0_i32_0 = arith.constant 0 : i32
    %c0_i32_1 = arith.constant 0 : i32
    return %c0_i32, %c0_i32_0 : i32, i32
  }
  func.func @transform_4(%arg0: i32) -> (i32, i32) {
    %c0_i32 = arith.constant 0 : i32
    %c0_i32_0 = arith.constant 0 : i32
    return %arg0, %c0_i32 : i32, i32
  }
  func.func @transform_5(%arg0: i32) -> (i32, i32) {
    %c0_i32 = arith.constant 0 : i32
    %c0_i32_0 = arith.constant 0 : i32
    return %arg0, %c0_i32 : i32, i32
  }
}

module attributes {stable_mosaic.version = 14 : i64} {
  func.func @_tc_stage_d(%arg0: i32, %arg1: memref<2x1264x48xf32, #tpu.memory_space<vmem>>, %arg2: memref<1x40xf32, #tpu.memory_space<vmem>>, %arg3: memref<1264x40xf32, #tpu.memory_space<vmem>>) attributes {dimension_semantics = [#tpu.dimension_semantics<arbitrary>], iteration_bounds = array<i64: 8>, scalar_prefetch = 0 : i64, scratch_operands = 0 : i64, tpu.core_type = #tpu.core_type<tc>, window_params = [{transform_indices = @transform_0, window_bounds = array<i64: 2, 1264, 48>}, {pipeline_mode = #tpu.pipeline_mode<synchronous>, transform_indices = @transform_1, window_bounds = array<i64: 1, 40>}, {transform_indices = @transform_2, window_bounds = array<i64: 1264, 40>}]} {
    %get3A = arith.constant 0 : index
    %get3A_0 = arith.constant 0 : index
    %get3A_1 = arith.constant 0 : index
    %get3A_2 = vector.load %arg1[%get3A, %get3A_0, %get3A_1] : memref<2x1264x48xf32, #tpu.memory_space<vmem>>, vector<1x1264x48xf32>
    %get3A_3 = vector.shape_cast %get3A_2 : vector<1x1264x48xf32> to vector<1264x48xf32>
    %get3A_4 = arith.constant 1 : index
    %get3A_5 = arith.constant 0 : index
    %get3A_6 = arith.constant 0 : index
    %get3A_7 = vector.load %arg1[%get3A_4, %get3A_5, %get3A_6] : memref<2x1264x48xf32, #tpu.memory_space<vmem>>, vector<1x1264x48xf32>
    %get3A_8 = vector.shape_cast %get3A_7 : vector<1x1264x48xf32> to vector<1264x48xf32>
    %add3A = arith.addf %get3A_3, %get3A_8 : vector<1264x48xf32>
    %slice3A = vector.extract_strided_slice %add3A {offsets = [0, 40], sizes = [1264, 1], strides = [1, 1]} : vector<1264x48xf32> to vector<1264x1xf32>
    %gt3A = arith.constant 0.000000e+00 : f32
    %gt3A_9 = vector.broadcast %gt3A : f32 to vector<1264x1xf32>
    %gt3A_10 = arith.cmpf ogt, %slice3A, %gt3A_9 : vector<1264x1xf32>
    %div3A = arith.constant 1.000000e+00 : f32
    %div3A_11 = vector.broadcast %div3A : f32 to vector<1264x1xf32>
    %div3A_12 = arith.divf %div3A_11, %slice3A : vector<1264x1xf32>
    %jit3A = arith.constant 0.000000e+00 : f32
    %broadcast_in_dim3A = vector.broadcast %jit3A : f32 to vector<1264x1xf32>
    %select_n3A = arith.select %gt3A_10, %div3A_12, %broadcast_in_dim3A : vector<1264x1xi1>, vector<1264x1xf32>
    %slice3A_13 = vector.extract_strided_slice %add3A {offsets = [0, 0], sizes = [1264, 40], strides = [1, 1]} : vector<1264x48xf32> to vector<1264x40xf32>
    %mul3A = vector.broadcast %select_n3A : vector<1264x1xf32> to vector<1264x40xf32>
    %mul3A_14 = arith.mulf %slice3A_13, %mul3A : vector<1264x40xf32>
    %get3A_15 = arith.constant 0 : index
    %get3A_16 = arith.constant 0 : index
    %get3A_17 = vector.load %arg2[%get3A_15, %get3A_16] : memref<1x40xf32, #tpu.memory_space<vmem>>, vector<1x40xf32>
    %add3A_18 = vector.broadcast %get3A_17 : vector<1x40xf32> to vector<1264x40xf32>
    %add3A_19 = arith.addf %mul3A_14, %add3A_18 : vector<1264x40xf32>
    %reduce_max3A = arith.constant dense<0xFF800000> : vector<1264xf32>
    %reduce_max3A_20 = vector.multi_reduction <maximumf>, %add3A_19, %reduce_max3A [1] : vector<1264x40xf32> to vector<1264xf32>
    %broadcast_in_dim3A_21 = vector.shape_cast %reduce_max3A_20 : vector<1264xf32> to vector<1264x1xf32>
    %sub3A = vector.broadcast %broadcast_in_dim3A_21 : vector<1264x1xf32> to vector<1264x40xf32>
    %sub3A_22 = arith.subf %add3A_19, %sub3A : vector<1264x40xf32>
    %exp3A = math.exp %sub3A_22 : vector<1264x40xf32>
    %reduce_sum3A = arith.constant dense<0.000000e+00> : vector<1264xf32>
    %reduce_sum3A_23 = vector.multi_reduction <add>, %exp3A, %reduce_sum3A [1] : vector<1264x40xf32> to vector<1264xf32>
    %broadcast_in_dim3A_24 = vector.shape_cast %reduce_sum3A_23 : vector<1264xf32> to vector<1264x1xf32>
    %log3A = math.log %broadcast_in_dim3A_24 : vector<1264x1xf32>
    %add3A_25 = arith.addf %log3A, %broadcast_in_dim3A_21 : vector<1264x1xf32>
    %sub3A_26 = vector.broadcast %add3A_25 : vector<1264x1xf32> to vector<1264x40xf32>
    %sub3A_27 = arith.subf %add3A_19, %sub3A_26 : vector<1264x40xf32>
    %swap3A = arith.constant 0 : index
    %swap3A_28 = arith.constant 0 : index
    %swap3A_29 = vector.load %arg3[%swap3A, %swap3A_28] : memref<1264x40xf32, #tpu.memory_space<vmem>>, vector<1264x40xf32>
    tpu.vector_store %arg3[%swap3A, %swap3A_28], %sub3A_27 {strides = array<i32>} : memref<1264x40xf32, #tpu.memory_space<vmem>>, vector<1264x40xf32>,
    return
  }
  func.func @transform_0(%arg0: i32) -> (i32, i32, i32) {
    %c0_i32 = arith.constant 0 : i32
    %c0_i32_0 = arith.constant 0 : i32
    %c0_i32_1 = arith.constant 0 : i32
    return %c0_i32, %arg0, %c0_i32_0 : i32, i32, i32
  }
  func.func @transform_1(%arg0: i32) -> (i32, i32) {
    %c0_i32 = arith.constant 0 : i32
    %c0_i32_0 = arith.constant 0 : i32
    %c0_i32_1 = arith.constant 0 : i32
    return %c0_i32, %c0_i32_0 : i32, i32
  }
  func.func @transform_2(%arg0: i32) -> (i32, i32) {
    %c0_i32 = arith.constant 0 : i32
    %c0_i32_0 = arith.constant 0 : i32
    return %arg0, %c0_i32 : i32, i32
  }
}

</mosaic_0001>

<sc_bundles>
// kernel: kernel.10.cloned.1.call-start
scs
__scs_entry_jumppad:
0x0: {  	(pc) =	sbr.rel $0x88, $3  }
0x1: {  	(tag) =	ssettag $0x0;
	lr =	simm.s32 $0x1  }
0x2: {  	[smem:$0x3F97] =	sst lr;
	_ =	strace $0xD0000000  }
0x3: {  	_ = 	snop  }
0x4: {  	_ = 	snop  }
0x5: {  	_ = 	snop  }
0x6: {  	_ = 	snop  }
0x7: {  	_ = 	snop  }
__scs_overlays_trampoline_lowered:
0x8: {  	[smem:$0x3FA6] =	sst s0  }
0x9: {  	[smem:$0x3FA7] =	sst s1  }
0xa: {  	[smem:$0x3FA8] =	sst s2  }
0xb: {  	[smem:$0x3FA9] =	sst s3  }
0xc: {  	[smem:$0x3FAA] =	sst s4  }
0xd: {  	[smem:$0x3FAB] =	sst s5  }
0xe: {  	[smem:$0x3FAC] =	sst s6  }
0xf: {  	[smem:$0x3FAD] =	sst s7  }
0x10: {  	[smem:$0x3FAE] =	sst s8  }
0x11: {  	[smem:$0x3FAF] =	sst s9;
	s0 =	simm.s32 @!p0 $0x0  }
0x12: {  	s1 =	sld [smem:$0x3F95];
	s0 =	simm.s32 @p0 $0x1  }
0x13: {  	[smem:$0x3FB0] =	sst s0;
	s0 =	simm.s32 @!p1 $0x0  }
0x14: {  	s2 =	sld [smem:$0x3F94];
	s0 =	simm.s32 @p1 $0x1  }
0x15: {  	[smem:$0x3FB1] =	sst s0;
	s0 =	simm.s32 @!p2 $0x0  }
0x16: {  	s3 =	sld [smem:$0x3FDB];
	s0 =	simm.s32 @p2 $0x1  }
0x17: {  	s4 =	simm.s32 $0x1BF5;
	[smem:$0x3FB3] =	sst s0  }
0x18: {  	s0 =	sld [smem:$0x3F96];
	_ =	swait.ge [sflag:s4], $0x0  }
0x19: {  	s7 =	sld [smem:$0x3F97]  }
0x1a: {  	s8 =	sadd.s32 $0xFFFFE003, lr  }
0x1b: {  	s9 =	sadd.s32 $0xFFFFFEF7, lr;
	s5 =	simm.s32 $0xFFFFFFFF;
	p2 =	slt.u32 s8, $0xFFFFF086  }
0x1c: {  	p1 =	slt.u32 s9, $0xF7A;
	s5 =	simm.s32 @!p2 $0x0  }
0x1d: {  	s5 =	simm.s32 @p1 $0x1;
	p0 =	seq.s32 s7, s2  }
0x1e: {  	s7 =	smul.u32 @!p0 $0xF7A, s2;
	p2 =	seq.s32 @!p0 s5, $0x0  }
0x1f: {  	s9 =	smul.u32 $0xF7A, s1;
	s8 =	simm.s32 @!p0 $0x1BF5;
	p2 =	por !p2, p0  }
0x20: {  	[sflag:s8] =	ssyncset.s32 @!p0 $0xFFFFF086;
	s6 =	sadd.s32 @!p0 s3, s7;
	s7 =	simm.s32 @!p0 $0x108  }
0x21: {  	s3 =	sadd.s32 s3, s9;
	s6 =	sadd.s32 @!p0 $0x88, s6;
	s7 =	simm.s32 @p2 $0x1082  }
0x22: {  	[simem:s7], [sflag:s8] =	dma.local @!p0 [hbm:s6], $0xF7A  }
0x23: {  	s9 =	sor.u32 $0xD0000000, s2;
	s6 =	simm.s32 $0x108;
	_ =	swait.ge @!p0 [sflag:s8], $0x0  }
0x24: {  	s3 =	sadd.s32 $0x88, s3;
	s6 =	simm.s32 @!p1 $0x1082;
	[sflag:s4] =	ssyncset.s32 $0xFFFFF086  }
0x25: {  	[simem:s6], [sflag:s4] =	dma.local [hbm:s3], $0xF7A  }
0x26: {  	[smem:$0x3F97] =	sst s1;
	(tag) =	ssettag s2;
	_ =	strace s9  }
0x27: {  	s1 =	sld [smem:$0x3FA7]  }
0x28: {  	s2 =	sld [smem:$0x3FA8]  }
0x29: {  	s4 =	sld [smem:$0x3FAA]  }
0x2a: {  	p0 =	seq.s32 s5, $0x0;
	s5 =	sld [smem:$0x3FAB]  }
0x2b: {  	s6 =	sld [smem:$0x3FAC]  }
0x2c: {  	s7 =	sld [smem:$0x3FAD]  }
0x2d: {  	s3 =	simm.s32 $0x108;
	s8 =	sld [smem:$0x3FAE]  }
0x2e: {  	s3 =	simm.s32 @!p0 $0x1082;
	s9 =	sld [smem:$0x3FAF]  }
0x2f: {  	lr =	sadd.s32 s0, s3;
	s0 =	sld [smem:$0x3FA6]  }
0x30: {  	s3 =	sld [smem:$0x3FA9]  }
0x31: {  	[smem:$0x3FB2] =	sst s10  }
0x32: {  	s10 =	sld [smem:$0x3FB0];
	_ =	sdelay $0x3  }
0x33: {  	p0 =	seq.s32 s10, $0x1;
	s10 =	sld [smem:$0x3FB2];
	_ =	sdelay $0x3  }
0x34: {  	[smem:$0x3FB2] =	sst s10  }
0x35: {  	s10 =	sld [smem:$0x3FB1];
	_ =	sdelay $0x3  }
0x36: {  	p1 =	seq.s32 s10, $0x1;
	s10 =	sld [smem:$0x3FB2];
	_ =	sdelay $0x3  }
0x37: {  	[smem:$0x3FB2] =	sst s10  }
0x38: {  	s10 =	sld [smem:$0x3FB3]  }
0x39: {  	_ = 	snop;
	(pc) =	sbr.ind lr, $3  }
0x3a: {  	_ = 	snop  }
0x3b: {  	_ = 	snop  }
0x3c: {  	p2 =	seq.s32 s10, $0x1;
	s10 =	sld [smem:$0x3FB2]  }
0x3d: {  	_ =	shalt  }
0x3e: {  	_ =	shalt  }
0x3f: {  	_ =	shalt  }
0x40: {  	_ =	shalt  }
0x41: {  	_ =	shalt  }
0x42: {  	_ =	shalt  }
0x43: {  	_ =	shalt  }
0x44: {  	_ =	shalt  }
0x45: {  	_ =	shalt  }
0x46: {  	_ =	shalt  }
0x47: {  	_ =	shalt  }
0x48: {  	_ =	shalt  }
0x49: {  	_ =	shalt  }
0x4a: {  	_ =	shalt  }
0x4b: {  	_ =	shalt  }
0x4c: {  	_ =	shalt  }
0x4d: {  	_ =	shalt  }
0x4e: {  	_ =	shalt  }
0x4f: {  	_ =	shalt  }
0x50: {  	_ =	shalt  }
0x51: {  	_ =	shalt  }
0x52: {  	_ =	shalt  }
0x53: {  	_ =	shalt  }
0x54: {  	_ =	shalt  }
0x55: {  	_ =	shalt  }
0x56: {  	_ =	shalt  }
0x57: {  	_ =	shalt  }
0x58: {  	_ =	shalt  }
0x59: {  	_ =	shalt  }
0x5a: {  	_ =	shalt  }
0x5b: {  	_ =	shalt  }
0x5c: {  	_ =	shalt  }
0x5d: {  	_ =	shalt  }
0x5e: {  	_ =	shalt  }
0x5f: {  	_ =	shalt  }
0x60: {  	_ =	shalt  }
0x61: {  	_ =	shalt  }
0x62: {  	_ =	shalt  }
0x63: {  	_ =	shalt  }
0x64: {  	_ =	shalt  }
0x65: {  	_ =	shalt  }
0x66: {  	_ =	shalt  }
0x67: {  	_ =	shalt  }
0x68: {  	_ =	shalt  }
0x69: {  	_ =	shalt  }
0x6a: {  	_ =	shalt  }
0x6b: {  	_ =	shalt  }
0x6c: {  	_ =	shalt  }
0x6d: {  	_ =	shalt  }
0x6e: {  	_ =	shalt  }
0x6f: {  	_ =	shalt  }
0x70: {  	_ =	shalt  }
0x71: {  	_ =	shalt  }
0x72: {  	_ =	shalt  }
0x73: {  	_ =	shalt  }
0x74: {  	_ =	shalt  }
0x75: {  	_ =	shalt  }
0x76: {  	_ =	shalt  }
0x77: {  	_ =	shalt  }
0x78: {  	_ =	shalt  }
0x79: {  	_ =	shalt  }
0x7a: {  	_ =	shalt  }
0x7b: {  	_ =	shalt  }
0x7c: {  	_ =	shalt  }
0x7d: {  	_ =	shalt  }
0x7e: {  	_ =	shalt  }
0x7f: {  	_ =	shalt  }
0x80: {  	_ =	shalt  }
0x81: {  	_ =	shalt  }
0x82: {  	_ =	shalt  }
0x83: {  	_ =	shalt  }
0x84: {  	_ =	shalt  }
0x85: {  	_ =	shalt  }
0x86: {  	_ =	shalt  }
0x87: {  	_ =	shalt  }
.Lfunc_end0:
.L_simem_size_0:
called_computation.1_lowered:
.L_overlay_start_0:
0x88: {  	s2 =	sld [smem:$0x3FD9]  }
0x89: {  	s3 =	sld [smem:$0x3FFE];
	_ =	sdelay $0x1  }
0x8a: {  	s1 =	srdreg.scid  }
0x8b: {  	s0 =	sand.u32 $0x1, s1  }
0x8c: {  	s17 =	sshll.u32 s0, $0xA;
	s2 =	sadd.s32 s3, s2  }
0x8d: {  	s2 =	sadd.s32 s2, s17  }
0x8e: {  	[smem:$0x3FBE] =	sst s2  }
0x8f: {  	_ = 	snop  }
0x90: {  	s2 =	sld [smem:$0x3FD0];
	(tm) =	ssettm $0x1  }
0x91: {  	s18 =	sld [smem:$0x3FFB];
	_ =	sdelay $0x3  }
0x92: {  	_ =	strace s18  }
0x93: {  	s3 =	sld [smem:$0x3FFC];
	_ =	sdelay $0x3  }
0x94: {  	_ =	strace s3  }
0x95: {  	s3 =	sld [smem:$0x3FFD];
	_ =	sdelay $0x3  }
0x96: {  	_ =	strace s3  }
0x97: {  	_ =	strace $0x8FFFFFFF  }
0x98: {  	s19 =	sld [smem:$0x3FDB];
	_ =	sdelay $0x1  }
0x99: {  	s4 =	simm.s32 $_scs_section_size  }
0x9a: {  	s5 =	simm.s32 $_size__tile_overlayer_lowered;
	s6 =	simm.s32 $_tile_overlayer_lowered  }
0x9b: {  	s22 =	simm.s32 $0x1BFF;
	s21 =	sshll.u32 s6, $0x1;
	s3 =	sadd.s32 s4, s19  }
0x9c: {  	s7 =	simm.s32 $0x0;
	s20 =	sshll.u32 s5, $0x1;
	s5 =	sadd.s32 s21, s3  }
0x9d: {  	[timem:s7], [sflag:s22] =	dma.local [hbm:s5], s20  }
0x9e: {  	_ =	swait.ge [sflag:s22], s20  }
0x9f: {  	s4 =	ssub.s32 $0x0, s20;
	[sflag:s22] =	ssyncset.done $0x0  }
0xa0: {  	[sflag:s22] =	ssyncadd.s32 s4;
	_ =	sdelay $0x1  }
0xa1: {  	s23 =	simm.s32 $0x1B8B  }
0xa2: {  	_ =	swait.ge [sflag:s23], $0x1  }
0xa3: {  	[sflag:s23] =	ssyncset.done $0x0  }
0xa4: {  	s25 =	simm.s32 $0x1B8E;
	s24 =	sld [smem:$0x3FFE];
	[sflag:s23] =	ssyncadd.s32 $0xFFFFFFFF  }
0xa5: {  	s26 =	simm.s32 $execute0_lowered;
	[smem:$0x3FD2] =	sst s25  }
0xa6: {  	s5 =	sshll.u32 s26, $0x1;
	_ =	strace $0x80000049;
	[dreg:$0x1] =	wrdreg $0xFFFFFFFF  }
0xa7: {  	s28 =	simm.s32 $_size_execute0_lowered;
	s3 =	sadd.s32 s3, s5;
	[dreg:$0x0] =	wrdreg $0x0  }
0xa8: {  	s5 =	sshll.u32 s28, $0x1;
	[dreg:$0x2] =	wrdreg s3  }
0xa9: {  	[dreg:$0x3] =	wrdreg s5  }
0xaa: {  	[dreg:$0x4] =	wrdreg $0xC0  }
0xab: {  	_ =	task [dreg:s7], $0x5FFFF  }
0xac: {  	[dreg:$0x1] =	wrdreg $0xFFFFFFFF  }
0xad: {  	[dreg:$0x0] =	wrdreg $0x60  }
0xae: {  	[dreg:$0x2] =	wrdreg s24  }
0xaf: {  	[dreg:$0x3] =	wrdreg s2  }
0xb0: {  	[dreg:$0x4] =	wrdreg $0xB0800  }
0xb1: {  	[dreg:$0x5] =	wrdreg $0x9  }
0xb2: {  	_ =	task.clear_ibuf [dreg:s7], $0x6FFFF;
	_ =	strace $0x90000049  }
0xb3: {  	s29 =	simm.s32 $0x9;
	_ =	strace $0x8000004B  }
0xb4: {  	_ =	swait.ge [sflag:s29], $0x1  }
0xb5: {  	[sflag:s29] =	ssyncadd.s32 $0xFFFFFFFF  }
0xb6: {  	_ =	strace $0x9000004B  }
0xb7: {  	_ =	sfence  }
0xb8: {  	s30 =	sld [smem:$0x0];
	_ =	sdelay $0x2  }
0xb9: {  	s31 =	sshll.u32 s1, $0xD;
	s1 =	sshrl.u32 s1, $0x2  }
0xba: {  	s3 =	sand.u32 $0x4000, s31;
	s1 =	sadd.s32 s1, s30  }
0xbb: {  	s0 =	sor.u32 s3, s0;
	s1 =	sshll.u32 s1, $0x11  }
0xbc: {  	s0 =	sor.u32 s1, s0  }
0xbd: {  	s0 =	sadd.s32 $0x8F2B, s0  }
0xbe: {  	[sflag:s0] =	ssyncadd.remote.s32 $0x1  }
0xbf: {  	_ =	sfence.sel $0xFFFF  }
0xc0: {  	[dreg:$0x0] =	wrdreg $0xFFFFFFFF;
	(pc) =	sbr.abs _section_cstart, $3  }
0xc1: {  	[dreg:$0x1] =	wrdreg $0xFFFFFFFF  }
0xc2: {  	_ =	task.clear_ibuf [dreg:s7], $0x2FFFF;
	_ =	strace $0x9FFFFFFF  }
0xc3: {  	(tm) =	ssettm $0x7FFFFFFF  }
tec
execute0_lowered:
.L_overlay_start_1:
0x0: {  	(tag) =	ssettag $0x1  }
0x1: {  	s1 =	rddreg [dreg:$0x0]  }
0x2: {  	s2 =	rddreg [dreg:$0x1];
	s4 =	srdreg.scid  }
0x3: {  	s0 =	stileid.u32;
	s3 =	rddreg [dreg:$0x2];
	s12 =	simm.s32 $0x68  }
0x4: {  	s15 =	simm.s32 $0x3A00;
	s16 =	simm.s32 $0x3;
	s17 =	simm.s32 $0x80  }
0x5: {  	s18 =	simm.s32 $0x200;
	s19 =	simm.s32 $0x3200;
	s20 =	simm.s32 $0x1  }
0x6: {  	s21 =	simm.s32 $0x2;
	s22 =	simm.s32 $0x1A00;
	s23 =	simm.s32 $0x3600  }
0x7: {  	s24 =	simm.s32 $0x180;
	s7 =	sand.u32 $0x1, s4;
	s8 =	smul.u32 $0x7680, s0  }
0x8: {  	s25 =	simm.s32 $0x0;
	s4 =	simm.s32 $0x0;
	s5 =	smul.u32 $0x76800, s7  }
0x9: {  	s10 =	smul.u32 $0x38, s0;
	[smem:$0x7FF] =	sst s4;
	s11 =	ssub.s32 $0x2, s7  }
0xa: {  	p0 =	seq.s32 s7, $0x0;
	_ =	strace $0x8000004A;
	s6 =	sadd.s32 s8, s5  }
0xb: {  	s7 =	sadd.s32 $0x680, s10;
	s31 =	sshrl.u32 s11, $0x1;
	s9 =	sshrl.u32 s6, $0x3  }
0xc: {  	s12 =	simm.s32 @!p0 $0x38;
	s13 =	sadd.s32 s9, s1;
	s9 =	smul.u32 $0x68, s0  }
0xd: {  	s5 =	sadd.s32 $0x1800, s1;
	s14 =	ssub.s32 s11, s31;
	s8 =	sadd.s32 s8, s3  }
0xe: {  	s10 =	sshrl.u32 s12, $0x1;
	s11 =	sadd.s32 $0xFFFFFFFF, s12;
	s7 =	smov.u32 @p0 s9  }
0xf: {  	v0 =	vimm.f32 $0.0e+00;
	s12 =	sadd.s32 $0x1A420, s1;
	s6 =	sadd.s32 $0x1A400, s1;
	s9 =	sshll.u32 s7, $0x5  }
0x10: {  	v1 =	vlaneseq.u32;
	v2 =	vimm.s32 $0x8;
	vm0 =	vmmov $0xff;
	s14 =	smax.u32 s14, $0x1;
	s13 =	sadd.s32 $0x2E400, s13;
	s9 =	sadd.s32 s6, s9  }
.LBB2_1:
0x11: {  	s1 =	simm.s32 $0x1;
	[tilespmem:s15+$0x0] =	vst v0;
	s26 =	simm.s32 $0x3A00  }
.LBB2_2:
0x12: {  	p0 =	sne.s32 s1, $0x767  }
.Ltmp0:
0x13: {  	_ = 	snop;
	(pc) =	sbr.rel @p0 .LBB2_2-.Ltmp0, $3  }
0x14: {  	_ =	sdelay $0x1  }
0x15: {  	s1 =	sadd.s32 $0x1, s1;
	s26 =	sadd.s32 $0x10, s26  }
0x16: {  	[tilespmem:s26+$0x0] =	vst v0  }
0x17: {  	[spmem:s8] =	stream.linear.scatter [tilespmem:s15], [sflag:$0x3], $0x7680, $0x38;
	[tilespmem:$0x12700] =	vst v63  }
0x18: {  	_ =	swait.ge [sflag:s16], $0x7680  }
0x19: {  	[sflag:s16] =	ssyncset.done $0x0  }
0x1a: {  	[sflag:s16] =	ssyncadd.s32 $0xFFFF8980  }
0x1b: {  	s26 =	simm.s32 $0x0;
	[bflag:$0x0] =	sbarrier.arrive $0xFFFF  }
0x1c: {  	[tilespmem:s26], [sflag:$0x3] =	stream.linear.gather [hbm4b:s9+s26], $0x100, $0x38;
	[tilespmem:$0x12700] =	vst v63  }
0x1d: {  	_ =	swait.ge [sflag:s16], $0x100  }
0x1e: {  	[sflag:s16] =	ssyncset.done $0x0  }
0x1f: {  	[sflag:s16] =	ssyncadd.s32 $0xFFFFFF00  }
0x20: {  	[tilespmem:s18], [sflag:$0x1] =	stream.indirect.gather [hbm4b:s5+s17], $0x30, s26, s17, $0xb8;
	[tilespmem:$0x12700] =	vst v63  }
0x21: {  	s28 =	simm.s32 $0x0  }
0x22: {  	[tilespmem:s19], [sflag:$0x1] =	stream.indirect.gather [hbm4b:s2+s17], $0x8, s17, s17, $0xb8;
	[tilespmem:$0x12700] =	vst v63  }
.LBB2_4:
0x23: {  	_ =	swait.ge [sflag:s20], $0x1800;
	s29 =	sshll.u32 s28, $0x1  }
0x24: {  	[sflag:s20] =	ssyncset.done $0x0;
	p0 =	sge.u32 s29, s11  }
0x25: {  	[sflag:s20] =	ssyncadd.s32 $0xFFFFE800;
	s1 =	sadd.s32 @!p0 s7, s29  }
0x26: {  	_ =	swait.ge [sflag:s20], $0x400;
	s1 =	sshll.u32 @!p0 s1, $0x5  }
0x27: {  	s30 =	simm.s32 @!p0 $0x0;
	[sflag:s20] =	ssyncset.done $0x0;
	s1 =	sand.u32 @!p0 $0x1FFFFFC0, s1  }
0x28: {  	s31 =	simm.s32 @!p0 $0x100;
	[sflag:s20] =	ssyncadd.s32 $0xFFFFFC00;
	s1 =	sadd.s32 @!p0 s1, s12  }
0x29: {  	[tilespmem:s31], [sflag:$0x3] =	stream.linear.gather @!p0 [hbm4b:s1+s30], $0x100, $0x38;
	[tilespmem:$0x12700] =	vst v63  }
0x2a: {  	v4 =	vor.u32 s26, v1;
	s1 =	simm.s32 @!p0 $0x3  }
0x2b: {  	v3 =	vmul.u32 $0x30, v4;
	_ =	swait.ge @!p0 [sflag:s1], $0x100  }
0x2c: {  	v4 =	vshll.u32 v4, $0x3;
	[sflag:s1] =	ssyncset.done @!p0 $0x0  }
0x2d: {  	v5 =	vadd.s32 $0x29, v3;
	s30 =	simm.s32 @!p0 $0x1A00;
	[sflag:s1] =	ssyncadd.s32 @!p0 $0xFFFFFF00;
	s1 =	simm.s32 @!p0 $0x80  }
0x2e: {  	[tilespmem:s30], [sflag:$0x2] =	stream.indirect.gather @!p0 [hbm4b:s5+s1], $0x30, s31, s1, $0xb8;
	[tilespmem:$0x12700] =	vst v63  }
0x2f: {  	s30 =	simm.s32 @!p0 $0x180;
	s31 =	simm.s32 @!p0 $0x3600  }
0x30: {  	[tilespmem:s31], [sflag:$0x2] =	stream.indirect.gather @!p0 [hbm4b:s2+s1], $0x8, s30, s1, $0xb8;
	[tilespmem:$0x12700] =	vst v63  }
0x31: {  	v4 =	vld.idx.msk [tilespmem:v4+s19+$0x0], $0xffff  }
0x32: {  	v5 =	vld.idx.msk [tilespmem:v5+s18+$0x0], $0xffff;
	_ =	sdelay $0x4  }
0x33: {  	v4 =	vadd.f32 v4, v5;
	_ =	sdelay $0x1  }
0x34: {  	v5 =	vmul.f32 $2.000000030e-01, v4  }
0x35: {  	vm1 =	vge.f32 v4, $0.0e+00  }
0x36: {  	v4 =	vsel vm1, v4, v5  }
0x37: {  	v4 =	vmul.f32 $1.442695020e+00, v4;
	_ =	sdelay $0x1  }
0x38: {  	(erf) = vpow2.f32 v4;
	_ =	sdelay $0x2  }
0x39: {  	s31 =	simm.s32 $0x10  }
0x3a: {  	s30 =	simm.s32 $0x20;
	v4 =	vor.u32 s31, v1  }
.LBB2_5:
0x3b: {  	p0 =	sne.s32 s30, $0x70;
	v5 =	vadd.s32 $0x28, v3;
	v3 =	vmul.u32 $0x30, v4  }
0x3c: {  	v4 =	vshll.u32 v4, $0x3  }
0x3d: {  	v6 =	vadd.s32 $0x29, v3;
	_ =	sdelay $0x1  }
0x3e: {  	v7 =	vpop (erf)  }
0x3f: {  	[tilespmem:v5+s18+$0x0] =	vst.idx.msk $0xffff, v7  }
0x40: {  	v4 =	vld.idx.msk [tilespmem:v4+s19+$0x0], $0xffff  }
0x41: {  	v5 =	vld.idx.msk [tilespmem:v6+s18+$0x0], $0xffff;
	_ =	sdelay $0x5  }
0x42: {  	v4 =	vadd.f32 v4, v5;
	_ =	sdelay $0x1  }
0x43: {  	v5 =	vmul.f32 $2.000000030e-01, v4  }
0x44: {  	vm1 =	vge.f32 v4, $0.0e+00  }
0x45: {  	v4 =	vsel vm1, v4, v5  }
0x46: {  	v4 =	vmul.f32 $1.442695020e+00, v4;
	_ =	sdelay $0x1  }
.Ltmp1:
0x47: {  	(erf) = vpow2.f32 v4;
	(pc) =	sbr.rel @p0 .LBB2_5-.Ltmp1, $2  }
0x48: {  	_ =	sdelay $0x2  }
0x49: {  	v4 =	vor.u32 s30, v1;
	s30 =	sadd.s32 $0x10, s30  }
0x4a: {  	v5 =	vmul.u32 $0x30, v4;
	v3 =	vadd.s32 $0x28, v3  }
0x4b: {  	v4 =	vshll.u32 v4, $0x3  }
0x4c: {  	v6 =	vadd.s32 $0x29, v5;
	_ =	sdelay $0x1  }
0x4d: {  	v7 =	vpop (erf)  }
0x4e: {  	[tilespmem:v3+s18+$0x0] =	vst.idx.msk $0xffff, v7  }
0x4f: {  	v3 =	vld.idx.msk [tilespmem:v4+s19+$0x0], $0xffff  }
0x50: {  	v4 =	vld.idx.msk [tilespmem:v6+s18+$0x0], $0xffff;
	_ =	sdelay $0x4  }
0x51: {  	v3 =	vadd.f32 v3, v4;
	_ =	sdelay $0x1  }
0x52: {  	v4 =	vmul.f32 $2.000000030e-01, v3  }
0x53: {  	vm1 =	vge.f32 v3, $0.0e+00  }
0x54: {  	v3 =	vsel vm1, v3, v4  }
0x55: {  	v3 =	vmul.f32 $1.442695020e+00, v3;
	_ =	sdelay $0x1  }
0x56: {  	(erf) = vpow2.f32 v3;
	_ =	sdelay $0x4  }
0x57: {  	v3 =	vadd.s32 $0x28, v5;
	_ =	sdelay $0x3  }
0x58: {  	v4 =	vpop (erf)  }
0x59: {  	s30 =	simm.s32 $0x0;
	[tilespmem:v3+s18+$0x0] =	vst.idx.msk $0xffff, v4  }
0x5a: {  	v3 =	vld [tilespmem:s30+$0x220];
	_ =	sdelay $0x1  }
0x5b: {  	v4 =	vld [tilespmem:s30+$0x210];
	_ =	sdelay $0x1  }
0x5c: {  	v5 =	vld [tilespmem:s30+$0x200]  }
0x5d: {  	v62 =	vperm.xlane v3, v2;
	_ =	sdelay $0x1  }
0x5e: {  	v4 =	vmul.f32 v4, v62;
	v63 =	vnsel vm0, $0x3F800000, v62  }
0x5f: {  	v7 =	vmul.f32 v63, v3  }
0x60: {  	v3 =	vmul.f32 v5, v62;
	[tilespmem:s30+$0x210] =	vst v4  }
0x61: {  	s1 =	simm.s32 $0x30;
	s31 =	simm.s32 $0x180;
	[tilespmem:s30+$0x220] =	vst v7  }
.LBB2_7:
0x62: {  	p0 =	sne.s32 s31, $0x5F40;
	v4 =	vld [tilespmem:s1+$0x220];
	[tilespmem:s30+$0x200] =	vst v3;
	s30 =	smov.u32 s1  }
0x63: {  	v3 =	vld [tilespmem:s30+$0x200]  }
0x64: {  	v5 =	vld [tilespmem:s30+$0x210];
	_ =	sdelay $0x2  }
0x65: {  	v6 =	vperm.xlane v4, v2  }
.Ltmp2:
0x66: {  	(pc) =	sbr.rel @p0 .LBB2_7-.Ltmp2, $4  }
0x67: {  	v3 =	vmul.f32 v3, v6;
	v5 =	vmul.f32 v5, v6;
	v6 =	vnsel vm0, $0x3F800000, v6  }
0x68: {  	v4 =	vmul.f32 v6, v4  }
0x69: {  	[tilespmem:s30+$0x210] =	vst v5  }
0x6a: {  	s1 =	sshra.s32 s31, $0x2;
	s31 =	sadd.s32 $0xC0, s31;
	[tilespmem:s30+$0x220] =	vst v4  }
0x6b: {  	v4 =	vld [tilespmem:s1+$0x220]  }
0x6c: {  	[tilespmem:s30+$0x200] =	vst v3  }
0x6d: {  	v3 =	vld [tilespmem:s1+$0x210]  }
0x6e: {  	v5 =	vld [tilespmem:s1+$0x200];
	_ =	sdelay $0x1  }
0x6f: {  	v6 =	vperm.xlane v4, v2;
	_ =	sdelay $0x1  }
0x70: {  	v3 =	vmul.f32 v3, v6  }
0x71: {  	v7 =	vnsel vm0, $0x3F800000, v6;
	v5 =	vmul.f32 v5, v6  }
0x72: {  	v4 =	vmul.f32 v7, v4;
	[tilespmem:s1+$0x210] =	vst v3  }
0x73: {  	[tilespmem:s1+$0x200] =	vst v5  }
0x74: {  	[tilespmem:s1+$0x220] =	vst v4  }
0x75: {  	[spmem:s3] =	stream.indirect.scatter.add.f32 [tilespmem:s18], [sflag:$0x3], $0x30, s17, s17, $0xb8;
	[tilespmem:$0x12700] =	vst v63  }
0x76: {  	_ =	swait.ge [sflag:s16], $0x1800  }
0x77: {  	[sflag:s16] =	ssyncset.done $0x0  }
0x78: {  	s1 =	sor.u32 $0x1, s29;
	[sflag:s16] =	ssyncadd.s32 $0xFFFFE800  }
0x79: {  	p0 =	sge.u32 s1, s11;
	_ =	swait.ge [sflag:s21], $0x1800  }
0x7a: {  	s1 =	sadd.s32 @!p0 s7, s1;
	[sflag:s21] =	ssyncset.done $0x0  }
0x7b: {  	s1 =	sshll.u32 @!p0 s1, $0x5;
	[sflag:s21] =	ssyncadd.s32 $0xFFFFE800  }
0x7c: {  	s31 =	simm.s32 $0x0;
	s1 =	sand.u32 @!p0 $0x1FFFFFE0, s1;
	_ =	swait.ge [sflag:s21], $0x400  }
0x7d: {  	s29 =	simm.s32 @!p0 $0x0;
	s1 =	sadd.s32 @!p0 s6, s1;
	[sflag:s21] =	ssyncset.done $0x0  }
0x7e: {  	s30 =	simm.s32 @!p0 $0x3;
	s1 =	sadd.s32 @!p0 $0x20, s1;
	[sflag:s21] =	ssyncadd.s32 $0xFFFFFC00  }
0x7f: {  	v4 =	vor.u32 s31, v1;
	[tilespmem:s29], [sflag:$0x3] =	stream.linear.gather @!p0 [hbm4b:s1+s29], $0x100, $0x38;
	[tilespmem:$0x12700] =	vst v63  }
0x80: {  	v3 =	vmul.u32 $0x30, v4;
	_ =	swait.ge @!p0 [sflag:s30], $0x100  }
0x81: {  	v4 =	vshll.u32 v4, $0x3;
	[sflag:s30] =	ssyncset.done @!p0 $0x0  }
0x82: {  	v5 =	vadd.s32 $0x29, v3;
	s1 =	simm.s32 @!p0 $0x80;
	[sflag:s30] =	ssyncadd.s32 @!p0 $0xFFFFFF00;
	s30 =	simm.s32 @!p0 $0x200  }
0x83: {  	[tilespmem:s30], [sflag:$0x1] =	stream.indirect.gather @!p0 [hbm4b:s5+s1], $0x30, s29, s1, $0xb8;
	[tilespmem:$0x12700] =	vst v63  }
0x84: {  	s29 =	simm.s32 @!p0 $0x3200  }
0x85: {  	[tilespmem:s29], [sflag:$0x1] =	stream.indirect.gather @!p0 [hbm4b:s2+s1], $0x8, s1, s1, $0xb8;
	[tilespmem:$0x12700] =	vst v63  }
0x86: {  	v4 =	vld.idx.msk [tilespmem:v4+s23+$0x0], $0xffff  }
0x87: {  	v5 =	vld.idx.msk [tilespmem:v5+s22+$0x0], $0xffff;
	_ =	sdelay $0x4  }
0x88: {  	v4 =	vadd.f32 v4, v5;
	_ =	sdelay $0x1  }
0x89: {  	v5 =	vmul.f32 $2.000000030e-01, v4  }
0x8a: {  	vm1 =	vge.f32 v4, $0.0e+00  }
0x8b: {  	v4 =	vsel vm1, v4, v5  }
0x8c: {  	v4 =	vmul.f32 $1.442695020e+00, v4;
	_ =	sdelay $0x1  }
0x8d: {  	(erf) = vpow2.f32 v4;
	_ =	sdelay $0x2  }
0x8e: {  	s31 =	simm.s32 $0x10  }
0x8f: {  	s29 =	simm.s32 $0x20;
	v4 =	vor.u32 s31, v1  }
.LBB2_9:
0x90: {  	p0 =	sne.s32 s29, $0x70;
	v5 =	vadd.s32 $0x28, v3;
	v3 =	vmul.u32 $0x30, v4  }
0x91: {  	v4 =	vshll.u32 v4, $0x3  }
0x92: {  	v6 =	vadd.s32 $0x29, v3;
	_ =	sdelay $0x1  }
0x93: {  	v7 =	vpop (erf)  }
0x94: {  	[tilespmem:v5+s22+$0x0] =	vst.idx.msk $0xffff, v7  }
0x95: {  	v4 =	vld.idx.msk [tilespmem:v4+s23+$0x0], $0xffff  }
0x96: {  	v5 =	vld.idx.msk [tilespmem:v6+s22+$0x0], $0xffff;
	_ =	sdelay $0x5  }
0x97: {  	v4 =	vadd.f32 v4, v5;
	_ =	sdelay $0x1  }
0x98: {  	v5 =	vmul.f32 $2.000000030e-01, v4  }
0x99: {  	vm1 =	vge.f32 v4, $0.0e+00  }
0x9a: {  	v4 =	vsel vm1, v4, v5  }
0x9b: {  	v4 =	vmul.f32 $1.442695020e+00, v4;
	_ =	sdelay $0x1  }
.Ltmp3:
0x9c: {  	(erf) = vpow2.f32 v4;
	(pc) =	sbr.rel @p0 .LBB2_9-.Ltmp3, $2  }
0x9d: {  	_ =	sdelay $0x2  }
0x9e: {  	v4 =	vor.u32 s29, v1;
	s29 =	sadd.s32 $0x10, s29  }
0x9f: {  	v5 =	vmul.u32 $0x30, v4;
	v3 =	vadd.s32 $0x28, v3  }
0xa0: {  	v4 =	vshll.u32 v4, $0x3  }
0xa1: {  	v6 =	vadd.s32 $0x29, v5;
	_ =	sdelay $0x1  }
0xa2: {  	v7 =	vpop (erf)  }
0xa3: {  	[tilespmem:v3+s22+$0x0] =	vst.idx.msk $0xffff, v7  }
0xa4: {  	v3 =	vld.idx.msk [tilespmem:v4+s23+$0x0], $0xffff  }
0xa5: {  	v4 =	vld.idx.msk [tilespmem:v6+s22+$0x0], $0xffff;
	_ =	sdelay $0x4  }
0xa6: {  	v3 =	vadd.f32 v3, v4;
	_ =	sdelay $0x1  }
0xa7: {  	v4 =	vmul.f32 $2.000000030e-01, v3  }
0xa8: {  	vm1 =	vge.f32 v3, $0.0e+00  }
0xa9: {  	v3 =	vsel vm1, v3, v4  }
0xaa: {  	v3 =	vmul.f32 $1.442695020e+00, v3;
	_ =	sdelay $0x1  }
0xab: {  	(erf) = vpow2.f32 v3;
	_ =	sdelay $0x4  }
0xac: {  	v3 =	vadd.s32 $0x28, v5;
	_ =	sdelay $0x3  }
0xad: {  	v4 =	vpop (erf)  }
0xae: {  	s29 =	simm.s32 $0x0;
	[tilespmem:v3+s22+$0x0] =	vst.idx.msk $0xffff, v4  }
0xaf: {  	v3 =	vld [tilespmem:s29+$0x1A20];
	_ =	sdelay $0x1  }
0xb0: {  	v4 =	vld [tilespmem:s29+$0x1A10];
	_ =	sdelay $0x1  }
0xb1: {  	v5 =	vld [tilespmem:s29+$0x1A00]  }
0xb2: {  	v62 =	vperm.xlane v3, v2;
	_ =	sdelay $0x1  }
0xb3: {  	v4 =	vmul.f32 v4, v62;
	v63 =	vnsel vm0, $0x3F800000, v62  }
0xb4: {  	v7 =	vmul.f32 v63, v3  }
0xb5: {  	v3 =	vmul.f32 v5, v62;
	[tilespmem:s29+$0x1A10] =	vst v4  }
0xb6: {  	s1 =	simm.s32 $0x30;
	s30 =	simm.s32 $0x180;
	[tilespmem:s29+$0x1A20] =	vst v7  }
.LBB2_11:
0xb7: {  	p0 =	sne.s32 s30, $0x5F40;
	v4 =	vld [tilespmem:s1+$0x1A20];
	[tilespmem:s29+$0x1A00] =	vst v3;
	s29 =	smov.u32 s1  }
0xb8: {  	v3 =	vld [tilespmem:s29+$0x1A00]  }
0xb9: {  	v5 =	vld [tilespmem:s29+$0x1A10];
	_ =	sdelay $0x2  }
0xba: {  	v6 =	vperm.xlane v4, v2  }
.Ltmp4:
0xbb: {  	(pc) =	sbr.rel @p0 .LBB2_11-.Ltmp4, $4  }
0xbc: {  	v3 =	vmul.f32 v3, v6;
	v5 =	vmul.f32 v5, v6;
	v6 =	vnsel vm0, $0x3F800000, v6  }
0xbd: {  	v4 =	vmul.f32 v6, v4  }
0xbe: {  	[tilespmem:s29+$0x1A10] =	vst v5  }
0xbf: {  	s1 =	sshra.s32 s30, $0x2;
	s30 =	sadd.s32 $0xC0, s30;
	[tilespmem:s29+$0x1A20] =	vst v4  }
0xc0: {  	v4 =	vld [tilespmem:s1+$0x1A20]  }
0xc1: {  	[tilespmem:s29+$0x1A00] =	vst v3  }
0xc2: {  	v3 =	vld [tilespmem:s1+$0x1A10]  }
0xc3: {  	v5 =	vld [tilespmem:s1+$0x1A00];
	_ =	sdelay $0x1  }
0xc4: {  	v6 =	vperm.xlane v4, v2;
	_ =	sdelay $0x1  }
0xc5: {  	v3 =	vmul.f32 v3, v6  }
0xc6: {  	v7 =	vnsel vm0, $0x3F800000, v6;
	v5 =	vmul.f32 v5, v6  }
0xc7: {  	s28 =	sadd.s32 $0x1, s28;
	v4 =	vmul.f32 v7, v4;
	[tilespmem:s1+$0x1A10] =	vst v3  }
0xc8: {  	p0 =	sne.s32 s28, s10;
	[tilespmem:s1+$0x1A00] =	vst v5  }
.Ltmp5:
0xc9: {  	[tilespmem:s1+$0x1A20] =	vst v4;
	(pc) =	sbr.rel @p0 .LBB2_4-.Ltmp5, $4  }
0xca: {  	[spmem:s3] =	stream.indirect.scatter.add.f32 [tilespmem:s22], [sflag:$0x3], $0x30, s24, s17, $0xb8;
	[tilespmem:$0x12700] =	vst v63  }
0xcb: {  	_ =	swait.ge [sflag:s16], $0x1800  }
0xcc: {  	[sflag:s16] =	ssyncset.done $0x0  }
0xcd: {  	[sflag:s16] =	ssyncadd.s32 $0xFFFFE800  }
0xce: {  	[bflag:$0x0] =	sbarrier.arrive $0xFFFF  }
0xcf: {  	[tilespmem:s15], [sflag:$0x3] =	stream.linear.gather [spmem:s8], $0x7680, $0x38;
	[tilespmem:$0x12700] =	vst v63  }
0xd0: {  	s25 =	sadd.s32 $0x1, s25;
	_ =	swait.ge [sflag:s16], $0x7680  }
0xd1: {  	p0 =	sne.s32 s25, s14;
	[sflag:s16] =	ssyncset.done $0x0  }
.Ltmp6:
0xd2: {  	[sflag:s16] =	ssyncadd.s32 $0xFFFF8980;
	(pc) =	sbr.rel @p0 .LBB2_1-.Ltmp6, $4  }
0xd3: {  	[hbm4b:s13+s4] =	stream.linear.scatter [tilespmem:s15], [sflag:$0x3], $0x7680, $0x38;
	[tilespmem:$0x12700] =	vst v63  }
0xd4: {  	_ =	swait.ge [sflag:s16], $0x7680  }
0xd5: {  	[sflag:s16] =	ssyncset.done $0x0  }
0xd6: {  	[sflag:s16] =	ssyncadd.s32 $0xFFFF8980  }
0xd7: {  	_ =	sfence.sel $0x180000  }
0xd8: {  	[bflag:$0x0] =	sbarrier.arrive $0xFFFF  }
0xd9: {  	_ =	strace $0x9000004A  }
0xda: {  	[bflag:$0x2] =	sbarrier.arrive $0xFFFF  }
0xdb: {  	p0 =	sne.s32 s0, $0x0;
	s0 =	rddreg [dreg:$0x3]  }
0xdc: {  	s0 =	sadd.s32 @!p0 $0x100000, s0  }
0xdd: {  	[sflag:s0] =	ssyncadd.tile.s32 @!p0 $0x1;
	_ =	shalt  }
.Lfunc_end2:
_tile_overlayer_lowered:
.L_overlay_start_2:
0xde: {  	(tag) =	ssettag $0x2  }
0xdf: {  	s0 =	rddreg [dreg:$0x0];
	s2 =	stileid.u32  }
0xe0: {  	s1 =	rddreg [dreg:$0x1];
	p0 =	sne.s32 s2, $0x0  }
0xe1: {  	s3 =	rddreg [dreg:$0x2];
	[bflag:$0x3] =	sbarrier.arrive $0xFFFF;
	s2 =	simm.s32 @!p0 $0x1C03  }
0xe2: {  	[timem:s3], [sflag:s2] =	dma.local @!p0 [hbm:s0], s1  }
0xe3: {  	s0 =	simm.s32 @!p0 $0x3  }
0xe4: {  	_ =	swait.ge @!p0 [sflag:s0], s1  }
0xe5: {  	s1 =	ssub.s32 @!p0 $0x0, s1;
	[sflag:s0] =	ssyncset.done @!p0 $0x0  }
0xe6: {  	[sflag:s0] =	ssyncadd.s32 @!p0 s1  }
0xe7: {  	[bflag:$0x3] =	sbarrier.arrive $0xFFFF  }
0xe8: {  	_ =	shalt  }

// kernel: kernel.7.cloned.1.call-start
scs
__scs_entry_jumppad:
0x0: {  	(pc) =	sbr.rel $0x88, $3  }
0x1: {  	(tag) =	ssettag $0x0;
	lr =	simm.s32 $0x1  }
0x2: {  	[smem:$0x3F97] =	sst lr;
	_ =	strace $0xD0000000  }
0x3: {  	_ = 	snop  }
0x4: {  	_ = 	snop  }
0x5: {  	_ = 	snop  }
0x6: {  	_ = 	snop  }
0x7: {  	_ = 	snop  }
__scs_overlays_trampoline_lowered:
0x8: {  	[smem:$0x3FA6] =	sst s0  }
0x9: {  	[smem:$0x3FA7] =	sst s1  }
0xa: {  	[smem:$0x3FA8] =	sst s2  }
0xb: {  	[smem:$0x3FA9] =	sst s3  }
0xc: {  	[smem:$0x3FAA] =	sst s4  }
0xd: {  	[smem:$0x3FAB] =	sst s5  }
0xe: {  	[smem:$0x3FAC] =	sst s6  }
0xf: {  	[smem:$0x3FAD] =	sst s7  }
0x10: {  	[smem:$0x3FAE] =	sst s8  }
0x11: {  	[smem:$0x3FAF] =	sst s9;
	s0 =	simm.s32 @!p0 $0x0  }
0x12: {  	s1 =	sld [smem:$0x3F95];
	s0 =	simm.s32 @p0 $0x1  }
0x13: {  	[smem:$0x3FB0] =	sst s0;
	s0 =	simm.s32 @!p1 $0x0  }
0x14: {  	s2 =	sld [smem:$0x3F94];
	s0 =	simm.s32 @p1 $0x1  }
0x15: {  	[smem:$0x3FB1] =	sst s0;
	s0 =	simm.s32 @!p2 $0x0  }
0x16: {  	s3 =	sld [smem:$0x3FDB];
	s0 =	simm.s32 @p2 $0x1  }
0x17: {  	s4 =	simm.s32 $0x1BF5;
	[smem:$0x3FB3] =	sst s0  }
0x18: {  	s0 =	sld [smem:$0x3F96];
	_ =	swait.ge [sflag:s4], $0x0  }
0x19: {  	s7 =	sld [smem:$0x3F97]  }
0x1a: {  	s8 =	sadd.s32 $0xFFFFE003, lr  }
0x1b: {  	s9 =	sadd.s32 $0xFFFFFEF7, lr;
	s5 =	simm.s32 $0xFFFFFFFF;
	p2 =	slt.u32 s8, $0xFFFFF086  }
0x1c: {  	p1 =	slt.u32 s9, $0xF7A;
	s5 =	simm.s32 @!p2 $0x0  }
0x1d: {  	s5 =	simm.s32 @p1 $0x1;
	p0 =	seq.s32 s7, s2  }
0x1e: {  	s7 =	smul.u32 @!p0 $0xF7A, s2;
	p2 =	seq.s32 @!p0 s5, $0x0  }
0x1f: {  	s9 =	smul.u32 $0xF7A, s1;
	s8 =	simm.s32 @!p0 $0x1BF5;
	p2 =	por !p2, p0  }
0x20: {  	[sflag:s8] =	ssyncset.s32 @!p0 $0xFFFFF086;
	s6 =	sadd.s32 @!p0 s3, s7;
	s7 =	simm.s32 @!p0 $0x108  }
0x21: {  	s3 =	sadd.s32 s3, s9;
	s6 =	sadd.s32 @!p0 $0x88, s6;
	s7 =	simm.s32 @p2 $0x1082  }
0x22: {  	[simem:s7], [sflag:s8] =	dma.local @!p0 [hbm:s6], $0xF7A  }
0x23: {  	s9 =	sor.u32 $0xD0000000, s2;
	s6 =	simm.s32 $0x108;
	_ =	swait.ge @!p0 [sflag:s8], $0x0  }
0x24: {  	s3 =	sadd.s32 $0x88, s3;
	s6 =	simm.s32 @!p1 $0x1082;
	[sflag:s4] =	ssyncset.s32 $0xFFFFF086  }
0x25: {  	[simem:s6], [sflag:s4] =	dma.local [hbm:s3], $0xF7A  }
0x26: {  	[smem:$0x3F97] =	sst s1;
	(tag) =	ssettag s2;
	_ =	strace s9  }
0x27: {  	s1 =	sld [smem:$0x3FA7]  }
0x28: {  	s2 =	sld [smem:$0x3FA8]  }
0x29: {  	s4 =	sld [smem:$0x3FAA]  }
0x2a: {  	p0 =	seq.s32 s5, $0x0;
	s5 =	sld [smem:$0x3FAB]  }
0x2b: {  	s6 =	sld [smem:$0x3FAC]  }
0x2c: {  	s7 =	sld [smem:$0x3FAD]  }
0x2d: {  	s3 =	simm.s32 $0x108;
	s8 =	sld [smem:$0x3FAE]  }
0x2e: {  	s3 =	simm.s32 @!p0 $0x1082;
	s9 =	sld [smem:$0x3FAF]  }
0x2f: {  	lr =	sadd.s32 s0, s3;
	s0 =	sld [smem:$0x3FA6]  }
0x30: {  	s3 =	sld [smem:$0x3FA9]  }
0x31: {  	[smem:$0x3FB2] =	sst s10  }
0x32: {  	s10 =	sld [smem:$0x3FB0];
	_ =	sdelay $0x3  }
0x33: {  	p0 =	seq.s32 s10, $0x1;
	s10 =	sld [smem:$0x3FB2];
	_ =	sdelay $0x3  }
0x34: {  	[smem:$0x3FB2] =	sst s10  }
0x35: {  	s10 =	sld [smem:$0x3FB1];
	_ =	sdelay $0x3  }
0x36: {  	p1 =	seq.s32 s10, $0x1;
	s10 =	sld [smem:$0x3FB2];
	_ =	sdelay $0x3  }
0x37: {  	[smem:$0x3FB2] =	sst s10  }
0x38: {  	s10 =	sld [smem:$0x3FB3]  }
0x39: {  	_ = 	snop;
	(pc) =	sbr.ind lr, $3  }
0x3a: {  	_ = 	snop  }
0x3b: {  	_ = 	snop  }
0x3c: {  	p2 =	seq.s32 s10, $0x1;
	s10 =	sld [smem:$0x3FB2]  }
0x3d: {  	_ =	shalt  }
0x3e: {  	_ =	shalt  }
0x3f: {  	_ =	shalt  }
0x40: {  	_ =	shalt  }
0x41: {  	_ =	shalt  }
0x42: {  	_ =	shalt  }
0x43: {  	_ =	shalt  }
0x44: {  	_ =	shalt  }
0x45: {  	_ =	shalt  }
0x46: {  	_ =	shalt  }
0x47: {  	_ =	shalt  }
0x48: {  	_ =	shalt  }
0x49: {  	_ =	shalt  }
0x4a: {  	_ =	shalt  }
0x4b: {  	_ =	shalt  }
0x4c: {  	_ =	shalt  }
0x4d: {  	_ =	shalt  }
0x4e: {  	_ =	shalt  }
0x4f: {  	_ =	shalt  }
0x50: {  	_ =	shalt  }
0x51: {  	_ =	shalt  }
0x52: {  	_ =	shalt  }
0x53: {  	_ =	shalt  }
0x54: {  	_ =	shalt  }
0x55: {  	_ =	shalt  }
0x56: {  	_ =	shalt  }
0x57: {  	_ =	shalt  }
0x58: {  	_ =	shalt  }
0x59: {  	_ =	shalt  }
0x5a: {  	_ =	shalt  }
0x5b: {  	_ =	shalt  }
0x5c: {  	_ =	shalt  }
0x5d: {  	_ =	shalt  }
0x5e: {  	_ =	shalt  }
0x5f: {  	_ =	shalt  }
0x60: {  	_ =	shalt  }
0x61: {  	_ =	shalt  }
0x62: {  	_ =	shalt  }
0x63: {  	_ =	shalt  }
0x64: {  	_ =	shalt  }
0x65: {  	_ =	shalt  }
0x66: {  	_ =	shalt  }
0x67: {  	_ =	shalt  }
0x68: {  	_ =	shalt  }
0x69: {  	_ =	shalt  }
0x6a: {  	_ =	shalt  }
0x6b: {  	_ =	shalt  }
0x6c: {  	_ =	shalt  }
0x6d: {  	_ =	shalt  }
0x6e: {  	_ =	shalt  }
0x6f: {  	_ =	shalt  }
0x70: {  	_ =	shalt  }
0x71: {  	_ =	shalt  }
0x72: {  	_ =	shalt  }
0x73: {  	_ =	shalt  }
0x74: {  	_ =	shalt  }
0x75: {  	_ =	shalt  }
0x76: {  	_ =	shalt  }
0x77: {  	_ =	shalt  }
0x78: {  	_ =	shalt  }
0x79: {  	_ =	shalt  }
0x7a: {  	_ =	shalt  }
0x7b: {  	_ =	shalt  }
0x7c: {  	_ =	shalt  }
0x7d: {  	_ =	shalt  }
0x7e: {  	_ =	shalt  }
0x7f: {  	_ =	shalt  }
0x80: {  	_ =	shalt  }
0x81: {  	_ =	shalt  }
0x82: {  	_ =	shalt  }
0x83: {  	_ =	shalt  }
0x84: {  	_ =	shalt  }
0x85: {  	_ =	shalt  }
0x86: {  	_ =	shalt  }
0x87: {  	_ =	shalt  }
.Lfunc_end0:
.L_simem_size_0:
called_computation_lowered:
.L_overlay_start_0:
0x88: {  	s2 =	sld [smem:$0x3FD9]  }
0x89: {  	s3 =	sld [smem:$0x3FFE];
	_ =	sdelay $0x1  }
0x8a: {  	s1 =	srdreg.scid  }
0x8b: {  	s0 =	sand.u32 $0x1, s1  }
0x8c: {  	s17 =	sshll.u32 s0, $0xA;
	s2 =	sadd.s32 s3, s2  }
0x8d: {  	s2 =	sadd.s32 s2, s17  }
0x8e: {  	[smem:$0x3FBE] =	sst s2  }
0x8f: {  	_ = 	snop  }
0x90: {  	s2 =	sld [smem:$0x3FD0];
	(tm) =	ssettm $0x1  }
0x91: {  	s18 =	sld [smem:$0x3FFB];
	_ =	sdelay $0x3  }
0x92: {  	_ =	strace s18  }
0x93: {  	s3 =	sld [smem:$0x3FFC];
	_ =	sdelay $0x3  }
0x94: {  	_ =	strace s3  }
0x95: {  	s3 =	sld [smem:$0x3FFD];
	_ =	sdelay $0x3  }
0x96: {  	_ =	strace s3  }
0x97: {  	_ =	strace $0x8FFFFFFF  }
0x98: {  	s19 =	sld [smem:$0x3FDB];
	_ =	sdelay $0x1  }
0x99: {  	s4 =	simm.s32 $_scs_section_size  }
0x9a: {  	s5 =	simm.s32 $_size__tile_overlayer_lowered;
	s6 =	simm.s32 $_tile_overlayer_lowered  }
0x9b: {  	s22 =	simm.s32 $0x1BFF;
	s21 =	sshll.u32 s6, $0x1;
	s3 =	sadd.s32 s4, s19  }
0x9c: {  	s7 =	simm.s32 $0x0;
	s20 =	sshll.u32 s5, $0x1;
	s5 =	sadd.s32 s21, s3  }
0x9d: {  	[timem:s7], [sflag:s22] =	dma.local [hbm:s5], s20  }
0x9e: {  	_ =	swait.ge [sflag:s22], s20  }
0x9f: {  	s4 =	ssub.s32 $0x0, s20;
	[sflag:s22] =	ssyncset.done $0x0  }
0xa0: {  	[sflag:s22] =	ssyncadd.s32 s4;
	_ =	sdelay $0x1  }
0xa1: {  	s23 =	simm.s32 $0x1B8B  }
0xa2: {  	_ =	swait.ge [sflag:s23], $0x1  }
0xa3: {  	[sflag:s23] =	ssyncset.done $0x0  }
0xa4: {  	s25 =	simm.s32 $0x1B8E;
	s24 =	sld [smem:$0x3FFE];
	[sflag:s23] =	ssyncadd.s32 $0xFFFFFFFF  }
0xa5: {  	s26 =	simm.s32 $execute0_lowered;
	[smem:$0x3FD2] =	sst s25  }
0xa6: {  	s5 =	sshll.u32 s26, $0x1;
	_ =	strace $0x80000046;
	[dreg:$0x1] =	wrdreg $0xFFFFFFFF  }
0xa7: {  	s28 =	simm.s32 $_size_execute0_lowered;
	s3 =	sadd.s32 s3, s5;
	[dreg:$0x0] =	wrdreg $0x0  }
0xa8: {  	s5 =	sshll.u32 s28, $0x1;
	[dreg:$0x2] =	wrdreg s3  }
0xa9: {  	[dreg:$0x3] =	wrdreg s5  }
0xaa: {  	[dreg:$0x4] =	wrdreg $0xC0  }
0xab: {  	_ =	task [dreg:s7], $0x5FFFF  }
0xac: {  	[dreg:$0x1] =	wrdreg $0xFFFFFFFF  }
0xad: {  	[dreg:$0x0] =	wrdreg $0x60  }
0xae: {  	[dreg:$0x2] =	wrdreg s24  }
0xaf: {  	[dreg:$0x3] =	wrdreg s2  }
0xb0: {  	[dreg:$0x4] =	wrdreg $0x11F800  }
0xb1: {  	[dreg:$0x5] =	wrdreg $0x9  }
0xb2: {  	_ =	task.clear_ibuf [dreg:s7], $0x6FFFF;
	_ =	strace $0x90000046  }
0xb3: {  	s29 =	simm.s32 $0x9;
	_ =	strace $0x80000048  }
0xb4: {  	_ =	swait.ge [sflag:s29], $0x1  }
0xb5: {  	[sflag:s29] =	ssyncadd.s32 $0xFFFFFFFF  }
0xb6: {  	_ =	strace $0x90000048  }
0xb7: {  	_ =	sfence  }
0xb8: {  	s30 =	sld [smem:$0x0];
	_ =	sdelay $0x2  }
0xb9: {  	s31 =	sshll.u32 s1, $0xD;
	s1 =	sshrl.u32 s1, $0x2  }
0xba: {  	s3 =	sand.u32 $0x4000, s31;
	s1 =	sadd.s32 s1, s30  }
0xbb: {  	s0 =	sor.u32 s3, s0;
	s1 =	sshll.u32 s1, $0x11  }
0xbc: {  	s0 =	sor.u32 s1, s0  }
0xbd: {  	s0 =	sadd.s32 $0x8F2B, s0  }
0xbe: {  	[sflag:s0] =	ssyncadd.remote.s32 $0x1  }
0xbf: {  	_ =	sfence.sel $0xFFFF  }
0xc0: {  	[dreg:$0x0] =	wrdreg $0xFFFFFFFF;
	(pc) =	sbr.abs _section_cstart, $3  }
0xc1: {  	[dreg:$0x1] =	wrdreg $0xFFFFFFFF  }
0xc2: {  	_ =	task.clear_ibuf [dreg:s7], $0x2FFFF;
	_ =	strace $0x9FFFFFFF  }
0xc3: {  	(tm) =	ssettm $0x7FFFFFFF  }
tec
execute0_lowered:
.L_overlay_start_1:
0x0: {  	(tag) =	ssettag $0x1  }
0x1: {  	s1 =	rddreg [dreg:$0x0]  }
0x2: {  	s2 =	rddreg [dreg:$0x1];
	s4 =	srdreg.scid  }
0x3: {  	s0 =	stileid.u32;
	s3 =	rddreg [dreg:$0x2];
	s12 =	simm.s32 $0x78  }
0x4: {  	s15 =	simm.s32 $0x5A00;
	s16 =	simm.s32 $0x3;
	s17 =	simm.s32 $0x80  }
0x5: {  	s18 =	simm.s32 $0x200;
	s19 =	simm.s32 $0x5200;
	s20 =	simm.s32 $0x1  }
0x6: {  	s21 =	simm.s32 $0x2;
	s22 =	simm.s32 $0x2A00;
	s23 =	simm.s32 $0x5600  }
0x7: {  	s24 =	simm.s32 $0x180;
	s7 =	sand.u32 $0x1, s4;
	s8 =	smul.u32 $0xC580, s0  }
0x8: {  	s25 =	simm.s32 $0x0;
	s4 =	simm.s32 $0x0;
	s5 =	smul.u32 $0xC5800, s7  }
0x9: {  	s10 =	smul.u32 $0x28, s0;
	[smem:$0x7FF] =	sst s4;
	s11 =	ssub.s32 $0x2, s7  }
0xa: {  	p0 =	seq.s32 s7, $0x0;
	_ =	strace $0x80000047;
	s6 =	sadd.s32 s8, s5  }
0xb: {  	s7 =	sadd.s32 $0x780, s10;
	s31 =	sshrl.u32 s11, $0x1;
	s9 =	sshrl.u32 s6, $0x3  }
0xc: {  	s12 =	simm.s32 @!p0 $0x28;
	s13 =	sadd.s32 s9, s1;
	s9 =	smul.u32 $0x78, s0  }
0xd: {  	v2 =	vlaneseq.u32;
	s5 =	sadd.s32 $0x1800, s1;
	s14 =	ssub.s32 s11, s31;
	s8 =	sadd.s32 s8, s3  }
0xe: {  	v0 =	vand.u32 $0x7, v2;
	s10 =	sshrl.u32 s12, $0x1;
	s11 =	sadd.s32 $0xFFFFFFFF, s12;
	s7 =	smov.u32 @p0 s9  }
0xf: {  	v1 =	vimm.f32 $0.0e+00;
	v2 =	vshrl.u32 v2, $0x3;
	v3 =	vor.u32 $0x40, v0;
	s12 =	sadd.s32 $0x1A420, s1;
	s6 =	sadd.s32 $0x1A400, s1;
	s9 =	sshll.u32 s7, $0x5  }
0x10: {  	v4 =	vor.u32 $0x2, v2;
	v5 =	vor.u32 $0x4, v2;
	v6 =	vor.u32 $0x6, v2;
	s14 =	smax.u32 s14, $0x1;
	s13 =	sadd.s32 $0x2E400, s13;
	s9 =	sadd.s32 s6, s9  }
.LBB2_1:
0x11: {  	s1 =	simm.s32 $0x1;
	[tilespmem:s15+$0x0] =	vst v1;
	s26 =	simm.s32 $0x5A00  }
.LBB2_2:
0x12: {  	p0 =	sne.s32 s1, $0xC57  }
.Ltmp0:
0x13: {  	_ = 	snop;
	(pc) =	sbr.rel @p0 .LBB2_2-.Ltmp0, $3  }
0x14: {  	_ =	sdelay $0x1  }
0x15: {  	s1 =	sadd.s32 $0x1, s1;
	s26 =	sadd.s32 $0x10, s26  }
0x16: {  	[tilespmem:s26+$0x0] =	vst v1  }
0x17: {  	[spmem:s8] =	stream.linear.scatter [tilespmem:s15], [sflag:$0x3], $0xC580, $0x38;
	[tilespmem:$0x1E500] =	vst v63  }
0x18: {  	_ =	swait.ge [sflag:s16], $0xC580  }
0x19: {  	[sflag:s16] =	ssyncset.done $0x0  }
0x1a: {  	[sflag:s16] =	ssyncadd.s32 $0xFFFF3A80  }
0x1b: {  	s26 =	simm.s32 $0x0;
	[bflag:$0x0] =	sbarrier.arrive $0xFFFF  }
0x1c: {  	[tilespmem:s26], [sflag:$0x3] =	stream.linear.gather [hbm4b:s9+s26], $0x100, $0x38;
	[tilespmem:$0x1E500] =	vst v63  }
0x1d: {  	_ =	swait.ge [sflag:s16], $0x100  }
0x1e: {  	[sflag:s16] =	ssyncset.done $0x0  }
0x1f: {  	[sflag:s16] =	ssyncadd.s32 $0xFFFFFF00  }
0x20: {  	[tilespmem:s18], [sflag:$0x1] =	stream.indirect.gather [hbm4b:s5+s17], $0x50, s26, s17, $0xb8;
	[tilespmem:$0x1E500] =	vst v63  }
0x21: {  	s28 =	simm.s32 $0x0  }
0x22: {  	[tilespmem:s19], [sflag:$0x1] =	stream.indirect.gather [hbm4b:s2+s17], $0x8, s17, s17, $0xb8;
	[tilespmem:$0x1E500] =	vst v63  }
.LBB2_4:
0x23: {  	_ =	swait.ge [sflag:s20], $0x2800;
	s29 =	sshll.u32 s28, $0x1  }
0x24: {  	[sflag:s20] =	ssyncset.done $0x0;
	p0 =	sge.u32 s29, s11  }
0x25: {  	[sflag:s20] =	ssyncadd.s32 $0xFFFFD800;
	s1 =	sadd.s32 @!p0 s7, s29  }
0x26: {  	_ =	swait.ge [sflag:s20], $0x400;
	s1 =	sshll.u32 @!p0 s1, $0x5  }
0x27: {  	s30 =	simm.s32 @!p0 $0x0;
	[sflag:s20] =	ssyncset.done $0x0;
	s1 =	sand.u32 @!p0 $0x1FFFFFC0, s1  }
0x28: {  	s31 =	simm.s32 @!p0 $0x100;
	[sflag:s20] =	ssyncadd.s32 $0xFFFFFC00;
	s1 =	sadd.s32 @!p0 s1, s12  }
0x29: {  	[tilespmem:s31], [sflag:$0x3] =	stream.linear.gather @!p0 [hbm4b:s1+s30], $0x100, $0x38;
	[tilespmem:$0x1E500] =	vst v63  }
0x2a: {  	v7 =	vor.u32 s26, v2;
	s1 =	simm.s32 @!p0 $0x3  }
0x2b: {  	v8 =	vmul.u32 $0x50, v7;
	v7 =	vshll.u32 v7, $0x3;
	_ =	swait.ge @!p0 [sflag:s1], $0x100  }
0x2c: {  	v9 =	vor.u32 v0, v7;
	[sflag:s1] =	ssyncset.done @!p0 $0x0  }
0x2d: {  	v7 =	vadd.s32 v3, v8;
	s30 =	simm.s32 @!p0 $0x2A00;
	[sflag:s1] =	ssyncadd.s32 @!p0 $0xFFFFFF00;
	s1 =	simm.s32 @!p0 $0x80  }
0x2e: {  	[tilespmem:s30], [sflag:$0x2] =	stream.indirect.gather @!p0 [hbm4b:s5+s1], $0x50, s31, s1, $0xb8;
	[tilespmem:$0x1E500] =	vst v63  }
0x2f: {  	s30 =	simm.s32 @!p0 $0x180;
	s31 =	simm.s32 @!p0 $0x5600  }
0x30: {  	[tilespmem:s31], [sflag:$0x2] =	stream.indirect.gather @!p0 [hbm4b:s2+s1], $0x8, s30, s1, $0xb8;
	[tilespmem:$0x1E500] =	vst v63  }
0x31: {  	v8 =	vld.idx.msk [tilespmem:v9+s19+$0x0], $0xffff  }
0x32: {  	v9 =	vld.idx.msk [tilespmem:v7+s18+$0x0], $0xffff;
	_ =	sdelay $0x4  }
0x33: {  	v8 =	vadd.f32 v8, v9;
	_ =	sdelay $0x1  }
0x34: {  	v9 =	vmul.f32 $2.000000030e-01, v8  }
0x35: {  	vm0 =	vge.f32 v8, $0.0e+00  }
0x36: {  	v8 =	vsel vm0, v8, v9  }
0x37: {  	v8 =	vmul.f32 $1.442695020e+00, v8;
	_ =	sdelay $0x1  }
0x38: {  	(erf) = vpow2.f32 v8;
	_ =	sdelay $0x2  }
0x39: {  	s31 =	simm.s32 $0x2  }
0x3a: {  	s30 =	simm.s32 $0x4;
	v8 =	vor.u32 s31, v2  }
.LBB2_5:
0x3b: {  	p0 =	sne.s32 s30, $0x7E;
	v9 =	vmul.u32 $0x50, v8;
	v8 =	vshll.u32 v8, $0x3  }
0x3c: {  	v8 =	vor.u32 v0, v8  }
0x3d: {  	v9 =	vadd.s32 v3, v9;
	_ =	sdelay $0x1  }
0x3e: {  	v10 =	vpop (erf)  }
0x3f: {  	[tilespmem:v7+s18+$0x0] =	vst.idx.msk $0xffff, v10;
	v7 =	vmov v9  }
0x40: {  	v8 =	vld.idx.msk [tilespmem:v8+s19+$0x0], $0xffff  }
0x41: {  	v9 =	vld.idx.msk [tilespmem:v9+s18+$0x0], $0xffff;
	_ =	sdelay $0x5  }
0x42: {  	v8 =	vadd.f32 v8, v9;
	_ =	sdelay $0x1  }
0x43: {  	v9 =	vmul.f32 $2.000000030e-01, v8  }
0x44: {  	vm0 =	vge.f32 v8, $0.0e+00  }
0x45: {  	v8 =	vsel vm0, v8, v9  }
0x46: {  	v8 =	vmul.f32 $1.442695020e+00, v8;
	_ =	sdelay $0x1  }
.Ltmp1:
0x47: {  	(erf) = vpow2.f32 v8;
	(pc) =	sbr.rel @p0 .LBB2_5-.Ltmp1, $2  }
0x48: {  	_ =	sdelay $0x2  }
0x49: {  	v8 =	vor.u32 s30, v2;
	s30 =	sadd.s32 $0x2, s30  }
0x4a: {  	v9 =	vmul.u32 $0x50, v8;
	v8 =	vshll.u32 v8, $0x3  }
0x4b: {  	v8 =	vor.u32 v0, v8  }
0x4c: {  	v9 =	vadd.s32 v3, v9;
	_ =	sdelay $0x1  }
0x4d: {  	v10 =	vpop (erf)  }
0x4e: {  	[tilespmem:v7+s18+$0x0] =	vst.idx.msk $0xffff, v10  }
0x4f: {  	v7 =	vld.idx.msk [tilespmem:v8+s19+$0x0], $0xffff  }
0x50: {  	v8 =	vld.idx.msk [tilespmem:v9+s18+$0x0], $0xffff;
	_ =	sdelay $0x4  }
0x51: {  	v7 =	vadd.f32 v7, v8;
	_ =	sdelay $0x1  }
0x52: {  	v8 =	vmul.f32 $2.000000030e-01, v7  }
0x53: {  	vm0 =	vge.f32 v7, $0.0e+00  }
0x54: {  	v7 =	vsel vm0, v7, v8  }
0x55: {  	v7 =	vmul.f32 $1.442695020e+00, v7;
	_ =	sdelay $0x1  }
0x56: {  	(erf) = vpow2.f32 v7;
	_ =	sdelay $0x8  }
0x57: {  	v7 =	vpop (erf)  }
0x58: {  	s30 =	simm.s32 $0x0;
	[tilespmem:v9+s18+$0x0] =	vst.idx.msk $0xffff, v7  }
0x59: {  	v8 =	vld [tilespmem:s30+$0x240];
	_ =	sdelay $0x1  }
0x5a: {  	v7 =	vld [tilespmem:s30+$0x200]  }
0x5b: {  	v9 =	vld [tilespmem:s30+$0x210]  }
0x5c: {  	v10 =	vld [tilespmem:s30+$0x220]  }
0x5d: {  	v12 =	vld [tilespmem:s30+$0x230];
	v11 =	vperm.xlane v8, v2  }
0x5e: {  	v13 =	vperm.xlane v8, v4  }
0x5f: {  	s31 =	simm.s32 $0x50;
	v14 =	vperm.xlane v8, v5;
	v11 =	vmul.f32 v7, v11  }
0x60: {  	v15 =	vperm.xlane v8, v6;
	v7 =	vld [tilespmem:s31+$0x240];
	v13 =	vmul.f32 v9, v13  }
0x61: {  	v9 =	vmul.f32 v10, v14;
	[tilespmem:s30+$0x200] =	vst v11  }
0x62: {  	s1 =	simm.s32 $0x280;
	v10 =	vmul.f32 v12, v15;
	v8 =	vld [tilespmem:s31+$0x200];
	[tilespmem:s30+$0x210] =	vst v13  }
.LBB2_7:
0x63: {  	p0 =	sne.s32 s1, $0x9EC0;
	v11 =	vld [tilespmem:s31+$0x210];
	[tilespmem:s30+$0x220] =	vst v9  }
0x64: {  	v9 =	vld [tilespmem:s31+$0x220];
	[tilespmem:s30+$0x230] =	vst v10;
	s30 =	smov.u32 s31  }
0x65: {  	v10 =	vperm.xlane v7, v2;
	v12 =	vld [tilespmem:s30+$0x230]  }
.Ltmp2:
0x66: {  	v13 =	vperm.xlane v7, v4;
	(pc) =	sbr.rel @p0 .LBB2_7-.Ltmp2, $4  }
0x67: {  	s31 =	sshra.s32 s1, $0x2;
	v8 =	vmul.f32 v8, v10;
	v10 =	vperm.xlane v7, v5  }
0x68: {  	v11 =	vmul.f32 v11, v13;
	v13 =	vperm.xlane v7, v6;
	v7 =	vld [tilespmem:s31+$0x240]  }
0x69: {  	[tilespmem:s30+$0x200] =	vst v8;
	v9 =	vmul.f32 v9, v10  }
0x6a: {  	s1 =	sadd.s32 $0x140, s1;
	v8 =	vld [tilespmem:s31+$0x200];
	[tilespmem:s30+$0x210] =	vst v11;
	v10 =	vmul.f32 v12, v13  }
0x6b: {  	v11 =	vld [tilespmem:s31+$0x210];
	[tilespmem:s30+$0x220] =	vst v9  }
0x6c: {  	v9 =	vld [tilespmem:s31+$0x220];
	[tilespmem:s30+$0x230] =	vst v10  }
0x6d: {  	v10 =	vperm.xlane v7, v2;
	v12 =	vld [tilespmem:s31+$0x230]  }
0x6e: {  	v13 =	vperm.xlane v7, v4  }
0x6f: {  	v8 =	vmul.f32 v8, v10;
	v10 =	vperm.xlane v7, v5  }
0x70: {  	v7 =	vperm.xlane v7, v6;
	v11 =	vmul.f32 v11, v13  }
0x71: {  	[tilespmem:s31+$0x200] =	vst v8;
	v8 =	vmul.f32 v9, v10  }
0x72: {  	[tilespmem:s31+$0x210] =	vst v11;
	v7 =	vmul.f32 v12, v7  }
0x73: {  	[tilespmem:s31+$0x220] =	vst v8  }
0x74: {  	[tilespmem:s31+$0x230] =	vst v7  }
0x75: {  	[spmem:s3] =	stream.indirect.scatter.add.f32 [tilespmem:s18], [sflag:$0x3], $0x50, s17, s17, $0xb8;
	[tilespmem:$0x1E500] =	vst v63  }
0x76: {  	_ =	swait.ge [sflag:s16], $0x2800  }
0x77: {  	[sflag:s16] =	ssyncset.done $0x0  }
0x78: {  	s1 =	sor.u32 $0x1, s29;
	[sflag:s16] =	ssyncadd.s32 $0xFFFFD800  }
0x79: {  	p0 =	sge.u32 s1, s11;
	_ =	swait.ge [sflag:s21], $0x2800  }
0x7a: {  	s1 =	sadd.s32 @!p0 s7, s1;
	[sflag:s21] =	ssyncset.done $0x0  }
0x7b: {  	s1 =	sshll.u32 @!p0 s1, $0x5;
	[sflag:s21] =	ssyncadd.s32 $0xFFFFD800  }
0x7c: {  	s29 =	simm.s32 @!p0 $0x0;
	s1 =	sand.u32 @!p0 $0x1FFFFFE0, s1;
	_ =	swait.ge [sflag:s21], $0x400  }
0x7d: {  	s30 =	simm.s32 @!p0 $0x3;
	s1 =	sadd.s32 @!p0 s6, s1;
	[sflag:s21] =	ssyncset.done $0x0  }
0x7e: {  	s1 =	sadd.s32 @!p0 $0x20, s1;
	s31 =	simm.s32 $0x0;
	[sflag:s21] =	ssyncadd.s32 $0xFFFFFC00  }
0x7f: {  	v7 =	vor.u32 s31, v2;
	[tilespmem:s29], [sflag:$0x3] =	stream.linear.gather @!p0 [hbm4b:s1+s29], $0x100, $0x38;
	[tilespmem:$0x1E500] =	vst v63  }
0x80: {  	v8 =	vmul.u32 $0x50, v7;
	v7 =	vshll.u32 v7, $0x3;
	_ =	swait.ge @!p0 [sflag:s30], $0x100  }
0x81: {  	v9 =	vor.u32 v0, v7;
	[sflag:s30] =	ssyncset.done @!p0 $0x0  }
0x82: {  	v7 =	vadd.s32 v3, v8;
	s1 =	simm.s32 @!p0 $0x80;
	[sflag:s30] =	ssyncadd.s32 @!p0 $0xFFFFFF00;
	s30 =	simm.s32 @!p0 $0x200  }
0x83: {  	[tilespmem:s30], [sflag:$0x1] =	stream.indirect.gather @!p0 [hbm4b:s5+s1], $0x50, s29, s1, $0xb8;
	[tilespmem:$0x1E500] =	vst v63  }
0x84: {  	s29 =	simm.s32 @!p0 $0x5200  }
0x85: {  	[tilespmem:s29], [sflag:$0x1] =	stream.indirect.gather @!p0 [hbm4b:s2+s1], $0x8, s1, s1, $0xb8;
	[tilespmem:$0x1E500] =	vst v63  }
0x86: {  	v8 =	vld.idx.msk [tilespmem:v9+s23+$0x0], $0xffff  }
0x87: {  	v9 =	vld.idx.msk [tilespmem:v7+s22+$0x0], $0xffff;
	_ =	sdelay $0x4  }
0x88: {  	v8 =	vadd.f32 v8, v9;
	_ =	sdelay $0x1  }
0x89: {  	v9 =	vmul.f32 $2.000000030e-01, v8  }
0x8a: {  	vm0 =	vge.f32 v8, $0.0e+00  }
0x8b: {  	v8 =	vsel vm0, v8, v9  }
0x8c: {  	v8 =	vmul.f32 $1.442695020e+00, v8;
	_ =	sdelay $0x1  }
0x8d: {  	(erf) = vpow2.f32 v8;
	_ =	sdelay $0x2  }
0x8e: {  	s31 =	simm.s32 $0x2  }
0x8f: {  	s29 =	simm.s32 $0x4;
	v8 =	vor.u32 s31, v2  }
.LBB2_9:
0x90: {  	p0 =	sne.s32 s29, $0x7E;
	v9 =	vmul.u32 $0x50, v8;
	v8 =	vshll.u32 v8, $0x3  }
0x91: {  	v8 =	vor.u32 v0, v8  }
0x92: {  	v9 =	vadd.s32 v3, v9;
	_ =	sdelay $0x1  }
0x93: {  	v10 =	vpop (erf)  }
0x94: {  	[tilespmem:v7+s22+$0x0] =	vst.idx.msk $0xffff, v10;
	v7 =	vmov v9  }
0x95: {  	v8 =	vld.idx.msk [tilespmem:v8+s23+$0x0], $0xffff  }
0x96: {  	v9 =	vld.idx.msk [tilespmem:v9+s22+$0x0], $0xffff;
	_ =	sdelay $0x5  }
0x97: {  	v8 =	vadd.f32 v8, v9;
	_ =	sdelay $0x1  }
0x98: {  	v9 =	vmul.f32 $2.000000030e-01, v8  }
0x99: {  	vm0 =	vge.f32 v8, $0.0e+00  }
0x9a: {  	v8 =	vsel vm0, v8, v9  }
0x9b: {  	v8 =	vmul.f32 $1.442695020e+00, v8;
	_ =	sdelay $0x1  }
.Ltmp3:
0x9c: {  	(erf) = vpow2.f32 v8;
	(pc) =	sbr.rel @p0 .LBB2_9-.Ltmp3, $2  }
0x9d: {  	_ =	sdelay $0x2  }
0x9e: {  	v8 =	vor.u32 s29, v2;
	s29 =	sadd.s32 $0x2, s29  }
0x9f: {  	v9 =	vmul.u32 $0x50, v8;
	v8 =	vshll.u32 v8, $0x3  }
0xa0: {  	v8 =	vor.u32 v0, v8  }
0xa1: {  	v9 =	vadd.s32 v3, v9;
	_ =	sdelay $0x1  }
0xa2: {  	v10 =	vpop (erf)  }
0xa3: {  	[tilespmem:v7+s22+$0x0] =	vst.idx.msk $0xffff, v10  }
0xa4: {  	v7 =	vld.idx.msk [tilespmem:v8+s23+$0x0], $0xffff  }
0xa5: {  	v8 =	vld.idx.msk [tilespmem:v9+s22+$0x0], $0xffff;
	_ =	sdelay $0x4  }
0xa6: {  	v7 =	vadd.f32 v7, v8;
	_ =	sdelay $0x1  }
0xa7: {  	v8 =	vmul.f32 $2.000000030e-01, v7  }
0xa8: {  	vm0 =	vge.f32 v7, $0.0e+00  }
0xa9: {  	v7 =	vsel vm0, v7, v8  }
0xaa: {  	v7 =	vmul.f32 $1.442695020e+00, v7;
	_ =	sdelay $0x1  }
0xab: {  	(erf) = vpow2.f32 v7;
	_ =	sdelay $0x8  }
0xac: {  	v7 =	vpop (erf)  }
0xad: {  	s29 =	simm.s32 $0x0;
	[tilespmem:v9+s22+$0x0] =	vst.idx.msk $0xffff, v7  }
0xae: {  	v8 =	vld [tilespmem:s29+$0x2A40];
	_ =	sdelay $0x1  }
0xaf: {  	v7 =	vld [tilespmem:s29+$0x2A00]  }
0xb0: {  	v9 =	vld [tilespmem:s29+$0x2A10]  }
0xb1: {  	v10 =	vld [tilespmem:s29+$0x2A20]  }
0xb2: {  	v12 =	vld [tilespmem:s29+$0x2A30];
	v11 =	vperm.xlane v8, v2  }
0xb3: {  	v13 =	vperm.xlane v8, v4  }
0xb4: {  	s30 =	simm.s32 $0x50;
	v14 =	vperm.xlane v8, v5;
	v11 =	vmul.f32 v7, v11  }
0xb5: {  	v15 =	vperm.xlane v8, v6;
	v7 =	vld [tilespmem:s30+$0x2A40];
	v13 =	vmul.f32 v9, v13  }
0xb6: {  	v9 =	vmul.f32 v10, v14;
	[tilespmem:s29+$0x2A00] =	vst v11  }
0xb7: {  	s1 =	simm.s32 $0x280;
	v10 =	vmul.f32 v12, v15;
	v8 =	vld [tilespmem:s30+$0x2A00];
	[tilespmem:s29+$0x2A10] =	vst v13  }
.LBB2_11:
0xb8: {  	p0 =	sne.s32 s1, $0x9EC0;
	v11 =	vld [tilespmem:s30+$0x2A10];
	[tilespmem:s29+$0x2A20] =	vst v9  }
0xb9: {  	v9 =	vld [tilespmem:s30+$0x2A20];
	[tilespmem:s29+$0x2A30] =	vst v10;
	s29 =	smov.u32 s30  }
0xba: {  	v10 =	vperm.xlane v7, v2;
	v12 =	vld [tilespmem:s29+$0x2A30]  }
.Ltmp4:
0xbb: {  	v13 =	vperm.xlane v7, v4;
	(pc) =	sbr.rel @p0 .LBB2_11-.Ltmp4, $4  }
0xbc: {  	s30 =	sshra.s32 s1, $0x2;
	v8 =	vmul.f32 v8, v10;
	v10 =	vperm.xlane v7, v5  }
0xbd: {  	v11 =	vmul.f32 v11, v13;
	v13 =	vperm.xlane v7, v6;
	v7 =	vld [tilespmem:s30+$0x2A40]  }
0xbe: {  	[tilespmem:s29+$0x2A00] =	vst v8;
	v9 =	vmul.f32 v9, v10  }
0xbf: {  	s1 =	sadd.s32 $0x140, s1;
	v8 =	vld [tilespmem:s30+$0x2A00];
	[tilespmem:s29+$0x2A10] =	vst v11;
	v10 =	vmul.f32 v12, v13  }
0xc0: {  	v11 =	vld [tilespmem:s30+$0x2A10];
	[tilespmem:s29+$0x2A20] =	vst v9  }
0xc1: {  	v9 =	vld [tilespmem:s30+$0x2A20];
	[tilespmem:s29+$0x2A30] =	vst v10  }
0xc2: {  	v62 =	vperm.xlane v7, v2;
	v12 =	vld [tilespmem:s30+$0x2A30]  }
0xc3: {  	v13 =	vperm.xlane v7, v4  }
0xc4: {  	v63 =	vperm.xlane v7, v5;
	v8 =	vmul.f32 v8, v62  }
0xc5: {  	v7 =	vperm.xlane v7, v6;
	v11 =	vmul.f32 v11, v13  }
0xc6: {  	[tilespmem:s30+$0x2A00] =	vst v8;
	v8 =	vmul.f32 v9, v63  }
0xc7: {  	s28 =	sadd.s32 $0x1, s28;
	[tilespmem:s30+$0x2A10] =	vst v11;
	v7 =	vmul.f32 v12, v7  }
0xc8: {  	p0 =	sne.s32 s28, s10;
	[tilespmem:s30+$0x2A20] =	vst v8  }
.Ltmp5:
0xc9: {  	[tilespmem:s30+$0x2A30] =	vst v7;
	(pc) =	sbr.rel @p0 .LBB2_4-.Ltmp5, $4  }
0xca: {  	[spmem:s3] =	stream.indirect.scatter.add.f32 [tilespmem:s22], [sflag:$0x3], $0x50, s24, s17, $0xb8;
	[tilespmem:$0x1E500] =	vst v63  }
0xcb: {  	_ =	swait.ge [sflag:s16], $0x2800  }
0xcc: {  	[sflag:s16] =	ssyncset.done $0x0  }
0xcd: {  	[sflag:s16] =	ssyncadd.s32 $0xFFFFD800  }
0xce: {  	[bflag:$0x0] =	sbarrier.arrive $0xFFFF  }
0xcf: {  	[tilespmem:s15], [sflag:$0x3] =	stream.linear.gather [spmem:s8], $0xC580, $0x38;
	[tilespmem:$0x1E500] =	vst v63  }
0xd0: {  	s25 =	sadd.s32 $0x1, s25;
	_ =	swait.ge [sflag:s16], $0xC580  }
0xd1: {  	p0 =	sne.s32 s25, s14;
	[sflag:s16] =	ssyncset.done $0x0  }
.Ltmp6:
0xd2: {  	[sflag:s16] =	ssyncadd.s32 $0xFFFF3A80;
	(pc) =	sbr.rel @p0 .LBB2_1-.Ltmp6, $4  }
0xd3: {  	[hbm4b:s13+s4] =	stream.linear.scatter [tilespmem:s15], [sflag:$0x3], $0xC580, $0x38;
	[tilespmem:$0x1E500] =	vst v63  }
0xd4: {  	_ =	swait.ge [sflag:s16], $0xC580  }
0xd5: {  	[sflag:s16] =	ssyncset.done $0x0  }
0xd6: {  	[sflag:s16] =	ssyncadd.s32 $0xFFFF3A80  }
0xd7: {  	_ =	sfence.sel $0x180000  }
0xd8: {  	[bflag:$0x0] =	sbarrier.arrive $0xFFFF  }
0xd9: {  	_ =	strace $0x90000047  }
0xda: {  	[bflag:$0x2] =	sbarrier.arrive $0xFFFF  }
0xdb: {  	p0 =	sne.s32 s0, $0x0;
	s0 =	rddreg [dreg:$0x3]  }
0xdc: {  	s0 =	sadd.s32 @!p0 $0x100000, s0  }
0xdd: {  	[sflag:s0] =	ssyncadd.tile.s32 @!p0 $0x1;
	_ =	shalt  }
.Lfunc_end2:
_tile_overlayer_lowered:
.L_overlay_start_2:
0xde: {  	(tag) =	ssettag $0x2  }
0xdf: {  	s0 =	rddreg [dreg:$0x0];
	s2 =	stileid.u32  }
0xe0: {  	s1 =	rddreg [dreg:$0x1];
	p0 =	sne.s32 s2, $0x0  }
0xe1: {  	s3 =	rddreg [dreg:$0x2];
	[bflag:$0x3] =	sbarrier.arrive $0xFFFF;
	s2 =	simm.s32 @!p0 $0x1C03  }
0xe2: {  	[timem:s3], [sflag:s2] =	dma.local @!p0 [hbm:s0], s1  }
0xe3: {  	s0 =	simm.s32 @!p0 $0x3  }
0xe4: {  	_ =	swait.ge @!p0 [sflag:s0], s1  }
0xe5: {  	s1 =	ssub.s32 @!p0 $0x0, s1;
	[sflag:s0] =	ssyncset.done @!p0 $0x0  }
0xe6: {  	[sflag:s0] =	ssyncadd.s32 @!p0 s1  }
0xe7: {  	[bflag:$0x3] =	sbarrier.arrive $0xFFFF  }
0xe8: {  	_ =	shalt  }

</sc_bundles>
